<compile_context>
chip_gen: v7x
topology: tpu7x:2x2x1
jax: 0.10.2.dev20260603
libtpu: 0.0.44.dev20260713+nightly
codegen_flags: <defaults>
</compile_context>

<pallas_src>
import functools

import jax
import jax.numpy as jnp
from jax import lax
from jax.experimental import pallas as pl
from jax.experimental.pallas import tpu as pltpu
from jax.experimental.pallas import tpu_sc as plsc

VOCAB = 100000
NODE_DIM = 128
MAX_BOND = 16

_ROWS_PER_BLOCK = 8192
_NC = 2
_NS = 16
_NW = _NC * _NS
_CHUNK = 128


def _pack_body(emb_ref, mt_ref, oht_ref, w_ref, b_ref, ec_ref, p_ref):
    i = pl.program_id(0)
    dn = (((0,), (0,)), ((), ()))
    c = lax.dot_general(mt_ref[...], w_ref[...], dn,
                        preferred_element_type=jnp.float32) + b_ref[...]
    half = jnp.uint32(0x8000)
    eu = (lax.bitcast_convert_type(emb_ref[...], jnp.uint32) + half) >> 16
    cu = (lax.bitcast_convert_type(c, jnp.uint32) + half) & jnp.uint32(0xFFFF0000)
    ec_ref[...] = lax.bitcast_convert_type(eu | cu, jnp.float32)

    @pl.when(i == 0)
    def _():
        p_ref[...] = lax.dot_general(oht_ref[...], w_ref[...], dn,
                                     preferred_element_type=jnp.float32)


def _pack_tables(emb, mt, oht, w, b2, cpad):
    grid = cpad // _ROWS_PER_BLOCK
    return pl.pallas_call(
        _pack_body,
        grid=(grid,),
        in_specs=[
            pl.BlockSpec((_ROWS_PER_BLOCK, NODE_DIM), lambda i: (i, 0)),
            pl.BlockSpec((MAX_BOND, _ROWS_PER_BLOCK), lambda i: (0, i)),
            pl.BlockSpec((MAX_BOND, 24), lambda i: (0, 0)),
            pl.BlockSpec((MAX_BOND, NODE_DIM), lambda i: (0, 0)),
            pl.BlockSpec((1, NODE_DIM), lambda i: (0, 0)),
        ],
        out_specs=[
            pl.BlockSpec((_ROWS_PER_BLOCK, NODE_DIM), lambda i: (i, 0)),
            pl.BlockSpec((24, NODE_DIM), lambda i: (0, 0)),
        ],
        out_shape=[
            jax.ShapeDtypeStruct((cpad, NODE_DIM), jnp.float32),
            jax.ShapeDtypeStruct((24, NODE_DIM), jnp.float32),
        ],
    )(emb, mt, oht, w, b2)


def _make_sc_kernel(n):
    per_w = n // _NW
    nchunks = per_w // _CHUNK
    mesh = plsc.VectorSubcoreMesh(core_axis_name="c", subcore_axis_name="s",
                                  num_cores=_NC, num_subcores=_NS)

    @functools.partial(
        pl.kernel,
        out_type=jax.ShapeDtypeStruct((n, NODE_DIM), jnp.float32),
        mesh=mesh,
        compiler_params=pltpu.CompilerParams(needs_layout_passes=False,
                                             use_tc_tiling_on_sc=True),
        scratch_types=[
            pltpu.VMEM((per_w,), jnp.int32),
            pltpu.VMEM((per_w,), jnp.int32),
            pltpu.VMEM((2, _CHUNK, NODE_DIM), jnp.float32),
            pltpu.VMEM((2, _CHUNK, NODE_DIM), jnp.float32),
            pltpu.VMEM((24 * NODE_DIM,), jnp.float32),
            pltpu.SemaphoreType.DMA,
            pltpu.SemaphoreType.DMA,
            pltpu.SemaphoreType.DMA,
        ],
    )
    def sc_kernel(idx_hbm, rbp_hbm, ec_hbm, p_hbm, out_hbm,
                  idx_v, rbp_v, gbuf, obuf, pbuf, sem_g, sem_o0, sem_o1):
        wid = lax.axis_index("s") * _NC + lax.axis_index("c")
        w0 = wid * per_w
        sem_o = [sem_o0, sem_o1]
        c1 = pltpu.async_copy(idx_hbm.at[pl.ds(w0, per_w)], idx_v, sem_o0)
        c2 = pltpu.async_copy(rbp_hbm.at[pl.ds(w0, per_w)], rbp_v, sem_o1)
        c3 = pltpu.async_copy(p_hbm, pbuf, sem_g)
        c1.wait()
        c2.wait()
        c3.wait()
        cols = [lax.iota(jnp.int32, 16) + c * 16 for c in range(NODE_DIM // 16)]

        def stage(k, s):
            ii = idx_v.at[pl.ds(k * _CHUNK, _CHUNK)]
            pltpu.async_copy(ec_hbm.at[ii], gbuf.at[s], sem_g)

        def wait_gather(s):
            ii = idx_v.at[pl.ds(0, _CHUNK)]
            pltpu.make_async_copy(ec_hbm.at[ii], gbuf.at[s], sem_g).wait()

        def wait_writeback(s):
            pltpu.make_async_copy(
                obuf.at[s], out_hbm.at[pl.ds(w0, _CHUNK)], sem_o[s]).wait()

        def compute(k, s):
            kc = k * _CHUNK

            @plsc.parallel_loop(0, _CHUNK, unroll=8)
            def _(t):
                rsp = plsc.load_gather(rbp_v, [jnp.full((16,), kc + t, jnp.int32)])
                rb = rsp * NODE_DIM
                for g in range(NODE_DIM // 16):
                    ecw = gbuf[s, t, pl.ds(g * 16, 16)]
                    ev, cv = plsc.unpack(
                        plsc.bitcast(ecw, jnp.bfloat16),
                        format=plsc.PackFormat.INTERLEAVED,
                        preferred_element_type=jnp.float32)
                    pv = plsc.load_gather(pbuf, [rb + cols[g]])
                    obuf[s, t, pl.ds(g * 16, 16)] = ev * (cv + pv)

        stage(0, 0)

        @pl.loop(0, nchunks, step=2)
        def _(g):
            for b in range(2):
                k = g + b
                s = b
                o = 1 - b

                wait_gather(s)

                @pl.when(k + 1 < nchunks)
                def _():
                    @pl.when(k >= 1)
                    def _():
                        wait_writeback(o)

                    stage(k + 1, o)

                compute(k, s)
                pltpu.async_copy(
                    obuf.at[s], out_hbm.at[pl.ds(w0 + k * _CHUNK, _CHUNK)],
                    sem_o[s])

        wait_writeback((nchunks - 2) % 2)
        wait_writeback((nchunks - 1) % 2)

    return sc_kernel


def kernel(idx, root_bond_pos, embedding, bond_pos_tensors, one_hot_pos,
           W_root, b_root):
    b, l = idx.shape
    n = b * l
    idx_f = jnp.swapaxes(idx, 0, 1).reshape(n).astype(jnp.int32)
    rbp_f = jnp.swapaxes(root_bond_pos, 0, 1).reshape(n).astype(jnp.int32)

    cpad = ((bond_pos_tensors.shape[0] + _ROWS_PER_BLOCK - 1)
            // _ROWS_PER_BLOCK) * _ROWS_PER_BLOCK
    mt = bond_pos_tensors.T
    oht = jnp.pad(one_hot_pos.T, ((0, 0), (0, 24 - one_hot_pos.shape[0])))
    ec, p = _pack_tables(embedding, mt, oht, W_root.astype(jnp.float32),
                         b_root.reshape(1, NODE_DIM).astype(jnp.float32),
                         cpad)

    out = _make_sc_kernel(n)(idx_f, rbp_f, ec, p.reshape(-1))
    return jnp.swapaxes(out.reshape(l, b, NODE_DIM), 0, 1)

# --- scband reference (transcript-rebuilt; emitter-appended) ---
"""Pipeline reference for scband-frag-embeddings-64622077935694 (READ-ONLY COPY).

The authoritative reference and input builder live on the scoring server;
editing this copy changes nothing except your own understanding.
"""

import jax, jax.numpy as jnp
import numpy as np

VOCAB = 100000
NODE_DIM = 128
MAX_BOND = 16
B = 4096
L = 50


def setup_inputs(seed: int = 0) -> dict:
    key = jax.random.key(seed)
    k1, k2, k3, k4, k5, k6 = jax.random.split(key, 6)
    idx = jax.random.randint(k1, (B, L), 0, VOCAB)
    root_bond_pos = jax.random.randint(k2, (B, L), 0, MAX_BOND)
    # learned embedding table
    embedding = jax.random.normal(k3, (VOCAB, NODE_DIM), dtype=jnp.float32)
    # bond_pos_tensor passed to __init__: [vocab_size + 1, max_bond_cnt]
    bond_pos_tensors = jax.random.uniform(k4, (VOCAB + 1, MAX_BOND), dtype=jnp.float32)
    # one_hot_pos buffer: eye(max_bond_cnt) with an extra zero row -> [max_bond_cnt+1, max_bond_cnt]
    one_hot_pos = jnp.concatenate(
        [jnp.eye(MAX_BOND, dtype=jnp.float32), jnp.zeros((1, MAX_BOND), dtype=jnp.float32)], axis=0
    )
    # root_bond_pos_project: Linear(max_bond_cnt -> node_dim)
    W_root = jax.random.normal(k5, (MAX_BOND, NODE_DIM), dtype=jnp.float32) / np.sqrt(MAX_BOND)
    b_root = jax.random.normal(k6, (NODE_DIM,), dtype=jnp.float32) * 0.01
    return {
        "idx": idx,
        "root_bond_pos": root_bond_pos,
        "embedding": embedding,
        "bond_pos_tensors": bond_pos_tensors,
        "one_hot_pos": one_hot_pos,
        "W_root": W_root,
        "b_root": b_root,
    }


def reference(idx, root_bond_pos, embedding, bond_pos_tensors, one_hot_pos, W_root, b_root):
    # calc_embed(idx, root_bond_pos)
    one_hot = jnp.take(bond_pos_tensors, idx, axis=0)  # [B, L, MAX_BOND]
    one_hot = one_hot + jnp.take(one_hot_pos, root_bond_pos, axis=0)
    w = jnp.dot(one_hot, W_root) + b_root  # Linear(max_bond_cnt -> node_dim)
    embed = jnp.take(embedding, idx, axis=0)  # [B, L, NODE_DIM]
    return embed * w

if __name__ == "__main__":
    import jax
    _d = setup_inputs()
    print(jax.jit(kernel)(*tuple(_d.values())))

</pallas_src>

<mosaic_0001>
#map = affine_map<(d0, d1) -> (0)>
#map1 = affine_map<(d0, d1) -> (0, 0)>
module attributes {stable_mosaic.version = 14 : i64} {
  func.func @sc_kernel(%arg0: i32, %arg1: i32, %arg2: memref<204800xi32, #tpu.memory_space<hbm>>, %arg3: memref<204800xi32, #tpu.memory_space<hbm>>, %arg4: memref<106496x128xf32, #tpu.memory_space<hbm>>, %arg5: memref<3072xf32, #tpu.memory_space<hbm>>, %arg6: memref<204800x128xf32, #tpu.memory_space<hbm>>, %arg7: memref<6400xi32, #tpu.memory_space<vmem>>, %arg8: memref<6400xi32, #tpu.memory_space<vmem>>, %arg9: memref<2x128x128xf32, #tpu.memory_space<vmem>>, %arg10: memref<2x128x128xf32, #tpu.memory_space<vmem>>, %arg11: memref<3072xf32, #tpu.memory_space<vmem>>, %arg12: memref<!tpu.dma_semaphore, #tpu.memory_space<semaphore_mem>>, %arg13: memref<!tpu.dma_semaphore, #tpu.memory_space<semaphore_mem>>, %arg14: memref<!tpu.dma_semaphore, #tpu.memory_space<semaphore_mem>>) attributes {dimension_semantics = [#tpu.dimension_semantics<core_parallel>, #tpu.dimension_semantics<subcore_parallel>], iteration_bounds = array<i64: 2, 16>, scalar_prefetch = 0 : i64, scratch_operands = 8 : i64, tpu.core_type = #tpu.core_type<sc_vector_subcore>, window_params = [{transform_indices = #map}, {transform_indices = #map}, {transform_indices = #map1}, {transform_indices = #map}, {transform_indices = #map1}]} {
    %mul3A = arith.constant 2 : i32
    %mul3A_0 = arith.muli %arg1, %mul3A : i32
    %add3A = arith.addi %mul3A_0, %arg0 : i32
    %mul3A_1 = arith.constant 6400 : i32
    %mul3A_2 = arith.muli %add3A, %mul3A_1 : i32
    %dma_start3A = tpu.memref_slice %arg2[%mul3A_2] : memref<204800xi32, #tpu.memory_space<hbm>> -> memref<6400xi32, #tpu.memory_space<hbm>>
    %dma_start3A_3 = tpu.memref_slice %arg2[%mul3A_2] : memref<204800xi32, #tpu.memory_space<hbm>> -> memref<6400xi32, #tpu.memory_space<hbm>>
    tpu.enqueue_dma source(%dma_start3A_3 : memref<6400xi32, #tpu.memory_space<hbm>>) target(%arg7 : memref<6400xi32, #tpu.memory_space<vmem>>) target_semaphore(%arg13 : memref<!tpu.dma_semaphore, #tpu.memory_space<semaphore_mem>>)
    %dma_start3A_4 = tpu.memref_slice %arg3[%mul3A_2] : memref<204800xi32, #tpu.memory_space<hbm>> -> memref<6400xi32, #tpu.memory_space<hbm>>
    %dma_start3A_5 = tpu.memref_slice %arg3[%mul3A_2] : memref<204800xi32, #tpu.memory_space<hbm>> -> memref<6400xi32, #tpu.memory_space<hbm>>
    tpu.enqueue_dma source(%dma_start3A_5 : memref<6400xi32, #tpu.memory_space<hbm>>) target(%arg8 : memref<6400xi32, #tpu.memory_space<vmem>>) target_semaphore(%arg14 : memref<!tpu.dma_semaphore, #tpu.memory_space<semaphore_mem>>)
    tpu.enqueue_dma source(%arg5 : memref<3072xf32, #tpu.memory_space<hbm>>) target(%arg11 : memref<3072xf32, #tpu.memory_space<vmem>>) target_semaphore(%arg12 : memref<!tpu.dma_semaphore, #tpu.memory_space<semaphore_mem>>)
    %dma_wait3A = tpu.memref_slice %arg2[%mul3A_2] : memref<204800xi32, #tpu.memory_space<hbm>> -> memref<6400xi32, #tpu.memory_space<hbm>>
    %dma_wait3A_6 = tpu.memref_slice %arg2[%mul3A_2] : memref<204800xi32, #tpu.memory_space<hbm>> -> memref<6400xi32, #tpu.memory_space<hbm>>
    tpu.wait_dma2 semaphore(%arg13 : memref<!tpu.dma_semaphore, #tpu.memory_space<semaphore_mem>>) src(%dma_wait3A_6 : memref<6400xi32, #tpu.memory_space<hbm>>) dst(%arg7 : memref<6400xi32, #tpu.memory_space<vmem>>)
    %dma_wait3A_7 = tpu.memref_slice %arg3[%mul3A_2] : memref<204800xi32, #tpu.memory_space<hbm>> -> memref<6400xi32, #tpu.memory_space<hbm>>
    %dma_wait3A_8 = tpu.memref_slice %arg3[%mul3A_2] : memref<204800xi32, #tpu.memory_space<hbm>> -> memref<6400xi32, #tpu.memory_space<hbm>>
    tpu.wait_dma2 semaphore(%arg14 : memref<!tpu.dma_semaphore, #tpu.memory_space<semaphore_mem>>) src(%dma_wait3A_8 : memref<6400xi32, #tpu.memory_space<hbm>>) dst(%arg8 : memref<6400xi32, #tpu.memory_space<vmem>>)
    tpu.wait_dma2 semaphore(%arg12 : memref<!tpu.dma_semaphore, #tpu.memory_space<semaphore_mem>>) src(%arg5 : memref<3072xf32, #tpu.memory_space<hbm>>) dst(%arg11 : memref<3072xf32, #tpu.memory_space<vmem>>)
    %iota3A = tpu.iota {dimensions = array<i32: 0>} : vector<16xi32>
    %add3A_9 = arith.constant 0 : i32
    %add3A_10 = vector.broadcast %add3A_9 : i32 to vector<16xi32>
    %add3A_11 = arith.addi %iota3A, %add3A_10 : vector<16xi32>
    %iota3A_12 = tpu.iota {dimensions = array<i32: 0>} : vector<16xi32>
    %add3A_13 = arith.constant 16 : i32
    %add3A_14 = vector.broadcast %add3A_13 : i32 to vector<16xi32>
    %add3A_15 = arith.addi %iota3A_12, %add3A_14 : vector<16xi32>
    %iota3A_16 = tpu.iota {dimensions = array<i32: 0>} : vector<16xi32>
    %add3A_17 = arith.constant 32 : i32
    %add3A_18 = vector.broadcast %add3A_17 : i32 to vector<16xi32>
    %add3A_19 = arith.addi %iota3A_16, %add3A_18 : vector<16xi32>
    %iota3A_20 = tpu.iota {dimensions = array<i32: 0>} : vector<16xi32>
    %add3A_21 = arith.constant 48 : i32
    %add3A_22 = vector.broadcast %add3A_21 : i32 to vector<16xi32>
    %add3A_23 = arith.addi %iota3A_20, %add3A_22 : vector<16xi32>
    %iota3A_24 = tpu.iota {dimensions = array<i32: 0>} : vector<16xi32>
    %add3A_25 = arith.constant 64 : i32
    %add3A_26 = vector.broadcast %add3A_25 : i32 to vector<16xi32>
    %add3A_27 = arith.addi %iota3A_24, %add3A_26 : vector<16xi32>
    %iota3A_28 = tpu.iota {dimensions = array<i32: 0>} : vector<16xi32>
    %add3A_29 = arith.constant 80 : i32
    %add3A_30 = vector.broadcast %add3A_29 : i32 to vector<16xi32>
    %add3A_31 = arith.addi %iota3A_28, %add3A_30 : vector<16xi32>
    %iota3A_32 = tpu.iota {dimensions = array<i32: 0>} : vector<16xi32>
    %add3A_33 = arith.constant 96 : i32
    %add3A_34 = vector.broadcast %add3A_33 : i32 to vector<16xi32>
    %add3A_35 = arith.addi %iota3A_32, %add3A_34 : vector<16xi32>
    %iota3A_36 = tpu.iota {dimensions = array<i32: 0>} : vector<16xi32>
    %add3A_37 = arith.constant 112 : i32
    %add3A_38 = vector.broadcast %add3A_37 : i32 to vector<16xi32>
    %add3A_39 = arith.addi %iota3A_36, %add3A_38 : vector<16xi32>
    %dma_start3A_40 = arith.constant 0 : i32
    %dma_start3A_41 = arith.constant 0 : i32
    %dma_start3A_42 = arith.constant 0 : i32
    %dma_start3A_43 = tpu.memref_slice %arg9[%dma_start3A_40, %dma_start3A_41, %dma_start3A_42] : memref<2x128x128xf32, #tpu.memory_space<vmem>> -> memref<1x128x128xf32, #tpu.memory_space<vmem>>
    %dma_start3A_44 = tpu.memref_squeeze %dma_start3A_43 : memref<1x128x128xf32, #tpu.memory_space<vmem>> -> memref<128x128xf32, #tpu.memory_space<vmem>>
    %dma_start3A_45 = arith.constant 0 : i32
    %dma_start3A_46 = tpu.memref_slice %arg7[%dma_start3A_45] : memref<6400xi32, #tpu.memory_space<vmem>> -> memref<128xi32, #tpu.memory_space<vmem>>
    %dma_start3A_47 = arith.constant 0 : i32
    %dma_start3A_48 = arith.constant 0 : i32
    %dma_start3A_49 = tpu.memref_slice %arg4[%dma_start3A_47, %dma_start3A_48] : memref<106496x128xf32, #tpu.memory_space<hbm>> -> memref<106496x128xf32, #tpu.memory_space<hbm>>
    tpu.enqueue_indirect_dma source(%dma_start3A_49 : memref<106496x128xf32, #tpu.memory_space<hbm>>) target(%dma_start3A_44 : memref<128x128xf32, #tpu.memory_space<vmem>>) offsets(%dma_start3A_46 : memref<128xi32, #tpu.memory_space<vmem>>) semaphore(%arg12 : memref<!tpu.dma_semaphore, #tpu.memory_space<semaphore_mem>>)
    %scan3A = arith.constant 0 : i32
    %scan3A_50 = arith.constant 25 : i32
    %scan3A_51 = arith.addi %scan3A, %scan3A_50 : i32
    %scan3A_52 = arith.constant 1 : i32
    scf.for %scan3A_80 = %scan3A to %scan3A_51 step %scan3A_52  : i32 {
      %mul3A_81 = arith.constant 2 : i32
      %mul3A_82 = arith.muli %scan3A_80, %mul3A_81 : i32
      %add3A_83 = arith.constant 0 : i32
      %add3A_84 = arith.addi %add3A_83, %mul3A_82 : i32
      %add3A_85 = arith.constant 0 : i32
      %add3A_86 = arith.addi %add3A_84, %add3A_85 : i32
      %dma_wait3A_87 = arith.constant 0 : i32
      %dma_wait3A_88 = arith.constant 0 : i32
      %dma_wait3A_89 = arith.constant 0 : i32
      %dma_wait3A_90 = tpu.memref_slice %arg9[%dma_wait3A_87, %dma_wait3A_88, %dma_wait3A_89] : memref<2x128x128xf32, #tpu.memory_space<vmem>> -> memref<1x128x128xf32, #tpu.memory_space<vmem>>
      %dma_wait3A_91 = tpu.memref_squeeze %dma_wait3A_90 : memref<1x128x128xf32, #tpu.memory_space<vmem>> -> memref<128x128xf32, #tpu.memory_space<vmem>>
      %dma_wait3A_92 = arith.constant 0 : i32
      %dma_wait3A_93 = tpu.memref_slice %arg7[%dma_wait3A_92] : memref<6400xi32, #tpu.memory_space<vmem>> -> memref<128xi32, #tpu.memory_space<vmem>>
      %dma_wait3A_94 = arith.constant 0 : i32
      %dma_wait3A_95 = arith.constant 0 : i32
      %dma_wait3A_96 = tpu.memref_slice %arg4[%dma_wait3A_94, %dma_wait3A_95] : memref<106496x128xf32, #tpu.memory_space<hbm>> -> memref<106496x128xf32, #tpu.memory_space<hbm>>
      tpu.wait_indirect_dma semaphore(%arg12 : memref<!tpu.dma_semaphore, #tpu.memory_space<semaphore_mem>>) src(%dma_wait3A_96 : memref<106496x128xf32, #tpu.memory_space<hbm>>) dst(%dma_wait3A_91 : memref<128x128xf32, #tpu.memory_space<vmem>>)
      %add3A_97 = arith.constant 1 : i32
      %add3A_98 = arith.addi %add3A_86, %add3A_97 : i32
      %lt3A = arith.constant 50 : i32
      %lt3A_99 = arith.cmpi slt, %add3A_98, %lt3A : i32
      %convert_element_type3A = arith.extui %lt3A_99 : i1 to i32
      %cond3A = arith.constant 0 : i32
      %cond3A_100 = arith.cmpi ne, %convert_element_type3A, %cond3A : i32
      scf.if %cond3A_100 {
        %ge3A = arith.constant 1 : i32
        %ge3A_161 = arith.cmpi sge, %add3A_86, %ge3A : i32
        %convert_element_type3A_162 = arith.extui %ge3A_161 : i1 to i32
        %cond3A_163 = arith.constant 0 : i32
        %cond3A_164 = arith.cmpi ne, %convert_element_type3A_162, %cond3A_163 : i32
        scf.if %cond3A_164 {
          %dma_wait3A_178 = arith.constant 1 : i32
          %dma_wait3A_179 = arith.constant 0 : i32
          %dma_wait3A_180 = arith.constant 0 : i32
          %dma_wait3A_181 = tpu.memref_slice %arg10[%dma_wait3A_178, %dma_wait3A_179, %dma_wait3A_180] : memref<2x128x128xf32, #tpu.memory_space<vmem>> -> memref<1x128x128xf32, #tpu.memory_space<vmem>>
          %dma_wait3A_182 = tpu.memref_squeeze %dma_wait3A_181 : memref<1x128x128xf32, #tpu.memory_space<vmem>> -> memref<128x128xf32, #tpu.memory_space<vmem>>
          %dma_wait3A_183 = arith.constant 0 : i32
          %dma_wait3A_184 = tpu.memref_slice %arg6[%mul3A_2, %dma_wait3A_183] : memref<204800x128xf32, #tpu.memory_space<hbm>> -> memref<128x128xf32, #tpu.memory_space<hbm>>
          %dma_wait3A_185 = arith.constant 0 : i32
          %dma_wait3A_186 = tpu.memref_slice %arg6[%mul3A_2, %dma_wait3A_185] : memref<204800x128xf32, #tpu.memory_space<hbm>> -> memref<128x128xf32, #tpu.memory_space<hbm>>
          %dma_wait3A_187 = arith.constant 0 : i32
          %dma_wait3A_188 = arith.constant 0 : i32
          %dma_wait3A_189 = tpu.memref_slice %arg10[%dma_wait3A_178, %dma_wait3A_187, %dma_wait3A_188] : memref<2x128x128xf32, #tpu.memory_space<vmem>> -> memref<1x128x128xf32, #tpu.memory_space<vmem>>
          %dma_wait3A_190 = tpu.memref_squeeze %dma_wait3A_189 : memref<1x128x128xf32, #tpu.memory_space<vmem>> -> memref<128x128xf32, #tpu.memory_space<vmem>>
          tpu.wait_dma2 semaphore(%arg14 : memref<!tpu.dma_semaphore, #tpu.memory_space<semaphore_mem>>) src(%dma_wait3A_190 : memref<128x128xf32, #tpu.memory_space<vmem>>) dst(%dma_wait3A_186 : memref<128x128xf32, #tpu.memory_space<hbm>>)
        } else {
        }
        %add3A_165 = arith.constant 1 : i32
        %add3A_166 = arith.addi %add3A_86, %add3A_165 : i32
        %mul3A_167 = arith.constant 128 : i32
        %mul3A_168 = arith.muli %add3A_166, %mul3A_167 : i32
        %dma_start3A_169 = arith.constant 1 : i32
        %dma_start3A_170 = arith.constant 0 : i32
        %dma_start3A_171 = arith.constant 0 : i32
        %dma_start3A_172 = tpu.memref_slice %arg9[%dma_start3A_169, %dma_start3A_170, %dma_start3A_171] : memref<2x128x128xf32, #tpu.memory_space<vmem>> -> memref<1x128x128xf32, #tpu.memory_space<vmem>>
        %dma_start3A_173 = tpu.memref_squeeze %dma_start3A_172 : memref<1x128x128xf32, #tpu.memory_space<vmem>> -> memref<128x128xf32, #tpu.memory_space<vmem>>
        %dma_start3A_174 = tpu.memref_slice %arg7[%mul3A_168] : memref<6400xi32, #tpu.memory_space<vmem>> -> memref<128xi32, #tpu.memory_space<vmem>>
        %dma_start3A_175 = arith.constant 0 : i32
        %dma_start3A_176 = arith.constant 0 : i32
        %dma_start3A_177 = tpu.memref_slice %arg4[%dma_start3A_175, %dma_start3A_176] : memref<106496x128xf32, #tpu.memory_space<hbm>> -> memref<106496x128xf32, #tpu.memory_space<hbm>>
        tpu.enqueue_indirect_dma source(%dma_start3A_177 : memref<106496x128xf32, #tpu.memory_space<hbm>>) target(%dma_start3A_173 : memref<128x128xf32, #tpu.memory_space<vmem>>) offsets(%dma_start3A_174 : memref<128xi32, #tpu.memory_space<vmem>>) semaphore(%arg12 : memref<!tpu.dma_semaphore, #tpu.memory_space<semaphore_mem>>)
      } else {
      }
      %mul3A_101 = arith.constant 128 : i32
      %mul3A_102 = arith.muli %add3A_86, %mul3A_101 : i32
      %parallel_loop3A = arith.constant 0 : i32
      %parallel_loop3A_103 = arith.constant 128 : i32
      %parallel_loop3A_104 = arith.constant 1 : i32
      scf.for %parallel_loop3A_161 = %parallel_loop3A to %parallel_loop3A_103 step %parallel_loop3A_104  : i32 {
        %parallel_loop3A_162 = arith.addi %mul3A_102, %parallel_loop3A_161 : i32
        %parallel_loop3A_163 = vector.broadcast %parallel_loop3A_162 : i32 to vector<16xi32>
        %parallel_loop3A_164 = tpu.vector_load_idx %arg8[%parallel_loop3A_163] : memref<6400xi32, #tpu.memory_space<vmem>>[vector<16xi32>], vector<16xi32>,
        %parallel_loop3A_165 = arith.constant 128 : i32
        %parallel_loop3A_166 = vector.broadcast %parallel_loop3A_165 : i32 to vector<16xi32>
        %parallel_loop3A_167 = arith.muli %parallel_loop3A_164, %parallel_loop3A_166 : vector<16xi32>
        %parallel_loop3A_168 = arith.constant 0 : i32
        %parallel_loop3A_169 = arith.index_cast %parallel_loop3A_168 : i32 to index
        %parallel_loop3A_170 = arith.index_cast %parallel_loop3A_161 : i32 to index
        %parallel_loop3A_171 = arith.constant 0 : index
        %parallel_loop3A_172 = tpu.vector_load %arg9[%parallel_loop3A_169, %parallel_loop3A_170, %parallel_loop3A_171] {strides = array<i32>} : memref<2x128x128xf32, #tpu.memory_space<vmem>>, vector<16xf32>,
        %parallel_loop3A_173 = vector.bitcast %parallel_loop3A_172 : vector<16xf32> to vector<32xbf16>
        %parallel_loop3A_174 = tpu.unpack_subelements %parallel_loop3A_173, 0 {pack_format = #tpu.pack_format<interleaved>} : vector<32xbf16> -> vector<16xf32>
        %parallel_loop3A_175 = tpu.unpack_subelements %parallel_loop3A_173, 1 {pack_format = #tpu.pack_format<interleaved>} : vector<32xbf16> -> vector<16xf32>
        %parallel_loop3A_176 = arith.addi %parallel_loop3A_167, %add3A_11 : vector<16xi32>
        %parallel_loop3A_177 = tpu.vector_load_idx %arg11[%parallel_loop3A_176] : memref<3072xf32, #tpu.memory_space<vmem>>[vector<16xi32>], vector<16xf32>,
        %parallel_loop3A_178 = arith.addf %parallel_loop3A_175, %parallel_loop3A_177 : vector<16xf32>
        %parallel_loop3A_179 = arith.mulf %parallel_loop3A_174, %parallel_loop3A_178 : vector<16xf32>
        %parallel_loop3A_180 = arith.constant 0 : i32
        %parallel_loop3A_181 = arith.index_cast %parallel_loop3A_180 : i32 to index
        %parallel_loop3A_182 = arith.index_cast %parallel_loop3A_161 : i32 to index
        %parallel_loop3A_183 = arith.constant 0 : index
        %parallel_loop3A_184 = tpu.vector_load %arg10[%parallel_loop3A_181, %parallel_loop3A_182, %parallel_loop3A_183] {strides = array<i32>} : memref<2x128x128xf32, #tpu.memory_space<vmem>>, vector<16xf32>,
        tpu.vector_store %arg10[%parallel_loop3A_181, %parallel_loop3A_182, %parallel_loop3A_183], %parallel_loop3A_179 {strides = array<i32>} : memref<2x128x128xf32, #tpu.memory_space<vmem>>, vector<16xf32>,
        %parallel_loop3A_185 = arith.constant 0 : i32
        %parallel_loop3A_186 = arith.index_cast %parallel_loop3A_185 : i32 to index
        %parallel_loop3A_187 = arith.index_cast %parallel_loop3A_161 : i32 to index
        %parallel_loop3A_188 = arith.constant 16 : index
        %parallel_loop3A_189 = tpu.vector_load %arg9[%parallel_loop3A_186, %parallel_loop3A_187, %parallel_loop3A_188] {strides = array<i32>} : memref<2x128x128xf32, #tpu.memory_space<vmem>>, vector<16xf32>,
        %parallel_loop3A_190 = vector.bitcast %parallel_loop3A_189 : vector<16xf32> to vector<32xbf16>
        %parallel_loop3A_191 = tpu.unpack_subelements %parallel_loop3A_190, 0 {pack_format = #tpu.pack_format<interleaved>} : vector<32xbf16> -> vector<16xf32>
        %parallel_loop3A_192 = tpu.unpack_subelements %parallel_loop3A_190, 1 {pack_format = #tpu.pack_format<interleaved>} : vector<32xbf16> -> vector<16xf32>
        %parallel_loop3A_193 = arith.addi %parallel_loop3A_167, %add3A_15 : vector<16xi32>
        %parallel_loop3A_194 = tpu.vector_load_idx %arg11[%parallel_loop3A_193] : memref<3072xf32, #tpu.memory_space<vmem>>[vector<16xi32>], vector<16xf32>,
        %parallel_loop3A_195 = arith.addf %parallel_loop3A_192, %parallel_loop3A_194 : vector<16xf32>
        %parallel_loop3A_196 = arith.mulf %parallel_loop3A_191, %parallel_loop3A_195 : vector<16xf32>
        %parallel_loop3A_197 = arith.constant 0 : i32
        %parallel_loop3A_198 = arith.index_cast %parallel_loop3A_197 : i32 to index
        %parallel_loop3A_199 = arith.index_cast %parallel_loop3A_161 : i32 to index
        %parallel_loop3A_200 = arith.constant 16 : index
        %parallel_loop3A_201 = tpu.vector_load %arg10[%parallel_loop3A_198, %parallel_loop3A_199, %parallel_loop3A_200] {strides = array<i32>} : memref<2x128x128xf32, #tpu.memory_space<vmem>>, vector<16xf32>,
        tpu.vector_store %arg10[%parallel_loop3A_198, %parallel_loop3A_199, %parallel_loop3A_200], %parallel_loop3A_196 {strides = array<i32>} : memref<2x128x128xf32, #tpu.memory_space<vmem>>, vector<16xf32>,
        %parallel_loop3A_202 = arith.constant 0 : i32
        %parallel_loop3A_203 = arith.index_cast %parallel_loop3A_202 : i32 to index
        %parallel_loop3A_204 = arith.index_cast %parallel_loop3A_161 : i32 to index
        %parallel_loop3A_205 = arith.constant 32 : index
        %parallel_loop3A_206 = tpu.vector_load %arg9[%parallel_loop3A_203, %parallel_loop3A_204, %parallel_loop3A_205] {strides = array<i32>} : memref<2x128x128xf32, #tpu.memory_space<vmem>>, vector<16xf32>,
        %parallel_loop3A_207 = vector.bitcast %parallel_loop3A_206 : vector<16xf32> to vector<32xbf16>
        %parallel_loop3A_208 = tpu.unpack_subelements %parallel_loop3A_207, 0 {pack_format = #tpu.pack_format<interleaved>} : vector<32xbf16> -> vector<16xf32>
        %parallel_loop3A_209 = tpu.unpack_subelements %parallel_loop3A_207, 1 {pack_format = #tpu.pack_format<interleaved>} : vector<32xbf16> -> vector<16xf32>
        %parallel_loop3A_210 = arith.addi %parallel_loop3A_167, %add3A_19 : vector<16xi32>
        %parallel_loop3A_211 = tpu.vector_load_idx %arg11[%parallel_loop3A_210] : memref<3072xf32, #tpu.memory_space<vmem>>[vector<16xi32>], vector<16xf32>,
        %parallel_loop3A_212 = arith.addf %parallel_loop3A_209, %parallel_loop3A_211 : vector<16xf32>
        %parallel_loop3A_213 = arith.mulf %parallel_loop3A_208, %parallel_loop3A_212 : vector<16xf32>
        %parallel_loop3A_214 = arith.constant 0 : i32
        %parallel_loop3A_215 = arith.index_cast %parallel_loop3A_214 : i32 to index
        %parallel_loop3A_216 = arith.index_cast %parallel_loop3A_161 : i32 to index
        %parallel_loop3A_217 = arith.constant 32 : index
        %parallel_loop3A_218 = tpu.vector_load %arg10[%parallel_loop3A_215, %parallel_loop3A_216, %parallel_loop3A_217] {strides = array<i32>} : memref<2x128x128xf32, #tpu.memory_space<vmem>>, vector<16xf32>,
        tpu.vector_store %arg10[%parallel_loop3A_215, %parallel_loop3A_216, %parallel_loop3A_217], %parallel_loop3A_213 {strides = array<i32>} : memref<2x128x128xf32, #tpu.memory_space<vmem>>, vector<16xf32>,
        %parallel_loop3A_219 = arith.constant 0 : i32
        %parallel_loop3A_220 = arith.index_cast %parallel_loop3A_219 : i32 to index
        %parallel_loop3A_221 = arith.index_cast %parallel_loop3A_161 : i32 to index
        %parallel_loop3A_222 = arith.constant 48 : index
        %parallel_loop3A_223 = tpu.vector_load %arg9[%parallel_loop3A_220, %parallel_loop3A_221, %parallel_loop3A_222] {strides = array<i32>} : memref<2x128x128xf32, #tpu.memory_space<vmem>>, vector<16xf32>,
        %parallel_loop3A_224 = vector.bitcast %parallel_loop3A_223 : vector<16xf32> to vector<32xbf16>
        %parallel_loop3A_225 = tpu.unpack_subelements %parallel_loop3A_224, 0 {pack_format = #tpu.pack_format<interleaved>} : vector<32xbf16> -> vector<16xf32>
        %parallel_loop3A_226 = tpu.unpack_subelements %parallel_loop3A_224, 1 {pack_format = #tpu.pack_format<interleaved>} : vector<32xbf16> -> vector<16xf32>
        %parallel_loop3A_227 = arith.addi %parallel_loop3A_167, %add3A_23 : vector<16xi32>
        %parallel_loop3A_228 = tpu.vector_load_idx %arg11[%parallel_loop3A_227] : memref<3072xf32, #tpu.memory_space<vmem>>[vector<16xi32>], vector<16xf32>,
        %parallel_loop3A_229 = arith.addf %parallel_loop3A_226, %parallel_loop3A_228 : vector<16xf32>
        %parallel_loop3A_230 = arith.mulf %parallel_loop3A_225, %parallel_loop3A_229 : vector<16xf32>
        %parallel_loop3A_231 = arith.constant 0 : i32
        %parallel_loop3A_232 = arith.index_cast %parallel_loop3A_231 : i32 to index
        %parallel_loop3A_233 = arith.index_cast %parallel_loop3A_161 : i32 to index
        %parallel_loop3A_234 = arith.constant 48 : index
        %parallel_loop3A_235 = tpu.vector_load %arg10[%parallel_loop3A_232, %parallel_loop3A_233, %parallel_loop3A_234] {strides = array<i32>} : memref<2x128x128xf32, #tpu.memory_space<vmem>>, vector<16xf32>,
        tpu.vector_store %arg10[%parallel_loop3A_232, %parallel_loop3A_233, %parallel_loop3A_234], %parallel_loop3A_230 {strides = array<i32>} : memref<2x128x128xf32, #tpu.memory_space<vmem>>, vector<16xf32>,
        %parallel_loop3A_236 = arith.constant 0 : i32
        %parallel_loop3A_237 = arith.index_cast %parallel_loop3A_236 : i32 to index
        %parallel_loop3A_238 = arith.index_cast %parallel_loop3A_161 : i32 to index
        %parallel_loop3A_239 = arith.constant 64 : index
        %parallel_loop3A_240 = tpu.vector_load %arg9[%parallel_loop3A_237, %parallel_loop3A_238, %parallel_loop3A_239] {strides = array<i32>} : memref<2x128x128xf32, #tpu.memory_space<vmem>>, vector<16xf32>,
        %parallel_loop3A_241 = vector.bitcast %parallel_loop3A_240 : vector<16xf32> to vector<32xbf16>
        %parallel_loop3A_242 = tpu.unpack_subelements %parallel_loop3A_241, 0 {pack_format = #tpu.pack_format<interleaved>} : vector<32xbf16> -> vector<16xf32>
        %parallel_loop3A_243 = tpu.unpack_subelements %parallel_loop3A_241, 1 {pack_format = #tpu.pack_format<interleaved>} : vector<32xbf16> -> vector<16xf32>
        %parallel_loop3A_244 = arith.addi %parallel_loop3A_167, %add3A_27 : vector<16xi32>
        %parallel_loop3A_245 = tpu.vector_load_idx %arg11[%parallel_loop3A_244] : memref<3072xf32, #tpu.memory_space<vmem>>[vector<16xi32>], vector<16xf32>,
        %parallel_loop3A_246 = arith.addf %parallel_loop3A_243, %parallel_loop3A_245 : vector<16xf32>
        %parallel_loop3A_247 = arith.mulf %parallel_loop3A_242, %parallel_loop3A_246 : vector<16xf32>
        %parallel_loop3A_248 = arith.constant 0 : i32
        %parallel_loop3A_249 = arith.index_cast %parallel_loop3A_248 : i32 to index
        %parallel_loop3A_250 = arith.index_cast %parallel_loop3A_161 : i32 to index
        %parallel_loop3A_251 = arith.constant 64 : index
        %parallel_loop3A_252 = tpu.vector_load %arg10[%parallel_loop3A_249, %parallel_loop3A_250, %parallel_loop3A_251] {strides = array<i32>} : memref<2x128x128xf32, #tpu.memory_space<vmem>>, vector<16xf32>,
        tpu.vector_store %arg10[%parallel_loop3A_249, %parallel_loop3A_250, %parallel_loop3A_251], %parallel_loop3A_247 {strides = array<i32>} : memref<2x128x128xf32, #tpu.memory_space<vmem>>, vector<16xf32>,
        %parallel_loop3A_253 = arith.constant 0 : i32
        %parallel_loop3A_254 = arith.index_cast %parallel_loop3A_253 : i32 to index
        %parallel_loop3A_255 = arith.index_cast %parallel_loop3A_161 : i32 to index
        %parallel_loop3A_256 = arith.constant 80 : index
        %parallel_loop3A_257 = tpu.vector_load %arg9[%parallel_loop3A_254, %parallel_loop3A_255, %parallel_loop3A_256] {strides = array<i32>} : memref<2x128x128xf32, #tpu.memory_space<vmem>>, vector<16xf32>,
        %parallel_loop3A_258 = vector.bitcast %parallel_loop3A_257 : vector<16xf32> to vector<32xbf16>
        %parallel_loop3A_259 = tpu.unpack_subelements %parallel_loop3A_258, 0 {pack_format = #tpu.pack_format<interleaved>} : vector<32xbf16> -> vector<16xf32>
        %parallel_loop3A_260 = tpu.unpack_subelements %parallel_loop3A_258, 1 {pack_format = #tpu.pack_format<interleaved>} : vector<32xbf16> -> vector<16xf32>
        %parallel_loop3A_261 = arith.addi %parallel_loop3A_167, %add3A_31 : vector<16xi32>
        %parallel_loop3A_262 = tpu.vector_load_idx %arg11[%parallel_loop3A_261] : memref<3072xf32, #tpu.memory_space<vmem>>[vector<16xi32>], vector<16xf32>,
        %parallel_loop3A_263 = arith.addf %parallel_loop3A_260, %parallel_loop3A_262 : vector<16xf32>
        %parallel_loop3A_264 = arith.mulf %parallel_loop3A_259, %parallel_loop3A_263 : vector<16xf32>
        %parallel_loop3A_265 = arith.constant 0 : i32
        %parallel_loop3A_266 = arith.index_cast %parallel_loop3A_265 : i32 to index
        %parallel_loop3A_267 = arith.index_cast %parallel_loop3A_161 : i32 to index
        %parallel_loop3A_268 = arith.constant 80 : index
        %parallel_loop3A_269 = tpu.vector_load %arg10[%parallel_loop3A_266, %parallel_loop3A_267, %parallel_loop3A_268] {strides = array<i32>} : memref<2x128x128xf32, #tpu.memory_space<vmem>>, vector<16xf32>,
        tpu.vector_store %arg10[%parallel_loop3A_266, %parallel_loop3A_267, %parallel_loop3A_268], %parallel_loop3A_264 {strides = array<i32>} : memref<2x128x128xf32, #tpu.memory_space<vmem>>, vector<16xf32>,
        %parallel_loop3A_270 = arith.constant 0 : i32
        %parallel_loop3A_271 = arith.index_cast %parallel_loop3A_270 : i32 to index
        %parallel_loop3A_272 = arith.index_cast %parallel_loop3A_161 : i32 to index
        %parallel_loop3A_273 = arith.constant 96 : index
        %parallel_loop3A_274 = tpu.vector_load %arg9[%parallel_loop3A_271, %parallel_loop3A_272, %parallel_loop3A_273] {strides = array<i32>} : memref<2x128x128xf32, #tpu.memory_space<vmem>>, vector<16xf32>,
        %parallel_loop3A_275 = vector.bitcast %parallel_loop3A_274 : vector<16xf32> to vector<32xbf16>
        %parallel_loop3A_276 = tpu.unpack_subelements %parallel_loop3A_275, 0 {pack_format = #tpu.pack_format<interleaved>} : vector<32xbf16> -> vector<16xf32>
        %parallel_loop3A_277 = tpu.unpack_subelements %parallel_loop3A_275, 1 {pack_format = #tpu.pack_format<interleaved>} : vector<32xbf16> -> vector<16xf32>
        %parallel_loop3A_278 = arith.addi %parallel_loop3A_167, %add3A_35 : vector<16xi32>
        %parallel_loop3A_279 = tpu.vector_load_idx %arg11[%parallel_loop3A_278] : memref<3072xf32, #tpu.memory_space<vmem>>[vector<16xi32>], vector<16xf32>,
        %parallel_loop3A_280 = arith.addf %parallel_loop3A_277, %parallel_loop3A_279 : vector<16xf32>
        %parallel_loop3A_281 = arith.mulf %parallel_loop3A_276, %parallel_loop3A_280 : vector<16xf32>
        %parallel_loop3A_282 = arith.constant 0 : i32
        %parallel_loop3A_283 = arith.index_cast %parallel_loop3A_282 : i32 to index
        %parallel_loop3A_284 = arith.index_cast %parallel_loop3A_161 : i32 to index
        %parallel_loop3A_285 = arith.constant 96 : index
        %parallel_loop3A_286 = tpu.vector_load %arg10[%parallel_loop3A_283, %parallel_loop3A_284, %parallel_loop3A_285] {strides = array<i32>} : memref<2x128x128xf32, #tpu.memory_space<vmem>>, vector<16xf32>,
        tpu.vector_store %arg10[%parallel_loop3A_283, %parallel_loop3A_284, %parallel_loop3A_285], %parallel_loop3A_281 {strides = array<i32>} : memref<2x128x128xf32, #tpu.memory_space<vmem>>, vector<16xf32>,
        %parallel_loop3A_287 = arith.constant 0 : i32
        %parallel_loop3A_288 = arith.index_cast %parallel_loop3A_287 : i32 to index
        %parallel_loop3A_289 = arith.index_cast %parallel_loop3A_161 : i32 to index
        %parallel_loop3A_290 = arith.constant 112 : index
        %parallel_loop3A_291 = tpu.vector_load %arg9[%parallel_loop3A_288, %parallel_loop3A_289, %parallel_loop3A_290] {strides = array<i32>} : memref<2x128x128xf32, #tpu.memory_space<vmem>>, vector<16xf32>,
        %parallel_loop3A_292 = vector.bitcast %parallel_loop3A_291 : vector<16xf32> to vector<32xbf16>
        %parallel_loop3A_293 = tpu.unpack_subelements %parallel_loop3A_292, 0 {pack_format = #tpu.pack_format<interleaved>} : vector<32xbf16> -> vector<16xf32>
        %parallel_loop3A_294 = tpu.unpack_subelements %parallel_loop3A_292, 1 {pack_format = #tpu.pack_format<interleaved>} : vector<32xbf16> -> vector<16xf32>
        %parallel_loop3A_295 = arith.addi %parallel_loop3A_167, %add3A_39 : vector<16xi32>
        %parallel_loop3A_296 = tpu.vector_load_idx %arg11[%parallel_loop3A_295] : memref<3072xf32, #tpu.memory_space<vmem>>[vector<16xi32>], vector<16xf32>,
        %parallel_loop3A_297 = arith.addf %parallel_loop3A_294, %parallel_loop3A_296 : vector<16xf32>
        %parallel_loop3A_298 = arith.mulf %parallel_loop3A_293, %parallel_loop3A_297 : vector<16xf32>
        %parallel_loop3A_299 = arith.constant 0 : i32
        %parallel_loop3A_300 = arith.index_cast %parallel_loop3A_299 : i32 to index
        %parallel_loop3A_301 = arith.index_cast %parallel_loop3A_161 : i32 to index
        %parallel_loop3A_302 = arith.constant 112 : index
        %parallel_loop3A_303 = tpu.vector_load %arg10[%parallel_loop3A_300, %parallel_loop3A_301, %parallel_loop3A_302] {strides = array<i32>} : memref<2x128x128xf32, #tpu.memory_space<vmem>>, vector<16xf32>,
        tpu.vector_store %arg10[%parallel_loop3A_300, %parallel_loop3A_301, %parallel_loop3A_302], %parallel_loop3A_298 {strides = array<i32>} : memref<2x128x128xf32, #tpu.memory_space<vmem>>, vector<16xf32>,
      } {sc.loop_unroll_factor = 8 : i64, sc.parallel_access}
      %mul3A_105 = arith.constant 128 : i32
      %mul3A_106 = arith.muli %add3A_86, %mul3A_105 : i32
      %add3A_107 = arith.addi %mul3A_2, %mul3A_106 : i32
      %dma_start3A_108 = arith.constant 0 : i32
      %dma_start3A_109 = arith.constant 0 : i32
      %dma_start3A_110 = arith.constant 0 : i32
      %dma_start3A_111 = tpu.memref_slice %arg10[%dma_start3A_108, %dma_start3A_109, %dma_start3A_110] : memref<2x128x128xf32, #tpu.memory_space<vmem>> -> memref<1x128x128xf32, #tpu.memory_space<vmem>>
      %dma_start3A_112 = tpu.memref_squeeze %dma_start3A_111 : memref<1x128x128xf32, #tpu.memory_space<vmem>> -> memref<128x128xf32, #tpu.memory_space<vmem>>
      %dma_start3A_113 = arith.constant 0 : i32
      %dma_start3A_114 = tpu.memref_slice %arg6[%add3A_107, %dma_start3A_113] : memref<204800x128xf32, #tpu.memory_space<hbm>> -> memref<128x128xf32, #tpu.memory_space<hbm>>
      %dma_start3A_115 = arith.constant 0 : i32
      %dma_start3A_116 = tpu.memref_slice %arg6[%add3A_107, %dma_start3A_115] : memref<204800x128xf32, #tpu.memory_space<hbm>> -> memref<128x128xf32, #tpu.memory_space<hbm>>
      %dma_start3A_117 = arith.constant 0 : i32
      %dma_start3A_118 = arith.constant 0 : i32
      %dma_start3A_119 = tpu.memref_slice %arg10[%dma_start3A_108, %dma_start3A_117, %dma_start3A_118] : memref<2x128x128xf32, #tpu.memory_space<vmem>> -> memref<1x128x128xf32, #tpu.memory_space<vmem>>
      %dma_start3A_120 = tpu.memref_squeeze %dma_start3A_119 : memref<1x128x128xf32, #tpu.memory_space<vmem>> -> memref<128x128xf32, #tpu.memory_space<vmem>>
      tpu.enqueue_dma source(%dma_start3A_120 : memref<128x128xf32, #tpu.memory_space<vmem>>) target(%dma_start3A_116 : memref<128x128xf32, #tpu.memory_space<hbm>>) target_semaphore(%arg13 : memref<!tpu.dma_semaphore, #tpu.memory_space<semaphore_mem>>)
      %add3A_121 = arith.constant 1 : i32
      %add3A_122 = arith.addi %add3A_84, %add3A_121 : i32
      %dma_wait3A_123 = arith.constant 1 : i32
      %dma_wait3A_124 = arith.constant 0 : i32
      %dma_wait3A_125 = arith.constant 0 : i32
      %dma_wait3A_126 = tpu.memref_slice %arg9[%dma_wait3A_123, %dma_wait3A_124, %dma_wait3A_125] : memref<2x128x128xf32, #tpu.memory_space<vmem>> -> memref<1x128x128xf32, #tpu.memory_space<vmem>>
      %dma_wait3A_127 = tpu.memref_squeeze %dma_wait3A_126 : memref<1x128x128xf32, #tpu.memory_space<vmem>> -> memref<128x128xf32, #tpu.memory_space<vmem>>
      %dma_wait3A_128 = arith.constant 0 : i32
      %dma_wait3A_129 = tpu.memref_slice %arg7[%dma_wait3A_128] : memref<6400xi32, #tpu.memory_space<vmem>> -> memref<128xi32, #tpu.memory_space<vmem>>
      %dma_wait3A_130 = arith.constant 0 : i32
      %dma_wait3A_131 = arith.constant 0 : i32
      %dma_wait3A_132 = tpu.memref_slice %arg4[%dma_wait3A_130, %dma_wait3A_131] : memref<106496x128xf32, #tpu.memory_space<hbm>> -> memref<106496x128xf32, #tpu.memory_space<hbm>>
      tpu.wait_indirect_dma semaphore(%arg12 : memref<!tpu.dma_semaphore, #tpu.memory_space<semaphore_mem>>) src(%dma_wait3A_132 : memref<106496x128xf32, #tpu.memory_space<hbm>>) dst(%dma_wait3A_127 : memref<128x128xf32, #tpu.memory_space<vmem>>)
      %add3A_133 = arith.constant 1 : i32
      %add3A_134 = arith.addi %add3A_122, %add3A_133 : i32
      %lt3A_135 = arith.constant 50 : i32
      %lt3A_136 = arith.cmpi slt, %add3A_134, %lt3A_135 : i32
      %convert_element_type3A_137 = arith.extui %lt3A_136 : i1 to i32
      %cond3A_138 = arith.constant 0 : i32
      %cond3A_139 = arith.cmpi ne, %convert_element_type3A_137, %cond3A_138 : i32
      scf.if %cond3A_139 {
        %ge3A = arith.constant 1 : i32
        %ge3A_161 = arith.cmpi sge, %add3A_122, %ge3A : i32
        %convert_element_type3A_162 = arith.extui %ge3A_161 : i1 to i32
        %cond3A_163 = arith.constant 0 : i32
        %cond3A_164 = arith.cmpi ne, %convert_element_type3A_162, %cond3A_163 : i32
        scf.if %cond3A_164 {
          %dma_wait3A_178 = arith.constant 0 : i32
          %dma_wait3A_179 = arith.constant 0 : i32
          %dma_wait3A_180 = arith.constant 0 : i32
          %dma_wait3A_181 = tpu.memref_slice %arg10[%dma_wait3A_178, %dma_wait3A_179, %dma_wait3A_180] : memref<2x128x128xf32, #tpu.memory_space<vmem>> -> memref<1x128x128xf32, #tpu.memory_space<vmem>>
          %dma_wait3A_182 = tpu.memref_squeeze %dma_wait3A_181 : memref<1x128x128xf32, #tpu.memory_space<vmem>> -> memref<128x128xf32, #tpu.memory_space<vmem>>
          %dma_wait3A_183 = arith.constant 0 : i32
          %dma_wait3A_184 = tpu.memref_slice %arg6[%mul3A_2, %dma_wait3A_183] : memref<204800x128xf32, #tpu.memory_space<hbm>> -> memref<128x128xf32, #tpu.memory_space<hbm>>
          %dma_wait3A_185 = arith.constant 0 : i32
          %dma_wait3A_186 = tpu.memref_slice %arg6[%mul3A_2, %dma_wait3A_185] : memref<204800x128xf32, #tpu.memory_space<hbm>> -> memref<128x128xf32, #tpu.memory_space<hbm>>
          %dma_wait3A_187 = arith.constant 0 : i32
          %dma_wait3A_188 = arith.constant 0 : i32
          %dma_wait3A_189 = tpu.memref_slice %arg10[%dma_wait3A_178, %dma_wait3A_187, %dma_wait3A_188] : memref<2x128x128xf32, #tpu.memory_space<vmem>> -> memref<1x128x128xf32, #tpu.memory_space<vmem>>
          %dma_wait3A_190 = tpu.memref_squeeze %dma_wait3A_189 : memref<1x128x128xf32, #tpu.memory_space<vmem>> -> memref<128x128xf32, #tpu.memory_space<vmem>>
          tpu.wait_dma2 semaphore(%arg13 : memref<!tpu.dma_semaphore, #tpu.memory_space<semaphore_mem>>) src(%dma_wait3A_190 : memref<128x128xf32, #tpu.memory_space<vmem>>) dst(%dma_wait3A_186 : memref<128x128xf32, #tpu.memory_space<hbm>>)
        } else {
        }
        %add3A_165 = arith.constant 1 : i32
        %add3A_166 = arith.addi %add3A_122, %add3A_165 : i32
        %mul3A_167 = arith.constant 128 : i32
        %mul3A_168 = arith.muli %add3A_166, %mul3A_167 : i32
        %dma_start3A_169 = arith.constant 0 : i32
        %dma_start3A_170 = arith.constant 0 : i32
        %dma_start3A_171 = arith.constant 0 : i32
        %dma_start3A_172 = tpu.memref_slice %arg9[%dma_start3A_169, %dma_start3A_170, %dma_start3A_171] : memref<2x128x128xf32, #tpu.memory_space<vmem>> -> memref<1x128x128xf32, #tpu.memory_space<vmem>>
        %dma_start3A_173 = tpu.memref_squeeze %dma_start3A_172 : memref<1x128x128xf32, #tpu.memory_space<vmem>> -> memref<128x128xf32, #tpu.memory_space<vmem>>
        %dma_start3A_174 = tpu.memref_slice %arg7[%mul3A_168] : memref<6400xi32, #tpu.memory_space<vmem>> -> memref<128xi32, #tpu.memory_space<vmem>>
        %dma_start3A_175 = arith.constant 0 : i32
        %dma_start3A_176 = arith.constant 0 : i32
        %dma_start3A_177 = tpu.memref_slice %arg4[%dma_start3A_175, %dma_start3A_176] : memref<106496x128xf32, #tpu.memory_space<hbm>> -> memref<106496x128xf32, #tpu.memory_space<hbm>>
        tpu.enqueue_indirect_dma source(%dma_start3A_177 : memref<106496x128xf32, #tpu.memory_space<hbm>>) target(%dma_start3A_173 : memref<128x128xf32, #tpu.memory_space<vmem>>) offsets(%dma_start3A_174 : memref<128xi32, #tpu.memory_space<vmem>>) semaphore(%arg12 : memref<!tpu.dma_semaphore, #tpu.memory_space<semaphore_mem>>)
      } else {
      }
      %mul3A_140 = arith.constant 128 : i32
      %mul3A_141 = arith.muli %add3A_122, %mul3A_140 : i32
      %parallel_loop3A_142 = arith.constant 0 : i32
      %parallel_loop3A_143 = arith.constant 128 : i32
      %parallel_loop3A_144 = arith.constant 1 : i32
      scf.for %parallel_loop3A_161 = %parallel_loop3A_142 to %parallel_loop3A_143 step %parallel_loop3A_144  : i32 {
        %parallel_loop3A_162 = arith.addi %mul3A_141, %parallel_loop3A_161 : i32
        %parallel_loop3A_163 = vector.broadcast %parallel_loop3A_162 : i32 to vector<16xi32>
        %parallel_loop3A_164 = tpu.vector_load_idx %arg8[%parallel_loop3A_163] : memref<6400xi32, #tpu.memory_space<vmem>>[vector<16xi32>], vector<16xi32>,
        %parallel_loop3A_165 = arith.constant 128 : i32
        %parallel_loop3A_166 = vector.broadcast %parallel_loop3A_165 : i32 to vector<16xi32>
        %parallel_loop3A_167 = arith.muli %parallel_loop3A_164, %parallel_loop3A_166 : vector<16xi32>
        %parallel_loop3A_168 = arith.constant 1 : i32
        %parallel_loop3A_169 = arith.index_cast %parallel_loop3A_168 : i32 to index
        %parallel_loop3A_170 = arith.index_cast %parallel_loop3A_161 : i32 to index
        %parallel_loop3A_171 = arith.constant 0 : index
        %parallel_loop3A_172 = tpu.vector_load %arg9[%parallel_loop3A_169, %parallel_loop3A_170, %parallel_loop3A_171] {strides = array<i32>} : memref<2x128x128xf32, #tpu.memory_space<vmem>>, vector<16xf32>,
        %parallel_loop3A_173 = vector.bitcast %parallel_loop3A_172 : vector<16xf32> to vector<32xbf16>
        %parallel_loop3A_174 = tpu.unpack_subelements %parallel_loop3A_173, 0 {pack_format = #tpu.pack_format<interleaved>} : vector<32xbf16> -> vector<16xf32>
        %parallel_loop3A_175 = tpu.unpack_subelements %parallel_loop3A_173, 1 {pack_format = #tpu.pack_format<interleaved>} : vector<32xbf16> -> vector<16xf32>
        %parallel_loop3A_176 = arith.addi %parallel_loop3A_167, %add3A_11 : vector<16xi32>
        %parallel_loop3A_177 = tpu.vector_load_idx %arg11[%parallel_loop3A_176] : memref<3072xf32, #tpu.memory_space<vmem>>[vector<16xi32>], vector<16xf32>,
        %parallel_loop3A_178 = arith.addf %parallel_loop3A_175, %parallel_loop3A_177 : vector<16xf32>
        %parallel_loop3A_179 = arith.mulf %parallel_loop3A_174, %parallel_loop3A_178 : vector<16xf32>
        %parallel_loop3A_180 = arith.constant 1 : i32
        %parallel_loop3A_181 = arith.index_cast %parallel_loop3A_180 : i32 to index
        %parallel_loop3A_182 = arith.index_cast %parallel_loop3A_161 : i32 to index
        %parallel_loop3A_183 = arith.constant 0 : index
        %parallel_loop3A_184 = tpu.vector_load %arg10[%parallel_loop3A_181, %parallel_loop3A_182, %parallel_loop3A_183] {strides = array<i32>} : memref<2x128x128xf32, #tpu.memory_space<vmem>>, vector<16xf32>,
        tpu.vector_store %arg10[%parallel_loop3A_181, %parallel_loop3A_182, %parallel_loop3A_183], %parallel_loop3A_179 {strides = array<i32>} : memref<2x128x128xf32, #tpu.memory_space<vmem>>, vector<16xf32>,
        %parallel_loop3A_185 = arith.constant 1 : i32
        %parallel_loop3A_186 = arith.index_cast %parallel_loop3A_185 : i32 to index
        %parallel_loop3A_187 = arith.index_cast %parallel_loop3A_161 : i32 to index
        %parallel_loop3A_188 = arith.constant 16 : index
        %parallel_loop3A_189 = tpu.vector_load %arg9[%parallel_loop3A_186, %parallel_loop3A_187, %parallel_loop3A_188] {strides = array<i32>} : memref<2x128x128xf32, #tpu.memory_space<vmem>>, vector<16xf32>,
        %parallel_loop3A_190 = vector.bitcast %parallel_loop3A_189 : vector<16xf32> to vector<32xbf16>
        %parallel_loop3A_191 = tpu.unpack_subelements %parallel_loop3A_190, 0 {pack_format = #tpu.pack_format<interleaved>} : vector<32xbf16> -> vector<16xf32>
        %parallel_loop3A_192 = tpu.unpack_subelements %parallel_loop3A_190, 1 {pack_format = #tpu.pack_format<interleaved>} : vector<32xbf16> -> vector<16xf32>
        %parallel_loop3A_193 = arith.addi %parallel_loop3A_167, %add3A_15 : vector<16xi32>
        %parallel_loop3A_194 = tpu.vector_load_idx %arg11[%parallel_loop3A_193] : memref<3072xf32, #tpu.memory_space<vmem>>[vector<16xi32>], vector<16xf32>,
        %parallel_loop3A_195 = arith.addf %parallel_loop3A_192, %parallel_loop3A_194 : vector<16xf32>
        %parallel_loop3A_196 = arith.mulf %parallel_loop3A_191, %parallel_loop3A_195 : vector<16xf32>
        %parallel_loop3A_197 = arith.constant 1 : i32
        %parallel_loop3A_198 = arith.index_cast %parallel_loop3A_197 : i32 to index
        %parallel_loop3A_199 = arith.index_cast %parallel_loop3A_161 : i32 to index
        %parallel_loop3A_200 = arith.constant 16 : index
        %parallel_loop3A_201 = tpu.vector_load %arg10[%parallel_loop3A_198, %parallel_loop3A_199, %parallel_loop3A_200] {strides = array<i32>} : memref<2x128x128xf32, #tpu.memory_space<vmem>>, vector<16xf32>,
        tpu.vector_store %arg10[%parallel_loop3A_198, %parallel_loop3A_199, %parallel_loop3A_200], %parallel_loop3A_196 {strides = array<i32>} : memref<2x128x128xf32, #tpu.memory_space<vmem>>, vector<16xf32>,
        %parallel_loop3A_202 = arith.constant 1 : i32
        %parallel_loop3A_203 = arith.index_cast %parallel_loop3A_202 : i32 to index
        %parallel_loop3A_204 = arith.index_cast %parallel_loop3A_161 : i32 to index
        %parallel_loop3A_205 = arith.constant 32 : index
        %parallel_loop3A_206 = tpu.vector_load %arg9[%parallel_loop3A_203, %parallel_loop3A_204, %parallel_loop3A_205] {strides = array<i32>} : memref<2x128x128xf32, #tpu.memory_space<vmem>>, vector<16xf32>,
        %parallel_loop3A_207 = vector.bitcast %parallel_loop3A_206 : vector<16xf32> to vector<32xbf16>
        %parallel_loop3A_208 = tpu.unpack_subelements %parallel_loop3A_207, 0 {pack_format = #tpu.pack_format<interleaved>} : vector<32xbf16> -> vector<16xf32>
        %parallel_loop3A_209 = tpu.unpack_subelements %parallel_loop3A_207, 1 {pack_format = #tpu.pack_format<interleaved>} : vector<32xbf16> -> vector<16xf32>
        %parallel_loop3A_210 = arith.addi %parallel_loop3A_167, %add3A_19 : vector<16xi32>
        %parallel_loop3A_211 = tpu.vector_load_idx %arg11[%parallel_loop3A_210] : memref<3072xf32, #tpu.memory_space<vmem>>[vector<16xi32>], vector<16xf32>,
        %parallel_loop3A_212 = arith.addf %parallel_loop3A_209, %parallel_loop3A_211 : vector<16xf32>
        %parallel_loop3A_213 = arith.mulf %parallel_loop3A_208, %parallel_loop3A_212 : vector<16xf32>
        %parallel_loop3A_214 = arith.constant 1 : i32
        %parallel_loop3A_215 = arith.index_cast %parallel_loop3A_214 : i32 to index
        %parallel_loop3A_216 = arith.index_cast %parallel_loop3A_161 : i32 to index
        %parallel_loop3A_217 = arith.constant 32 : index
        %parallel_loop3A_218 = tpu.vector_load %arg10[%parallel_loop3A_215, %parallel_loop3A_216, %parallel_loop3A_217] {strides = array<i32>} : memref<2x128x128xf32, #tpu.memory_space<vmem>>, vector<16xf32>,
        tpu.vector_store %arg10[%parallel_loop3A_215, %parallel_loop3A_216, %parallel_loop3A_217], %parallel_loop3A_213 {strides = array<i32>} : memref<2x128x128xf32, #tpu.memory_space<vmem>>, vector<16xf32>,
        %parallel_loop3A_219 = arith.constant 1 : i32
        %parallel_loop3A_220 = arith.index_cast %parallel_loop3A_219 : i32 to index
        %parallel_loop3A_221 = arith.index_cast %parallel_loop3A_161 : i32 to index
        %parallel_loop3A_222 = arith.constant 48 : index
        %parallel_loop3A_223 = tpu.vector_load %arg9[%parallel_loop3A_220, %parallel_loop3A_221, %parallel_loop3A_222] {strides = array<i32>} : memref<2x128x128xf32, #tpu.memory_space<vmem>>, vector<16xf32>,
        %parallel_loop3A_224 = vector.bitcast %parallel_loop3A_223 : vector<16xf32> to vector<32xbf16>
        %parallel_loop3A_225 = tpu.unpack_subelements %parallel_loop3A_224, 0 {pack_format = #tpu.pack_format<interleaved>} : vector<32xbf16> -> vector<16xf32>
        %parallel_loop3A_226 = tpu.unpack_subelements %parallel_loop3A_224, 1 {pack_format = #tpu.pack_format<interleaved>} : vector<32xbf16> -> vector<16xf32>
        %parallel_loop3A_227 = arith.addi %parallel_loop3A_167, %add3A_23 : vector<16xi32>
        %parallel_loop3A_228 = tpu.vector_load_idx %arg11[%parallel_loop3A_227] : memref<3072xf32, #tpu.memory_space<vmem>>[vector<16xi32>], vector<16xf32>,
        %parallel_loop3A_229 = arith.addf %parallel_loop3A_226, %parallel_loop3A_228 : vector<16xf32>
        %parallel_loop3A_230 = arith.mulf %parallel_loop3A_225, %parallel_loop3A_229 : vector<16xf32>
        %parallel_loop3A_231 = arith.constant 1 : i32
        %parallel_loop3A_232 = arith.index_cast %parallel_loop3A_231 : i32 to index
        %parallel_loop3A_233 = arith.index_cast %parallel_loop3A_161 : i32 to index
        %parallel_loop3A_234 = arith.constant 48 : index
        %parallel_loop3A_235 = tpu.vector_load %arg10[%parallel_loop3A_232, %parallel_loop3A_233, %parallel_loop3A_234] {strides = array<i32>} : memref<2x128x128xf32, #tpu.memory_space<vmem>>, vector<16xf32>,
        tpu.vector_store %arg10[%parallel_loop3A_232, %parallel_loop3A_233, %parallel_loop3A_234], %parallel_loop3A_230 {strides = array<i32>} : memref<2x128x128xf32, #tpu.memory_space<vmem>>, vector<16xf32>,
        %parallel_loop3A_236 = arith.constant 1 : i32
        %parallel_loop3A_237 = arith.index_cast %parallel_loop3A_236 : i32 to index
        %parallel_loop3A_238 = arith.index_cast %parallel_loop3A_161 : i32 to index
        %parallel_loop3A_239 = arith.constant 64 : index
        %parallel_loop3A_240 = tpu.vector_load %arg9[%parallel_loop3A_237, %parallel_loop3A_238, %parallel_loop3A_239] {strides = array<i32>} : memref<2x128x128xf32, #tpu.memory_space<vmem>>, vector<16xf32>,
        %parallel_loop3A_241 = vector.bitcast %parallel_loop3A_240 : vector<16xf32> to vector<32xbf16>
        %parallel_loop3A_242 = tpu.unpack_subelements %parallel_loop3A_241, 0 {pack_format = #tpu.pack_format<interleaved>} : vector<32xbf16> -> vector<16xf32>
        %parallel_loop3A_243 = tpu.unpack_subelements %parallel_loop3A_241, 1 {pack_format = #tpu.pack_format<interleaved>} : vector<32xbf16> -> vector<16xf32>
        %parallel_loop3A_244 = arith.addi %parallel_loop3A_167, %add3A_27 : vector<16xi32>
        %parallel_loop3A_245 = tpu.vector_load_idx %arg11[%parallel_loop3A_244] : memref<3072xf32, #tpu.memory_space<vmem>>[vector<16xi32>], vector<16xf32>,
        %parallel_loop3A_246 = arith.addf %parallel_loop3A_243, %parallel_loop3A_245 : vector<16xf32>
        %parallel_loop3A_247 = arith.mulf %parallel_loop3A_242, %parallel_loop3A_246 : vector<16xf32>
        %parallel_loop3A_248 = arith.constant 1 : i32
        %parallel_loop3A_249 = arith.index_cast %parallel_loop3A_248 : i32 to index
        %parallel_loop3A_250 = arith.index_cast %parallel_loop3A_161 : i32 to index
        %parallel_loop3A_251 = arith.constant 64 : index
        %parallel_loop3A_252 = tpu.vector_load %arg10[%parallel_loop3A_249, %parallel_loop3A_250, %parallel_loop3A_251] {strides = array<i32>} : memref<2x128x128xf32, #tpu.memory_space<vmem>>, vector<16xf32>,
        tpu.vector_store %arg10[%parallel_loop3A_249, %parallel_loop3A_250, %parallel_loop3A_251], %parallel_loop3A_247 {strides = array<i32>} : memref<2x128x128xf32, #tpu.memory_space<vmem>>, vector<16xf32>,
        %parallel_loop3A_253 = arith.constant 1 : i32
        %parallel_loop3A_254 = arith.index_cast %parallel_loop3A_253 : i32 to index
        %parallel_loop3A_255 = arith.index_cast %parallel_loop3A_161 : i32 to index
        %parallel_loop3A_256 = arith.constant 80 : index
        %parallel_loop3A_257 = tpu.vector_load %arg9[%parallel_loop3A_254, %parallel_loop3A_255, %parallel_loop3A_256] {strides = array<i32>} : memref<2x128x128xf32, #tpu.memory_space<vmem>>, vector<16xf32>,
        %parallel_loop3A_258 = vector.bitcast %parallel_loop3A_257 : vector<16xf32> to vector<32xbf16>
        %parallel_loop3A_259 = tpu.unpack_subelements %parallel_loop3A_258, 0 {pack_format = #tpu.pack_format<interleaved>} : vector<32xbf16> -> vector<16xf32>
        %parallel_loop3A_260 = tpu.unpack_subelements %parallel_loop3A_258, 1 {pack_format = #tpu.pack_format<interleaved>} : vector<32xbf16> -> vector<16xf32>
        %parallel_loop3A_261 = arith.addi %parallel_loop3A_167, %add3A_31 : vector<16xi32>
        %parallel_loop3A_262 = tpu.vector_load_idx %arg11[%parallel_loop3A_261] : memref<3072xf32, #tpu.memory_space<vmem>>[vector<16xi32>], vector<16xf32>,
        %parallel_loop3A_263 = arith.addf %parallel_loop3A_260, %parallel_loop3A_262 : vector<16xf32>
        %parallel_loop3A_264 = arith.mulf %parallel_loop3A_259, %parallel_loop3A_263 : vector<16xf32>
        %parallel_loop3A_265 = arith.constant 1 : i32
        %parallel_loop3A_266 = arith.index_cast %parallel_loop3A_265 : i32 to index
        %parallel_loop3A_267 = arith.index_cast %parallel_loop3A_161 : i32 to index
        %parallel_loop3A_268 = arith.constant 80 : index
        %parallel_loop3A_269 = tpu.vector_load %arg10[%parallel_loop3A_266, %parallel_loop3A_267, %parallel_loop3A_268] {strides = array<i32>} : memref<2x128x128xf32, #tpu.memory_space<vmem>>, vector<16xf32>,
        tpu.vector_store %arg10[%parallel_loop3A_266, %parallel_loop3A_267, %parallel_loop3A_268], %parallel_loop3A_264 {strides = array<i32>} : memref<2x128x128xf32, #tpu.memory_space<vmem>>, vector<16xf32>,
        %parallel_loop3A_270 = arith.constant 1 : i32
        %parallel_loop3A_271 = arith.index_cast %parallel_loop3A_270 : i32 to index
        %parallel_loop3A_272 = arith.index_cast %parallel_loop3A_161 : i32 to index
        %parallel_loop3A_273 = arith.constant 96 : index
        %parallel_loop3A_274 = tpu.vector_load %arg9[%parallel_loop3A_271, %parallel_loop3A_272, %parallel_loop3A_273] {strides = array<i32>} : memref<2x128x128xf32, #tpu.memory_space<vmem>>, vector<16xf32>,
        %parallel_loop3A_275 = vector.bitcast %parallel_loop3A_274 : vector<16xf32> to vector<32xbf16>
        %parallel_loop3A_276 = tpu.unpack_subelements %parallel_loop3A_275, 0 {pack_format = #tpu.pack_format<interleaved>} : vector<32xbf16> -> vector<16xf32>
        %parallel_loop3A_277 = tpu.unpack_subelements %parallel_loop3A_275, 1 {pack_format = #tpu.pack_format<interleaved>} : vector<32xbf16> -> vector<16xf32>
        %parallel_loop3A_278 = arith.addi %parallel_loop3A_167, %add3A_35 : vector<16xi32>
        %parallel_loop3A_279 = tpu.vector_load_idx %arg11[%parallel_loop3A_278] : memref<3072xf32, #tpu.memory_space<vmem>>[vector<16xi32>], vector<16xf32>,
        %parallel_loop3A_280 = arith.addf %parallel_loop3A_277, %parallel_loop3A_279 : vector<16xf32>
        %parallel_loop3A_281 = arith.mulf %parallel_loop3A_276, %parallel_loop3A_280 : vector<16xf32>
        %parallel_loop3A_282 = arith.constant 1 : i32
        %parallel_loop3A_283 = arith.index_cast %parallel_loop3A_282 : i32 to index
        %parallel_loop3A_284 = arith.index_cast %parallel_loop3A_161 : i32 to index
        %parallel_loop3A_285 = arith.constant 96 : index
        %parallel_loop3A_286 = tpu.vector_load %arg10[%parallel_loop3A_283, %parallel_loop3A_284, %parallel_loop3A_285] {strides = array<i32>} : memref<2x128x128xf32, #tpu.memory_space<vmem>>, vector<16xf32>,
        tpu.vector_store %arg10[%parallel_loop3A_283, %parallel_loop3A_284, %parallel_loop3A_285], %parallel_loop3A_281 {strides = array<i32>} : memref<2x128x128xf32, #tpu.memory_space<vmem>>, vector<16xf32>,
        %parallel_loop3A_287 = arith.constant 1 : i32
        %parallel_loop3A_288 = arith.index_cast %parallel_loop3A_287 : i32 to index
        %parallel_loop3A_289 = arith.index_cast %parallel_loop3A_161 : i32 to index
        %parallel_loop3A_290 = arith.constant 112 : index
        %parallel_loop3A_291 = tpu.vector_load %arg9[%parallel_loop3A_288, %parallel_loop3A_289, %parallel_loop3A_290] {strides = array<i32>} : memref<2x128x128xf32, #tpu.memory_space<vmem>>, vector<16xf32>,
        %parallel_loop3A_292 = vector.bitcast %parallel_loop3A_291 : vector<16xf32> to vector<32xbf16>
        %parallel_loop3A_293 = tpu.unpack_subelements %parallel_loop3A_292, 0 {pack_format = #tpu.pack_format<interleaved>} : vector<32xbf16> -> vector<16xf32>
        %parallel_loop3A_294 = tpu.unpack_subelements %parallel_loop3A_292, 1 {pack_format = #tpu.pack_format<interleaved>} : vector<32xbf16> -> vector<16xf32>
        %parallel_loop3A_295 = arith.addi %parallel_loop3A_167, %add3A_39 : vector<16xi32>
        %parallel_loop3A_296 = tpu.vector_load_idx %arg11[%parallel_loop3A_295] : memref<3072xf32, #tpu.memory_space<vmem>>[vector<16xi32>], vector<16xf32>,
        %parallel_loop3A_297 = arith.addf %parallel_loop3A_294, %parallel_loop3A_296 : vector<16xf32>
        %parallel_loop3A_298 = arith.mulf %parallel_loop3A_293, %parallel_loop3A_297 : vector<16xf32>
        %parallel_loop3A_299 = arith.constant 1 : i32
        %parallel_loop3A_300 = arith.index_cast %parallel_loop3A_299 : i32 to index
        %parallel_loop3A_301 = arith.index_cast %parallel_loop3A_161 : i32 to index
        %parallel_loop3A_302 = arith.constant 112 : index
        %parallel_loop3A_303 = tpu.vector_load %arg10[%parallel_loop3A_300, %parallel_loop3A_301, %parallel_loop3A_302] {strides = array<i32>} : memref<2x128x128xf32, #tpu.memory_space<vmem>>, vector<16xf32>,
        tpu.vector_store %arg10[%parallel_loop3A_300, %parallel_loop3A_301, %parallel_loop3A_302], %parallel_loop3A_298 {strides = array<i32>} : memref<2x128x128xf32, #tpu.memory_space<vmem>>, vector<16xf32>,
      } {sc.loop_unroll_factor = 8 : i64, sc.parallel_access}
      %mul3A_145 = arith.constant 128 : i32
      %mul3A_146 = arith.muli %add3A_122, %mul3A_145 : i32
      %add3A_147 = arith.addi %mul3A_2, %mul3A_146 : i32
      %dma_start3A_148 = arith.constant 1 : i32
      %dma_start3A_149 = arith.constant 0 : i32
      %dma_start3A_150 = arith.constant 0 : i32
      %dma_start3A_151 = tpu.memref_slice %arg10[%dma_start3A_148, %dma_start3A_149, %dma_start3A_150] : memref<2x128x128xf32, #tpu.memory_space<vmem>> -> memref<1x128x128xf32, #tpu.memory_space<vmem>>
      %dma_start3A_152 = tpu.memref_squeeze %dma_start3A_151 : memref<1x128x128xf32, #tpu.memory_space<vmem>> -> memref<128x128xf32, #tpu.memory_space<vmem>>
      %dma_start3A_153 = arith.constant 0 : i32
      %dma_start3A_154 = tpu.memref_slice %arg6[%add3A_147, %dma_start3A_153] : memref<204800x128xf32, #tpu.memory_space<hbm>> -> memref<128x128xf32, #tpu.memory_space<hbm>>
      %dma_start3A_155 = arith.constant 0 : i32
      %dma_start3A_156 = tpu.memref_slice %arg6[%add3A_147, %dma_start3A_155] : memref<204800x128xf32, #tpu.memory_space<hbm>> -> memref<128x128xf32, #tpu.memory_space<hbm>>
      %dma_start3A_157 = arith.constant 0 : i32
      %dma_start3A_158 = arith.constant 0 : i32
      %dma_start3A_159 = tpu.memref_slice %arg10[%dma_start3A_148, %dma_start3A_157, %dma_start3A_158] : memref<2x128x128xf32, #tpu.memory_space<vmem>> -> memref<1x128x128xf32, #tpu.memory_space<vmem>>
      %dma_start3A_160 = tpu.memref_squeeze %dma_start3A_159 : memref<1x128x128xf32, #tpu.memory_space<vmem>> -> memref<128x128xf32, #tpu.memory_space<vmem>>
      tpu.enqueue_dma source(%dma_start3A_160 : memref<128x128xf32, #tpu.memory_space<vmem>>) target(%dma_start3A_156 : memref<128x128xf32, #tpu.memory_space<hbm>>) target_semaphore(%arg14 : memref<!tpu.dma_semaphore, #tpu.memory_space<semaphore_mem>>)
    }
    %scan3A_53 = arith.constant 25 : i32
    %dma_wait3A_54 = arith.constant 0 : i32
    %dma_wait3A_55 = arith.constant 0 : i32
    %dma_wait3A_56 = arith.constant 0 : i32
    %dma_wait3A_57 = tpu.memref_slice %arg10[%dma_wait3A_54, %dma_wait3A_55, %dma_wait3A_56] : memref<2x128x128xf32, #tpu.memory_space<vmem>> -> memref<1x128x128xf32, #tpu.memory_space<vmem>>
    %dma_wait3A_58 = tpu.memref_squeeze %dma_wait3A_57 : memref<1x128x128xf32, #tpu.memory_space<vmem>> -> memref<128x128xf32, #tpu.memory_space<vmem>>
    %dma_wait3A_59 = arith.constant 0 : i32
    %dma_wait3A_60 = tpu.memref_slice %arg6[%mul3A_2, %dma_wait3A_59] : memref<204800x128xf32, #tpu.memory_space<hbm>> -> memref<128x128xf32, #tpu.memory_space<hbm>>
    %dma_wait3A_61 = arith.constant 0 : i32
    %dma_wait3A_62 = tpu.memref_slice %arg6[%mul3A_2, %dma_wait3A_61] : memref<204800x128xf32, #tpu.memory_space<hbm>> -> memref<128x128xf32, #tpu.memory_space<hbm>>
    %dma_wait3A_63 = arith.constant 0 : i32
    %dma_wait3A_64 = arith.constant 0 : i32
    %dma_wait3A_65 = tpu.memref_slice %arg10[%dma_wait3A_54, %dma_wait3A_63, %dma_wait3A_64] : memref<2x128x128xf32, #tpu.memory_space<vmem>> -> memref<1x128x128xf32, #tpu.memory_space<vmem>>
    %dma_wait3A_66 = tpu.memref_squeeze %dma_wait3A_65 : memref<1x128x128xf32, #tpu.memory_space<vmem>> -> memref<128x128xf32, #tpu.memory_space<vmem>>
    tpu.wait_dma2 semaphore(%arg13 : memref<!tpu.dma_semaphore, #tpu.memory_space<semaphore_mem>>) src(%dma_wait3A_66 : memref<128x128xf32, #tpu.memory_space<vmem>>) dst(%dma_wait3A_62 : memref<128x128xf32, #tpu.memory_space<hbm>>)
    %dma_wait3A_67 = arith.constant 1 : i32
    %dma_wait3A_68 = arith.constant 0 : i32
    %dma_wait3A_69 = arith.constant 0 : i32
    %dma_wait3A_70 = tpu.memref_slice %arg10[%dma_wait3A_67, %dma_wait3A_68, %dma_wait3A_69] : memref<2x128x128xf32, #tpu.memory_space<vmem>> -> memref<1x128x128xf32, #tpu.memory_space<vmem>>
    %dma_wait3A_71 = tpu.memref_squeeze %dma_wait3A_70 : memref<1x128x128xf32, #tpu.memory_space<vmem>> -> memref<128x128xf32, #tpu.memory_space<vmem>>
    %dma_wait3A_72 = arith.constant 0 : i32
    %dma_wait3A_73 = tpu.memref_slice %arg6[%mul3A_2, %dma_wait3A_72] : memref<204800x128xf32, #tpu.memory_space<hbm>> -> memref<128x128xf32, #tpu.memory_space<hbm>>
    %dma_wait3A_74 = arith.constant 0 : i32
    %dma_wait3A_75 = tpu.memref_slice %arg6[%mul3A_2, %dma_wait3A_74] : memref<204800x128xf32, #tpu.memory_space<hbm>> -> memref<128x128xf32, #tpu.memory_space<hbm>>
    %dma_wait3A_76 = arith.constant 0 : i32
    %dma_wait3A_77 = arith.constant 0 : i32
    %dma_wait3A_78 = tpu.memref_slice %arg10[%dma_wait3A_67, %dma_wait3A_76, %dma_wait3A_77] : memref<2x128x128xf32, #tpu.memory_space<vmem>> -> memref<1x128x128xf32, #tpu.memory_space<vmem>>
    %dma_wait3A_79 = tpu.memref_squeeze %dma_wait3A_78 : memref<1x128x128xf32, #tpu.memory_space<vmem>> -> memref<128x128xf32, #tpu.memory_space<vmem>>
    tpu.wait_dma2 semaphore(%arg14 : memref<!tpu.dma_semaphore, #tpu.memory_space<semaphore_mem>>) src(%dma_wait3A_79 : memref<128x128xf32, #tpu.memory_space<vmem>>) dst(%dma_wait3A_75 : memref<128x128xf32, #tpu.memory_space<hbm>>)
    return
  }
}

module attributes {stable_mosaic.version = 14 : i64} {
  func.func @_pack_body(%arg0: i32, %arg1: memref<8192x128xf32, #tpu.memory_space<vmem>>, %arg2: memref<16x8192xf32, #tpu.memory_space<vmem>>, %arg3: memref<16x24xf32, #tpu.memory_space<vmem>>, %arg4: memref<16x128xf32, #tpu.memory_space<vmem>>, %arg5: memref<1x128xf32, #tpu.memory_space<vmem>>, %arg6: memref<8192x128xf32, #tpu.memory_space<vmem>>, %arg7: memref<24x128xf32, #tpu.memory_space<vmem>>) attributes {dimension_semantics = [#tpu.dimension_semantics<arbitrary>], iteration_bounds = array<i64: 13>, scalar_prefetch = 0 : i64, scratch_operands = 0 : i64, tpu.core_type = #tpu.core_type<tc>, window_params = [{transform_indices = @transform_0, window_bounds = array<i64: 8192, 128>}, {transform_indices = @transform_1, window_bounds = array<i64: 16, 8192>}, {pipeline_mode = #tpu.pipeline_mode<synchronous>, transform_indices = @transform_2, window_bounds = array<i64: 16, 24>}, {pipeline_mode = #tpu.pipeline_mode<synchronous>, transform_indices = @transform_3, window_bounds = array<i64: 16, 128>}, {pipeline_mode = #tpu.pipeline_mode<synchronous>, transform_indices = @transform_4, window_bounds = array<i64: 1, 128>}, {transform_indices = @transform_5, window_bounds = array<i64: 8192, 128>}, {pipeline_mode = #tpu.pipeline_mode<synchronous>, transform_indices = @transform_6, window_bounds = array<i64: 24, 128>}]} {
    %get3A = arith.constant 0 : index
    %get3A_0 = arith.constant 0 : index
    %get3A_1 = vector.load %arg2[%get3A, %get3A_0] : memref<16x8192xf32, #tpu.memory_space<vmem>>, vector<16x8192xf32>
    %get3A_2 = arith.constant 0 : index
    %get3A_3 = arith.constant 0 : index
    %get3A_4 = vector.load %arg4[%get3A_2, %get3A_3] : memref<16x128xf32, #tpu.memory_space<vmem>>, vector<16x128xf32>
    %dot_general3A = arith.constant dense<0.000000e+00> : vector<8192x128xf32>
    %dot_general3A_5 = tpu.matmul %get3A_1, %get3A_4, %dot_general3A {dimension_numbers = #tpu.dot_dimension_numbers<[0], [0], [1], [1], [0, 1, 1, 1], [], []>, transpose_lhs_hint = false} : vector<16x8192xf32>, vector<16x128xf32>, vector<8192x128xf32> -> vector<8192x128xf32>
    %get3A_6 = arith.constant 0 : index
    %get3A_7 = arith.constant 0 : index
    %get3A_8 = vector.load %arg5[%get3A_6, %get3A_7] : memref<1x128xf32, #tpu.memory_space<vmem>>, vector<1x128xf32>
    %add3A = vector.broadcast %get3A_8 : vector<1x128xf32> to vector<8192x128xf32>
    %add3A_9 = arith.addf %dot_general3A_5, %add3A : vector<8192x128xf32>
    %get3A_10 = arith.constant 0 : index
    %get3A_11 = arith.constant 0 : index
    %get3A_12 = vector.load %arg1[%get3A_10, %get3A_11] : memref<8192x128xf32, #tpu.memory_space<vmem>>, vector<8192x128xf32>
    %bitcast_convert_type3A = tpu.bitcast %get3A_12 : vector<8192x128xf32> -> vector<8192x128xi32>
    %add3A_13 = arith.constant 32768 : i32
    %add3A_14 = vector.broadcast %add3A_13 : i32 to vector<8192x128xi32>
    %add3A_15 = arith.addi %bitcast_convert_type3A, %add3A_14 : vector<8192x128xi32>
    %shift_right_logical3A = arith.constant 16 : i32
    %shift_right_logical3A_16 = vector.broadcast %shift_right_logical3A : i32 to vector<8192x128xi32>
    %shift_right_logical3A_17 = arith.shrui %add3A_15, %shift_right_logical3A_16 : vector<8192x128xi32>
    %bitcast_convert_type3A_18 = tpu.bitcast %add3A_9 : vector<8192x128xf32> -> vector<8192x128xi32>
    %add3A_19 = arith.constant 32768 : i32
    %add3A_20 = vector.broadcast %add3A_19 : i32 to vector<8192x128xi32>
    %add3A_21 = arith.addi %bitcast_convert_type3A_18, %add3A_20 : vector<8192x128xi32>
    %and3A = arith.constant -65536 : i32
    %and3A_22 = vector.broadcast %and3A : i32 to vector<8192x128xi32>
    %and3A_23 = arith.andi %add3A_21, %and3A_22 : vector<8192x128xi32>
    %or3A = arith.ori %shift_right_logical3A_17, %and3A_23 : vector<8192x128xi32>
    %bitcast_convert_type3A_24 = tpu.bitcast %or3A : vector<8192x128xi32> -> vector<8192x128xf32>
    %swap3A = arith.constant 0 : index
    %swap3A_25 = arith.constant 0 : index
    %swap3A_26 = vector.load %arg6[%swap3A, %swap3A_25] : memref<8192x128xf32, #tpu.memory_space<vmem>>, vector<8192x128xf32>
    tpu.vector_store %arg6[%swap3A, %swap3A_25], %bitcast_convert_type3A_24 {strides = array<i32>} : memref<8192x128xf32, #tpu.memory_space<vmem>>, vector<8192x128xf32>,
    %eq3A = arith.constant 0 : i32
    %eq3A_27 = arith.cmpi eq, %arg0, %eq3A : i32
    %convert_element_type3A = arith.extui %eq3A_27 : i1 to i32
    %cond3A = arith.constant 0 : i32
    %cond3A_28 = arith.cmpi ne, %convert_element_type3A, %cond3A : i32
    scf.if %cond3A_28 {
      %get3A_29 = arith.constant 0 : index
      %get3A_30 = arith.constant 0 : index
      %get3A_31 = vector.load %arg3[%get3A_29, %get3A_30] : memref<16x24xf32, #tpu.memory_space<vmem>>, vector<16x24xf32>
      %get3A_32 = arith.constant 0 : index
      %get3A_33 = arith.constant 0 : index
      %get3A_34 = vector.load %arg4[%get3A_32, %get3A_33] : memref<16x128xf32, #tpu.memory_space<vmem>>, vector<16x128xf32>
      %dot_general3A_35 = arith.constant dense<0.000000e+00> : vector<24x128xf32>
      %dot_general3A_36 = tpu.matmul %get3A_31, %get3A_34, %dot_general3A_35 {dimension_numbers = #tpu.dot_dimension_numbers<[0], [0], [1], [1], [0, 1, 1, 1], [], []>, transpose_lhs_hint = false} : vector<16x24xf32>, vector<16x128xf32>, vector<24x128xf32> -> vector<24x128xf32>
      %swap3A_37 = arith.constant 0 : index
      %swap3A_38 = arith.constant 0 : index
      %swap3A_39 = vector.load %arg7[%swap3A_37, %swap3A_38] : memref<24x128xf32, #tpu.memory_space<vmem>>, vector<24x128xf32>
      tpu.vector_store %arg7[%swap3A_37, %swap3A_38], %dot_general3A_36 {strides = array<i32>} : memref<24x128xf32, #tpu.memory_space<vmem>>, vector<24x128xf32>,
    } else {
    }
    return
  }
  func.func @transform_0(%arg0: i32) -> (i32, i32) {
    %c0_i32 = arith.constant 0 : i32
    %c0_i32_0 = arith.constant 0 : i32
    return %arg0, %c0_i32 : i32, i32
  }
  func.func @transform_1(%arg0: i32) -> (i32, i32) {
    %c0_i32 = arith.constant 0 : i32
    %c0_i32_0 = arith.constant 0 : i32
    return %c0_i32, %arg0 : i32, i32
  }
  func.func @transform_2(%arg0: i32) -> (i32, i32) {
    %c0_i32 = arith.constant 0 : i32
    %c0_i32_0 = arith.constant 0 : i32
    %c0_i32_1 = arith.constant 0 : i32
    return %c0_i32, %c0_i32_0 : i32, i32
  }
  func.func @transform_3(%arg0: i32) -> (i32, i32) {
    %c0_i32 = arith.constant 0 : i32
    %c0_i32_0 = arith.constant 0 : i32
    %c0_i32_1 = arith.constant 0 : i32
    return %c0_i32, %c0_i32_0 : i32, i32
  }
  func.func @transform_4(%arg0: i32) -> (i32, i32) {
    %c0_i32 = arith.constant 0 : i32
    %c0_i32_0 = arith.constant 0 : i32
    %c0_i32_1 = arith.constant 0 : i32
    return %c0_i32, %c0_i32_0 : i32, i32
  }
  func.func @transform_5(%arg0: i32) -> (i32, i32) {
    %c0_i32 = arith.constant 0 : i32
    %c0_i32_0 = arith.constant 0 : i32
    return %arg0, %c0_i32 : i32, i32
  }
  func.func @transform_6(%arg0: i32) -> (i32, i32) {
    %c0_i32 = arith.constant 0 : i32
    %c0_i32_0 = arith.constant 0 : i32
    %c0_i32_1 = arith.constant 0 : i32
    return %c0_i32, %c0_i32_0 : i32, i32
  }
}

</mosaic_0001>

<sc_bundles>
// kernel: kernel.4.cloned.1.call-start
scs
__scs_entry_jumppad:
0x0: {  	(pc) =	sbr.rel $0x88, $3  }
0x1: {  	(tag) =	ssettag $0x0;
	lr =	simm.s32 $0x1  }
0x2: {  	[smem:$0x3F9A] =	sst lr;
	_ =	strace $0xD0000000  }
0x3: {  	_ = 	snop  }
0x4: {  	_ = 	snop  }
0x5: {  	_ = 	snop  }
0x6: {  	_ = 	snop  }
0x7: {  	_ = 	snop  }
__scs_overlays_trampoline_lowered:
0x8: {  	[smem:$0x3FA9] =	sst s0  }
0x9: {  	[smem:$0x3FAA] =	sst s1  }
0xa: {  	[smem:$0x3FAB] =	sst s2  }
0xb: {  	[smem:$0x3FAC] =	sst s3  }
0xc: {  	[smem:$0x3FAD] =	sst s4  }
0xd: {  	[smem:$0x3FAE] =	sst s5  }
0xe: {  	[smem:$0x3FAF] =	sst s6  }
0xf: {  	[smem:$0x3FB0] =	sst s7  }
0x10: {  	[smem:$0x3FB1] =	sst s8  }
0x11: {  	[smem:$0x3FB2] =	sst s9;
	s0 =	simm.s32 @!p0 $0x0  }
0x12: {  	s1 =	sld [smem:$0x3F98];
	s0 =	simm.s32 @p0 $0x1  }
0x13: {  	[smem:$0x3FB3] =	sst s0;
	s0 =	simm.s32 @!p1 $0x0  }
0x14: {  	s2 =	sld [smem:$0x3F97];
	s0 =	simm.s32 @p1 $0x1  }
0x15: {  	[smem:$0x3FB4] =	sst s0;
	s0 =	simm.s32 @!p2 $0x0  }
0x16: {  	s3 =	sld [smem:$0x3FDB];
	s0 =	simm.s32 @p2 $0x1  }
0x17: {  	s4 =	simm.s32 $0x1BF5;
	[smem:$0x3FB6] =	sst s0  }
0x18: {  	s0 =	sld [smem:$0x3F99];
	_ =	swait.ge [sflag:s4], $0x0  }
0x19: {  	s7 =	sld [smem:$0x3F9A]  }
0x1a: {  	s8 =	sadd.s32 $0xFFFFE003, lr  }
0x1b: {  	s9 =	sadd.s32 $0xFFFFFEF7, lr;
	s5 =	simm.s32 $0xFFFFFFFF;
	p2 =	slt.u32 s8, $0xFFFFF086  }
0x1c: {  	p1 =	slt.u32 s9, $0xF7A;
	s5 =	simm.s32 @!p2 $0x0  }
0x1d: {  	s5 =	simm.s32 @p1 $0x1;
	p0 =	seq.s32 s7, s2  }
0x1e: {  	s7 =	smul.u32 @!p0 $0xF7A, s2;
	p2 =	seq.s32 @!p0 s5, $0x0  }
0x1f: {  	s9 =	smul.u32 $0xF7A, s1;
	s8 =	simm.s32 @!p0 $0x1BF5;
	p2 =	por !p2, p0  }
0x20: {  	[sflag:s8] =	ssyncset.s32 @!p0 $0xFFFFF086;
	s6 =	sadd.s32 @!p0 s3, s7;
	s7 =	simm.s32 @!p0 $0x108  }
0x21: {  	s3 =	sadd.s32 s3, s9;
	s6 =	sadd.s32 @!p0 $0x88, s6;
	s7 =	simm.s32 @p2 $0x1082  }
0x22: {  	[simem:s7], [sflag:s8] =	dma.local @!p0 [hbm:s6], $0xF7A  }
0x23: {  	s9 =	sor.u32 $0xD0000000, s2;
	s6 =	simm.s32 $0x108;
	_ =	swait.ge @!p0 [sflag:s8], $0x0  }
0x24: {  	s3 =	sadd.s32 $0x88, s3;
	s6 =	simm.s32 @!p1 $0x1082;
	[sflag:s4] =	ssyncset.s32 $0xFFFFF086  }
0x25: {  	[simem:s6], [sflag:s4] =	dma.local [hbm:s3], $0xF7A  }
0x26: {  	[smem:$0x3F9A] =	sst s1;
	(tag) =	ssettag s2;
	_ =	strace s9  }
0x27: {  	s1 =	sld [smem:$0x3FAA]  }
0x28: {  	s2 =	sld [smem:$0x3FAB]  }
0x29: {  	s4 =	sld [smem:$0x3FAD]  }
0x2a: {  	p0 =	seq.s32 s5, $0x0;
	s5 =	sld [smem:$0x3FAE]  }
0x2b: {  	s6 =	sld [smem:$0x3FAF]  }
0x2c: {  	s7 =	sld [smem:$0x3FB0]  }
0x2d: {  	s3 =	simm.s32 $0x108;
	s8 =	sld [smem:$0x3FB1]  }
0x2e: {  	s3 =	simm.s32 @!p0 $0x1082;
	s9 =	sld [smem:$0x3FB2]  }
0x2f: {  	lr =	sadd.s32 s0, s3;
	s0 =	sld [smem:$0x3FA9]  }
0x30: {  	s3 =	sld [smem:$0x3FAC]  }
0x31: {  	[smem:$0x3FB5] =	sst s10  }
0x32: {  	s10 =	sld [smem:$0x3FB3];
	_ =	sdelay $0x3  }
0x33: {  	p0 =	seq.s32 s10, $0x1;
	s10 =	sld [smem:$0x3FB5];
	_ =	sdelay $0x3  }
0x34: {  	[smem:$0x3FB5] =	sst s10  }
0x35: {  	s10 =	sld [smem:$0x3FB4];
	_ =	sdelay $0x3  }
0x36: {  	p1 =	seq.s32 s10, $0x1;
	s10 =	sld [smem:$0x3FB5];
	_ =	sdelay $0x3  }
0x37: {  	[smem:$0x3FB5] =	sst s10  }
0x38: {  	s10 =	sld [smem:$0x3FB6]  }
0x39: {  	_ = 	snop;
	(pc) =	sbr.ind lr, $3  }
0x3a: {  	_ = 	snop  }
0x3b: {  	_ = 	snop  }
0x3c: {  	p2 =	seq.s32 s10, $0x1;
	s10 =	sld [smem:$0x3FB5]  }
0x3d: {  	_ =	shalt  }
0x3e: {  	_ =	shalt  }
0x3f: {  	_ =	shalt  }
0x40: {  	_ =	shalt  }
0x41: {  	_ =	shalt  }
0x42: {  	_ =	shalt  }
0x43: {  	_ =	shalt  }
0x44: {  	_ =	shalt  }
0x45: {  	_ =	shalt  }
0x46: {  	_ =	shalt  }
0x47: {  	_ =	shalt  }
0x48: {  	_ =	shalt  }
0x49: {  	_ =	shalt  }
0x4a: {  	_ =	shalt  }
0x4b: {  	_ =	shalt  }
0x4c: {  	_ =	shalt  }
0x4d: {  	_ =	shalt  }
0x4e: {  	_ =	shalt  }
0x4f: {  	_ =	shalt  }
0x50: {  	_ =	shalt  }
0x51: {  	_ =	shalt  }
0x52: {  	_ =	shalt  }
0x53: {  	_ =	shalt  }
0x54: {  	_ =	shalt  }
0x55: {  	_ =	shalt  }
0x56: {  	_ =	shalt  }
0x57: {  	_ =	shalt  }
0x58: {  	_ =	shalt  }
0x59: {  	_ =	shalt  }
0x5a: {  	_ =	shalt  }
0x5b: {  	_ =	shalt  }
0x5c: {  	_ =	shalt  }
0x5d: {  	_ =	shalt  }
0x5e: {  	_ =	shalt  }
0x5f: {  	_ =	shalt  }
0x60: {  	_ =	shalt  }
0x61: {  	_ =	shalt  }
0x62: {  	_ =	shalt  }
0x63: {  	_ =	shalt  }
0x64: {  	_ =	shalt  }
0x65: {  	_ =	shalt  }
0x66: {  	_ =	shalt  }
0x67: {  	_ =	shalt  }
0x68: {  	_ =	shalt  }
0x69: {  	_ =	shalt  }
0x6a: {  	_ =	shalt  }
0x6b: {  	_ =	shalt  }
0x6c: {  	_ =	shalt  }
0x6d: {  	_ =	shalt  }
0x6e: {  	_ =	shalt  }
0x6f: {  	_ =	shalt  }
0x70: {  	_ =	shalt  }
0x71: {  	_ =	shalt  }
0x72: {  	_ =	shalt  }
0x73: {  	_ =	shalt  }
0x74: {  	_ =	shalt  }
0x75: {  	_ =	shalt  }
0x76: {  	_ =	shalt  }
0x77: {  	_ =	shalt  }
0x78: {  	_ =	shalt  }
0x79: {  	_ =	shalt  }
0x7a: {  	_ =	shalt  }
0x7b: {  	_ =	shalt  }
0x7c: {  	_ =	shalt  }
0x7d: {  	_ =	shalt  }
0x7e: {  	_ =	shalt  }
0x7f: {  	_ =	shalt  }
0x80: {  	_ =	shalt  }
0x81: {  	_ =	shalt  }
0x82: {  	_ =	shalt  }
0x83: {  	_ =	shalt  }
0x84: {  	_ =	shalt  }
0x85: {  	_ =	shalt  }
0x86: {  	_ =	shalt  }
0x87: {  	_ =	shalt  }
.Lfunc_end0:
.L_simem_size_0:
called_computation_lowered:
.L_overlay_start_0:
0x88: {  	s2 =	sld [smem:$0x3FD9]  }
0x89: {  	s3 =	sld [smem:$0x3FFE];
	_ =	sdelay $0x1  }
0x8a: {  	s1 =	srdreg.scid  }
0x8b: {  	s0 =	sand.u32 $0x1, s1  }
0x8c: {  	s17 =	sshll.u32 s0, $0xA;
	s2 =	sadd.s32 s3, s2  }
0x8d: {  	s2 =	sadd.s32 s2, s17  }
0x8e: {  	[smem:$0x3FC1] =	sst s2  }
0x8f: {  	_ = 	snop  }
0x90: {  	s2 =	sld [smem:$0x3FD0];
	(tm) =	ssettm $0x1  }
0x91: {  	s18 =	sld [smem:$0x3FFB];
	_ =	sdelay $0x3  }
0x92: {  	_ =	strace s18  }
0x93: {  	s3 =	sld [smem:$0x3FFC];
	_ =	sdelay $0x3  }
0x94: {  	_ =	strace s3  }
0x95: {  	s3 =	sld [smem:$0x3FFD];
	_ =	sdelay $0x3  }
0x96: {  	_ =	strace s3  }
0x97: {  	_ =	strace $0x8FFFFFFF  }
0x98: {  	s19 =	sld [smem:$0x3FDB];
	_ =	sdelay $0x1  }
0x99: {  	s4 =	simm.s32 $_scs_section_size  }
0x9a: {  	s5 =	simm.s32 $_size__tile_overlayer_lowered;
	s6 =	simm.s32 $_tile_overlayer_lowered  }
0x9b: {  	s22 =	simm.s32 $0x1BFF;
	s21 =	sshll.u32 s6, $0x1;
	s3 =	sadd.s32 s4, s19  }
0x9c: {  	s7 =	simm.s32 $0x0;
	s20 =	sshll.u32 s5, $0x1;
	s5 =	sadd.s32 s21, s3  }
0x9d: {  	[timem:s7], [sflag:s22] =	dma.local [hbm:s5], s20  }
0x9e: {  	_ =	swait.ge [sflag:s22], s20  }
0x9f: {  	s4 =	ssub.s32 $0x0, s20;
	[sflag:s22] =	ssyncset.done $0x0  }
0xa0: {  	[sflag:s22] =	ssyncadd.s32 s4;
	_ =	sdelay $0x1  }
0xa1: {  	s23 =	simm.s32 $0x1B8B  }
0xa2: {  	_ =	swait.ge [sflag:s23], $0x1  }
0xa3: {  	[sflag:s23] =	ssyncset.done $0x0  }
0xa4: {  	s25 =	simm.s32 $0x1B8E;
	s24 =	sld [smem:$0x3FFE];
	[sflag:s23] =	ssyncadd.s32 $0xFFFFFFFF  }
0xa5: {  	s26 =	simm.s32 $execute0_lowered;
	[smem:$0x3FD2] =	sst s25  }
0xa6: {  	s5 =	sshll.u32 s26, $0x1;
	_ =	strace $0x80000046;
	[dreg:$0x1] =	wrdreg $0xFFFFFFFF  }
0xa7: {  	s28 =	simm.s32 $_size_execute0_lowered;
	s3 =	sadd.s32 s3, s5;
	[dreg:$0x0] =	wrdreg $0x0  }
0xa8: {  	s5 =	sshll.u32 s28, $0x1;
	[dreg:$0x2] =	wrdreg s3  }
0xa9: {  	[dreg:$0x3] =	wrdreg s5  }
0xaa: {  	[dreg:$0x4] =	wrdreg $0xC0  }
0xab: {  	_ =	task [dreg:s7], $0x5FFFF  }
0xac: {  	[dreg:$0x1] =	wrdreg $0xFFFFFFFF  }
0xad: {  	[dreg:$0x0] =	wrdreg $0x60  }
0xae: {  	[dreg:$0x2] =	wrdreg s24  }
0xaf: {  	[dreg:$0x3] =	wrdreg s2  }
0xb0: {  	[dreg:$0x4] =	wrdreg $0x9  }
0xb1: {  	_ =	task.clear_ibuf [dreg:s7], $0x5FFFF;
	_ =	strace $0x90000046  }
0xb2: {  	s29 =	simm.s32 $0x9;
	_ =	strace $0x80000048  }
0xb3: {  	_ =	swait.ge [sflag:s29], $0x1  }
0xb4: {  	[sflag:s29] =	ssyncadd.s32 $0xFFFFFFFF  }
0xb5: {  	_ =	strace $0x90000048  }
0xb6: {  	_ =	sfence  }
0xb7: {  	s30 =	sld [smem:$0x0];
	_ =	sdelay $0x2  }
0xb8: {  	s31 =	sshll.u32 s1, $0xD;
	s1 =	sshrl.u32 s1, $0x2  }
0xb9: {  	s3 =	sand.u32 $0x4000, s31;
	s1 =	sadd.s32 s1, s30  }
0xba: {  	s0 =	sor.u32 s3, s0;
	s1 =	sshll.u32 s1, $0x11  }
0xbb: {  	s0 =	sor.u32 s1, s0  }
0xbc: {  	s0 =	sadd.s32 $0x8F2B, s0  }
0xbd: {  	[sflag:s0] =	ssyncadd.remote.s32 $0x1  }
0xbe: {  	_ =	sfence.sel $0xFFFF  }
0xbf: {  	[dreg:$0x0] =	wrdreg $0xFFFFFFFF;
	(pc) =	sbr.abs _section_cstart, $3  }
0xc0: {  	[dreg:$0x1] =	wrdreg $0xFFFFFFFF  }
0xc1: {  	_ =	task.clear_ibuf [dreg:s7], $0x2FFFF;
	_ =	strace $0x9FFFFFFF  }
0xc2: {  	(tm) =	ssettm $0x7FFFFFFF  }
0xc3: {  	_ =	shalt  }
tec
execute0_lowered:
.L_overlay_start_1:
0x0: {  	(tag) =	ssettag $0x1  }
0x1: {  	s1 =	srdreg.scid  }
0x2: {  	s0 =	stileid.u32;
	s6 =	rddreg [dreg:$0x0]  }
0x3: {  	s2 =	rddreg [dreg:$0x1];
	s4 =	simm.s32 $0x0;
	s10 =	simm.s32 $0x1900  }
0x4: {  	s11 =	simm.s32 $0x13200;
	v53 =	vlaneseq.u32;
	s12 =	simm.s32 $0x2;
	s13 =	simm.s32 $0x3  }
0x5: {  	s5 =	sand.u32 $0x1, s1;
	s28 =	sshll.u32 s0, $0x1;
	[smem:$0x7FF] =	sst s4;
	v59 =	vor.u32 $0x10, v53  }
0x6: {  	s14 =	simm.s32 $0x1;
	v29 =	vor.u32 $0x70, v53;
	s1 =	sor.u32 s5, s28;
	_ =	strace $0x80000047;
	[tilespmem:$0x1FF90] =	vst v59  }
0x7: {  	s15 =	simm.s32 $0x80;
	s17 =	simm.s32 $0x7200;
	v47 =	vor.u32 $0x40, v53;
	[tilespmem:$0x1FFA0] =	vst v29;
	s3 =	smul.u32 $0x1900, s1  }
0x8: {  	s18 =	simm.s32 $0xB200;
	s19 =	simm.s32 $0xF200;
	s20 =	simm.s32 $0x0;
	v48 =	vor.u32 $0x50, v53;
	[tilespmem:$0x1FFB0] =	vst v47  }
0x9: {  	s30 =	sadd.s32 $0x1AD600, s6;
	v51 =	vor.u32 $0x60, v53;
	s29 =	ssub.s32 $0x2, s5;
	[tilespmem:$0x1FFC0] =	vst v48;
	s7 =	sshrl.u32 s3, $0x3  }
0xa: {  	v49 =	vor.u32 $0x20, v53;
	s5 =	sadd.s32 $0xD600, s6;
	[tilespmem:$0x1FFD0] =	vst v51;
	s9 =	sshrl.u32 s29, $0x1;
	s8 =	sadd.s32 s7, s6  }
0xb: {  	v56 =	vor.u32 $0x30, v53;
	[dreg:$0x3] =	wrdreg s30;
	[tilespmem:$0x1FFE0] =	vst v49;
	s9 =	ssub.s32 s29, s9;
	s31 =	sadd.s32 $0xE00, s8  }
0xc: {  	[tilespmem:$0x1FFF0] =	vst v56;
	s9 =	smax.u32 s9, $0x1;
	s8 =	sadd.s32 $0x7200, s8;
	[dreg:$0x4] =	wrdreg s31  }
.LBB2_1:
0xd: {  	s0 =	rddreg [dreg:$0x4]  }
0xe: {  	[tilespmem:s4], [sflag:$0x2] =	stream.linear.gather [hbm4b:s0+s4], $0x1900, $0x38;
	[tilespmem:$0x13E00] =	vst v63  }
0xf: {  	_ = 	snop  }
0x10: {  	[tilespmem:s10], [sflag:$0x3] =	stream.linear.gather [hbm4b:s8+s4], $0x1900, $0x38;
	[tilespmem:$0x13E00] =	vst v63  }
0x11: {  	s30 =	rddreg [dreg:$0x3]  }
0x12: {  	[tilespmem:s11], [sflag:$0x1] =	stream.linear.gather [hbm4b:s30+s4], $0xC00, $0x38;
	[tilespmem:$0x13E00] =	vst v63  }
0x13: {  	_ =	swait.ge [sflag:s12], $0x1900  }
0x14: {  	[sflag:s12] =	ssyncset.done $0x0  }
0x15: {  	[sflag:s12] =	ssyncadd.s32 $0xFFFFE700  }
0x16: {  	_ =	swait.ge [sflag:s13], $0x1900  }
0x17: {  	[sflag:s13] =	ssyncset.done $0x0  }
0x18: {  	[sflag:s13] =	ssyncadd.s32 $0xFFFFE700  }
0x19: {  	_ =	swait.ge [sflag:s14], $0xC00  }
0x1a: {  	s31 =	simm.s32 $0x3200;
	[sflag:s14] =	ssyncset.done $0x0  }
0x1b: {  	s21 =	simm.s32 $0x0;
	s22 =	simm.s32 $0x0;
	[sflag:s14] =	ssyncadd.s32 $0xFFFFF400  }
0x1c: {  	[tilespmem:s31], [sflag:$0x1] =	stream.indirect.gather [hbm4b:s5+s15], $0x80, s4, s15, $0xb8;
	[tilespmem:$0x13E00] =	vst v63  }
.LBB2_2:
0x1d: {  	s25 =	sadd.s32 $0xFFFFFFF8, s21  }
0x1e: {  	s26 =	sadd.s32 $0xE, s25  }
0x1f: {  	v0 =	vmov s26  }
0x20: {  	_ =	swait.ge [sflag:s14], $0x4000;
	v0 =	vand.u32 $0xFFFFFFFE, v0  }
0x21: {  	p0 =	seq.s32 s22, $0x0;
	s23 =	sshllo.u32 s22, $0x1;
	[sflag:s14] =	ssyncset.done $0x0;
	v0 =	vbroadcast v0, $0x0  }
0x22: {  	s24 =	simm.s32 @!p0 $0x3;
	[sflag:s14] =	ssyncadd.s32 $0xFFFFC000;
	s26 =	sadd.s32 $0x8, s25  }
0x23: {  	s0 =	sadd.s32 $0x9, s25;
	s6 =	sadd.s32 $0xF, s25;
	_ =	swait.ge @!p0 [sflag:s24], $0x4000;
	v1 =	vmov s26  }
0x24: {  	s23 =	sshll.u32 s23, $0x7;
	s1 =	sadd.s32 $0xA, s25;
	v2 =	vmov s0;
	v4 =	vmov s6;
	[sflag:s24] =	ssyncset.done @!p0 $0x0;
	v1 =	vand.u32 $0xFFFFFFF8, v1  }
0x25: {  	s7 =	sadd.s32 $0xB, s25;
	s16 =	sand.u32 $0x3FFFFF80, s23;
	v3 =	vmov s1;
	v2 =	vand.u32 $0xFFFFFFF9, v2;
	[sflag:s24] =	ssyncadd.s32 @!p0 $0xFFFFC000;
	v1 =	vbroadcast v1, $0x0  }
0x26: {  	v3 =	vand.u32 $0xFFFFFFFA, v3;
	v2 =	vbroadcast v2, $0x0;
	[tilespmem:s17], [sflag:$0x1] =	stream.indirect.gather [hbm4b:s5+s15], $0x80, s16, s15, $0xb8;
	[tilespmem:$0x13E00] =	vst v63  }
0x27: {  	v5 =	vmov s7;
	v3 =	vbroadcast v3, $0x0;
	v0 =	vld.idx.msk [tilespmem:v0+s10+$0x0], $0xffff  }
0x28: {  	v5 =	vand.u32 $0xFFFFFFFB, v5;
	s16 =	sadd.s32 $0xC, s25  }
0x29: {  	s28 =	simm.s32 $0x3400;
	v5 =	vbroadcast v5, $0x0;
	v6 =	vmov s16;
	v4 =	vld.idx.msk [tilespmem:v4+s10+$0x0], $0xffff  }
0x2a: {  	s25 =	sadd.s32 $0xD, s25;
	v10 =	vld [tilespmem:s28+$0x100];
	v6 =	vand.u32 $0xFFFFFFFC, v6  }
0x2b: {  	v7 =	vmov s25;
	v6 =	vbroadcast v6, $0x0;
	v1 =	vld.idx.msk [tilespmem:v1+s10+$0x0], $0xffff  }
0x2c: {  	v7 =	vand.u32 $0xFFFFFFFD, v7;
	v2 =	vld.idx.msk [tilespmem:v2+s10+$0x0], $0xffff;
	v15 =	vshll.u32 v0, $0x7  }
0x2d: {  	v7 =	vbroadcast v7, $0x0;
	v0 =	vld.idx.msk [tilespmem:v3+s10+$0x0], $0xffff;
	v3 =	vor.u32 v53, v15  }
0x2e: {  	v17 =	vld [tilespmem:s28+$0xFFFFFF80]  }
0x2f: {  	v5 =	vld.idx.msk [tilespmem:v5+s10+$0x0], $0xffff  }
0x30: {  	v18 =	vld [tilespmem:s28+$0x0];
	v11 =	vshll.u32 v1, $0x7  }
0x31: {  	v6 =	vld.idx.msk [tilespmem:v6+s10+$0x0], $0xffff;
	v12 =	vor.u32 v53, v11  }
0x32: {  	v9 =	vshll.u32 v2, $0x7;
	v3 =	vld.idx.msk [tilespmem:v3+s11+$0x0], $0xffff  }
0x33: {  	v13 =	vunpack.i.u.bf16.f32 v10;
	v7 =	vld.idx.msk [tilespmem:v7+s10+$0x0], $0xffff;
	v14 =	vor.u32 v53, v9;
	v8 =	vshll.u32 v0, $0x7  }
0x34: {  	v55 =	vunpack.i.l.bf16.f32 v10;
	v2 =	vld [tilespmem:s28+$0xFFFFFE80];
	v10 =	vshll.u32 v5, $0x7;
	v16 =	vor.u32 v53, v8  }
0x35: {  	v1 =	vld [tilespmem:s28+$0xFFFFFE00];
	v21 =	vor.u32 v53, v10  }
0x36: {  	v5 =	vld.idx.msk [tilespmem:v12+s11+$0x0], $0xffff  }
0x37: {  	v0 =	vld [tilespmem:s28+$0xFFFFFF00];
	v3 =	vadd.f32 v3, v13  }
0x38: {  	v20 =	vor.u32 v59, v15;
	v13 =	vshll.u32 v6, $0x7;
	v6 =	vld.idx.msk [tilespmem:v14+s11+$0x0], $0xffff  }
0x39: {  	v12 =	vshll.u32 v4, $0x7;
	v14 =	vshll.u32 v7, $0x7;
	v7 =	vld.idx.msk [tilespmem:v16+s11+$0x0], $0xffff;
	v3 =	vmul.f32 v3, v55  }
0x3a: {  	s24 =	simm.s32 $0xB400;
	v23 =	vunpack.i.u.bf16.f32 v1;
	v21 =	vld.idx.msk [tilespmem:v21+s11+$0x0], $0xffff;
	v57 =	vor.u32 v53, v12  }
0x3b: {  	v19 =	vld [tilespmem:s28+$0x80];
	v22 =	vor.u32 v53, v13;
	v5 =	vadd.f32 v5, v23;
	[tilespmem:s24+$0x100] =	vst v3  }
0x3c: {  	v1 =	vunpack.i.l.bf16.f32 v1;
	v3 =	vor.u32 v53, v14;
	v4 =	vld [tilespmem:s28+$0x110]  }
0x3d: {  	v25 =	vunpack.i.u.bf16.f32 v2;
	v23 =	vunpack.i.u.bf16.f32 v0;
	v1 =	vmul.f32 v5, v1;
	v20 =	vld.idx.msk [tilespmem:v20+s11+$0x0], $0xffff  }
0x3e: {  	v26 =	vld [tilespmem:s28+$0x180];
	v6 =	vadd.f32 v6, v25;
	v5 =	vadd.f32 v7, v23;
	v7 =	vunpack.i.u.bf16.f32 v17  }
0x3f: {  	v2 =	vunpack.i.l.bf16.f32 v2;
	v0 =	vunpack.i.l.bf16.f32 v0;
	v16 =	vld.idx.msk [tilespmem:v57+s11+$0x0], $0xffff;
	v7 =	vadd.f32 v21, v7  }
0x40: {  	v22 =	vld.idx.msk [tilespmem:v22+s11+$0x0], $0xffff;
	v2 =	vmul.f32 v6, v2;
	v0 =	vmul.f32 v5, v0;
	v5 =	vunpack.i.l.bf16.f32 v17  }
0x41: {  	v24 =	vor.u32 v59, v11;
	[tilespmem:s24+$0xFFFFFE00] =	vst v1;
	v5 =	vmul.f32 v7, v5;
	v3 =	vld.idx.msk [tilespmem:v3+s11+$0x0], $0xffff;
	v6 =	vunpack.i.u.bf16.f32 v4  }
0x42: {  	[tilespmem:s24+$0xFFFFFE80] =	vst v2;
	v1 =	vadd.f32 v20, v6;
	v6 =	vld [tilespmem:s28+$0xFFFFFE10]  }
0x43: {  	v58 =	vunpack.i.u.bf16.f32 v18;
	v2 =	vunpack.i.l.bf16.f32 v4;
	v4 =	vor.u32 v49, v15;
	[tilespmem:s24+$0xFFFFFF80] =	vst v5;
	v20 =	vld [tilespmem:s28+$0xFFFFFE90]  }
0x44: {  	v61 =	vor.u32 v59, v9;
	v21 =	vunpack.i.u.bf16.f32 v26;
	[tilespmem:s24+$0xFFFFFF00] =	vst v0;
	v5 =	vld [tilespmem:s28+$0xFFFFFF90];
	v0 =	vmul.f32 v1, v2  }
0x45: {  	v17 =	vadd.f32 v22, v58;
	v1 =	vunpack.i.l.bf16.f32 v18;
	v2 =	vunpack.i.u.bf16.f32 v19;
	v18 =	vld [tilespmem:s28+$0xFFFFFF10]  }
0x46: {  	v7 =	vadd.f32 v16, v21;
	v2 =	vadd.f32 v3, v2;
	v3 =	vld.idx.msk [tilespmem:v24+s11+$0x0], $0xffff;
	[tilespmem:s24+$0x110] =	vst v0  }
0x47: {  	v21 =	vor.u32 v59, v14;
	v1 =	vmul.f32 v17, v1;
	v0 =	vunpack.i.l.bf16.f32 v19;
	v60 =	vld [tilespmem:s28+$0x120]  }
0x48: {  	v19 =	vunpack.i.l.bf16.f32 v26;
	v0 =	vmul.f32 v2, v0;
	v2 =	vld.idx.msk [tilespmem:v4+s11+$0x0], $0xffff;
	v4 =	vor.u32 v59, v8  }
0x49: {  	v17 =	vld.idx.msk [tilespmem:v61+s11+$0x0], $0xffff;
	[tilespmem:s24+$0x0] =	vst v1;
	v1 =	vmul.f32 v7, v19  }
0x4a: {  	v7 =	vor.u32 v59, v10;
	[tilespmem:s24+$0x80] =	vst v0;
	v0 =	vld [tilespmem:s28+$0x10]  }
0x4b: {  	v19 =	vor.u32 v59, v13;
	v27 =	vunpack.i.u.bf16.f32 v6;
	[tilespmem:s24+$0x180] =	vst v1;
	v1 =	vld [tilespmem:s28+$0x90]  }
0x4c: {  	v23 =	vor.u32 v59, v12;
	v3 =	vadd.f32 v3, v27;
	v21 =	vld.idx.msk [tilespmem:v21+s11+$0x0], $0xffff;
	v25 =	vunpack.i.u.bf16.f32 v60  }
0x4d: {  	v6 =	vunpack.i.l.bf16.f32 v6;
	v28 =	vunpack.i.u.bf16.f32 v20;
	v4 =	vld.idx.msk [tilespmem:v4+s11+$0x0], $0xffff;
	v2 =	vadd.f32 v2, v25  }
0x4e: {  	v22 =	vld [tilespmem:s28+$0x190];
	v16 =	vunpack.i.l.bf16.f32 v60;
	v3 =	vmul.f32 v3, v6;
	v6 =	vadd.f32 v17, v28  }
0x4f: {  	v62 =	vunpack.i.l.bf16.f32 v20;
	v7 =	vld.idx.msk [tilespmem:v7+s11+$0x0], $0xffff;
	v25 =	vor.u32 v56, v15;
	v2 =	vmul.f32 v2, v16  }
0x50: {  	v24 =	vor.u32 v49, v11;
	v19 =	vld.idx.msk [tilespmem:v19+s11+$0x0], $0xffff;
	[tilespmem:s24+$0xFFFFFE10] =	vst v3;
	v6 =	vmul.f32 v6, v62  }
0x51: {  	v20 =	vunpack.i.u.bf16.f32 v18;
	v32 =	vunpack.i.u.bf16.f32 v1;
	[tilespmem:s24+$0x120] =	vst v2;
	v2 =	vld.idx.msk [tilespmem:v23+s11+$0x0], $0xffff  }
0x52: {  	v26 =	vor.u32 v49, v9;
	[tilespmem:s24+$0xFFFFFE90] =	vst v6;
	v6 =	vadd.f32 v21, v32;
	v4 =	vadd.f32 v4, v20;
	v20 =	vld [tilespmem:s28+$0xFFFFFE20]  }
0x53: {  	v18 =	vunpack.i.l.bf16.f32 v18;
	v27 =	vunpack.i.u.bf16.f32 v5;
	v1 =	vunpack.i.l.bf16.f32 v1;
	v23 =	vld [tilespmem:s28+$0x130]  }
0x54: {  	v63 =	vunpack.i.u.bf16.f32 v0;
	v7 =	vadd.f32 v7, v27;
	v3 =	vld.idx.msk [tilespmem:v25+s11+$0x0], $0xffff;
	v1 =	vmul.f32 v6, v1  }
0x55: {  	v5 =	vunpack.i.l.bf16.f32 v5;
	v17 =	vadd.f32 v19, v63;
	v19 =	vld.idx.msk [tilespmem:v24+s11+$0x0], $0xffff;
	v4 =	vmul.f32 v4, v18  }
0x56: {  	v0 =	vunpack.i.l.bf16.f32 v0;
	v5 =	vmul.f32 v7, v5;
	[tilespmem:s24+$0x90] =	vst v1  }
0x57: {  	v18 =	vunpack.i.u.bf16.f32 v22;
	v7 =	vld [tilespmem:s28+$0xFFFFFEA0];
	v0 =	vmul.f32 v17, v0;
	[tilespmem:s24+$0xFFFFFF10] =	vst v4  }
0x58: {  	v21 =	vld.idx.msk [tilespmem:v26+s11+$0x0], $0xffff;
	[tilespmem:s24+$0xFFFFFF90] =	vst v5;
	v2 =	vadd.f32 v2, v18;
	v18 =	vor.u32 v49, v13;
	v5 =	vunpack.i.u.bf16.f32 v23  }
0x59: {  	v4 =	vunpack.i.l.bf16.f32 v22;
	[tilespmem:s24+$0x10] =	vst v0;
	v34 =	vld [tilespmem:s28+$0xA0];
	v24 =	vunpack.i.u.bf16.f32 v20;
	v0 =	vadd.f32 v3, v5  }
0x5a: {  	v33 =	vld [tilespmem:s28+$0xFFFFFF20];
	v1 =	vunpack.i.l.bf16.f32 v23;
	v19 =	vadd.f32 v19, v24;
	v5 =	vor.u32 v49, v8  }
0x5b: {  	v6 =	vld [tilespmem:s28+$0xFFFFFFA0];
	v2 =	vmul.f32 v2, v4;
	v4 =	vor.u32 v47, v15;
	v0 =	vmul.f32 v0, v1  }
0x5c: {  	v20 =	vunpack.i.l.bf16.f32 v20;
	v23 =	vor.u32 v49, v12;
	v3 =	vld [tilespmem:s28+$0x20];
	v25 =	vunpack.i.u.bf16.f32 v7  }
0x5d: {  	v19 =	vmul.f32 v19, v20;
	v20 =	vadd.f32 v21, v25;
	v18 =	vld.idx.msk [tilespmem:v18+s11+$0x0], $0xffff;
	[tilespmem:s24+$0x130] =	vst v0  }
0x5e: {  	v7 =	vunpack.i.l.bf16.f32 v7;
	v1 =	vor.u32 v49, v10;
	v22 =	vld [tilespmem:s28+$0x140]  }
0x5f: {  	v7 =	vmul.f32 v20, v7;
	v5 =	vld.idx.msk [tilespmem:v5+s11+$0x0], $0xffff  }
0x60: {  	v24 =	vor.u32 v56, v11;
	[tilespmem:s24+$0x190] =	vst v2;
	v4 =	vld.idx.msk [tilespmem:v4+s11+$0x0], $0xffff  }
0x61: {  	v2 =	vld [tilespmem:s28+$0x1A0];
	v0 =	vor.u32 v49, v14;
	[tilespmem:s24+$0xFFFFFEA0] =	vst v7;
	v7 =	vunpack.i.u.bf16.f32 v3  }
0x62: {  	v26 =	vor.u32 v56, v9;
	[tilespmem:s24+$0xFFFFFE20] =	vst v19;
	v19 =	vld.idx.msk [tilespmem:v23+s11+$0x0], $0xffff;
	v7 =	vadd.f32 v18, v7  }
0x63: {  	v21 =	vunpack.i.u.bf16.f32 v33;
	v3 =	vunpack.i.l.bf16.f32 v3;
	v1 =	vld.idx.msk [tilespmem:v1+s11+$0x0], $0xffff;
	v25 =	vunpack.i.u.bf16.f32 v22  }
0x64: {  	v23 =	vld [tilespmem:s28+$0xFFFFFE30];
	v5 =	vadd.f32 v5, v21;
	v3 =	vmul.f32 v7, v3;
	v7 =	vor.u32 v56, v8  }
0x65: {  	v16 =	vunpack.i.l.bf16.f32 v33;
	v24 =	vld.idx.msk [tilespmem:v24+s11+$0x0], $0xffff;
	v4 =	vadd.f32 v4, v25  }
0x66: {  	v0 =	vld.idx.msk [tilespmem:v0+s11+$0x0], $0xffff;
	v22 =	vunpack.i.l.bf16.f32 v22;
	v25 =	vor.u32 v48, v15;
	v5 =	vmul.f32 v5, v16  }
0x67: {  	v20 =	vunpack.i.u.bf16.f32 v6;
	v35 =	vld.idx.msk [tilespmem:v26+s11+$0x0], $0xffff;
	v4 =	vmul.f32 v4, v22  }
0x68: {  	v1 =	vadd.f32 v1, v20;
	v20 =	vld [tilespmem:s28+$0xFFFFFEB0];
	[tilespmem:s24+$0xFFFFFF20] =	vst v5  }
0x69: {  	v36 =	vor.u32 v56, v10;
	v6 =	vunpack.i.l.bf16.f32 v6;
	[tilespmem:s24+$0x140] =	vst v4;
	v7 =	vld.idx.msk [tilespmem:v7+s11+$0x0], $0xffff  }
0x6a: {  	v21 =	vunpack.i.u.bf16.f32 v34;
	v1 =	vmul.f32 v1, v6;
	v6 =	vld [tilespmem:s28+$0x150]  }
0x6b: {  	v18 =	vor.u32 v56, v14;
	v0 =	vadd.f32 v0, v21;
	v4 =	vunpack.i.u.bf16.f32 v2;
	v5 =	vld.idx.msk [tilespmem:v25+s11+$0x0], $0xffff  }
0x6c: {  	v17 =	vunpack.i.l.bf16.f32 v34;
	v4 =	vadd.f32 v19, v4;
	[tilespmem:s24+$0xFFFFFFA0] =	vst v1;
	v1 =	vld [tilespmem:s28+$0xFFFFFF30]  }
0x6d: {  	[tilespmem:s24+$0x20] =	vst v3;
	v2 =	vunpack.i.l.bf16.f32 v2;
	v0 =	vmul.f32 v0, v17;
	v3 =	vld [tilespmem:s28+$0xFFFFFFB0]  }
0x6e: {  	v17 =	vld.idx.msk [tilespmem:v36+s11+$0x0], $0xffff;
	v2 =	vmul.f32 v4, v2;
	v4 =	vor.u32 v56, v13  }
0x6f: {  	v19 =	vor.u32 v56, v12;
	[tilespmem:s24+$0xA0] =	vst v0;
	v0 =	vld [tilespmem:s28+$0x30];
	v21 =	vunpack.i.u.bf16.f32 v6  }
0x70: {  	v18 =	vld.idx.msk [tilespmem:v18+s11+$0x0], $0xffff;
	v5 =	vadd.f32 v5, v21  }
0x71: {  	v26 =	vor.u32 v51, v15;
	[tilespmem:s24+$0x1A0] =	vst v2;
	v2 =	vld [tilespmem:s28+$0xB0];
	v6 =	vunpack.i.l.bf16.f32 v6;
	v21 =	vunpack.i.u.bf16.f32 v23  }
0x72: {  	v22 =	vld [tilespmem:s28+$0x1B0];
	v21 =	vadd.f32 v24, v21;
	v24 =	vunpack.i.u.bf16.f32 v20;
	v5 =	vmul.f32 v5, v6  }
0x73: {  	v25 =	vor.u32 v47, v11;
	v23 =	vunpack.i.l.bf16.f32 v23;
	v4 =	vld.idx.msk [tilespmem:v4+s11+$0x0], $0xffff;
	v16 =	vadd.f32 v35, v24  }
0x74: {  	v39 =	vor.u32 v47, v10;
	v20 =	vunpack.i.l.bf16.f32 v20;
	v21 =	vmul.f32 v21, v23;
	[tilespmem:s24+$0x150] =	vst v5;
	v5 =	vld.idx.msk [tilespmem:v19+s11+$0x0], $0xffff  }
0x75: {  	v6 =	vor.u32 v47, v9;
	v19 =	vunpack.i.u.bf16.f32 v1;
	v16 =	vmul.f32 v16, v20;
	v20 =	vld [tilespmem:s28+$0x160]  }
0x76: {  	v24 =	vor.u32 v47, v8;
	[tilespmem:s24+$0xFFFFFE30] =	vst v21;
	v21 =	vunpack.i.u.bf16.f32 v3;
	v7 =	vadd.f32 v7, v19;
	v19 =	vld.idx.msk [tilespmem:v26+s11+$0x0], $0xffff  }
0x77: {  	v23 =	vunpack.i.u.bf16.f32 v0;
	v1 =	vunpack.i.l.bf16.f32 v1;
	v37 =	vld [tilespmem:s28+$0xFFFFFE40];
	v17 =	vadd.f32 v17, v21  }
0x78: {  	v3 =	vunpack.i.l.bf16.f32 v3;
	[tilespmem:s24+$0xFFFFFEB0] =	vst v16;
	v4 =	vadd.f32 v4, v23;
	v23 =	vld.idx.msk [tilespmem:v25+s11+$0x0], $0xffff;
	v1 =	vmul.f32 v7, v1  }
0x79: {  	v0 =	vunpack.i.l.bf16.f32 v0;
	v21 =	vunpack.i.u.bf16.f32 v2;
	v26 =	vld [tilespmem:s28+$0xFFFFFEC0];
	v3 =	vmul.f32 v17, v3  }
0x7a: {  	v7 =	vunpack.i.u.bf16.f32 v22;
	v38 =	vadd.f32 v18, v21;
	v6 =	vld.idx.msk [tilespmem:v6+s11+$0x0], $0xffff;
	v0 =	vmul.f32 v4, v0;
	[tilespmem:s24+$0xFFFFFF30] =	vst v1  }
0x7b: {  	v2 =	vunpack.i.l.bf16.f32 v2;
	v18 =	vor.u32 v47, v14;
	v1 =	vadd.f32 v5, v7;
	v5 =	vld [tilespmem:s28+$0xFFFFFF40];
	[tilespmem:s24+$0xFFFFFFB0] =	vst v3  }
0x7c: {  	v4 =	vunpack.i.l.bf16.f32 v22;
	v2 =	vmul.f32 v38, v2;
	v3 =	vunpack.i.u.bf16.f32 v20;
	[tilespmem:s24+$0x30] =	vst v0;
	v7 =	vld [tilespmem:s28+$0xFFFFFFC0]  }
0x7d: {  	v0 =	vadd.f32 v19, v3;
	v1 =	vmul.f32 v1, v4;
	v3 =	vld [tilespmem:s28+$0x40]  }
0x7e: {  	[tilespmem:s24+$0xB0] =	vst v2;
	v2 =	vunpack.i.l.bf16.f32 v20;
	v4 =	vor.u32 v29, v15;
	v19 =	vld.idx.msk [tilespmem:v24+s11+$0x0], $0xffff  }
0x7f: {  	v15 =	vld.idx.msk [tilespmem:v39+s11+$0x0], $0xffff;
	v0 =	vmul.f32 v0, v2;
	[tilespmem:s24+$0x1B0] =	vst v1;
	v1 =	vor.u32 v47, v13  }
0x80: {  	v40 =	vld [tilespmem:s28+$0xC0];
	v22 =	vunpack.i.u.bf16.f32 v26  }
0x81: {  	v21 =	vunpack.i.u.bf16.f32 v37;
	v18 =	vld.idx.msk [tilespmem:v18+s11+$0x0], $0xffff;
	v6 =	vadd.f32 v6, v22;
	[tilespmem:s24+$0x160] =	vst v0;
	v0 =	vor.u32 v47, v12  }
0x82: {  	v23 =	vadd.f32 v23, v21;
	v22 =	vunpack.i.l.bf16.f32 v26;
	v2 =	vld [tilespmem:s28+$0x1C0]  }
0x83: {  	v6 =	vmul.f32 v6, v22;
	v21 =	vld.idx.msk [tilespmem:v4+s11+$0x0], $0xffff;
	v4 =	vunpack.i.l.bf16.f32 v37  }
0x84: {  	v41 =	vor.u32 v48, v11;
	v4 =	vmul.f32 v23, v4;
	v1 =	vld.idx.msk [tilespmem:v1+s11+$0x0], $0xffff  }
0x85: {  	v24 =	vunpack.i.u.bf16.f32 v5;
	v20 =	vld [tilespmem:s28+$0x170];
	v23 =	vor.u32 v48, v9;
	[tilespmem:s24+$0xFFFFFEC0] =	vst v6  }
0x86: {  	v22 =	vor.u32 v48, v8;
	[tilespmem:s24+$0xFFFFFE40] =	vst v4;
	v4 =	vadd.f32 v19, v24;
	v0 =	vld.idx.msk [tilespmem:v0+s11+$0x0], $0xffff  }
0x87: {  	v5 =	vunpack.i.l.bf16.f32 v5;
	v42 =	vunpack.i.u.bf16.f32 v40;
	v25 =	vld [tilespmem:s28+$0xFFFFFED0];
	v19 =	vunpack.i.u.bf16.f32 v7  }
0x88: {  	v24 =	vunpack.i.u.bf16.f32 v3;
	v6 =	vld [tilespmem:s28+$0xFFFFFE50];
	v4 =	vmul.f32 v4, v5;
	v5 =	vadd.f32 v15, v19  }
0x89: {  	v7 =	vunpack.i.l.bf16.f32 v7;
	v3 =	vunpack.i.l.bf16.f32 v3;
	v16 =	vld.idx.msk [tilespmem:v41+s11+$0x0], $0xffff;
	v1 =	vadd.f32 v1, v24  }
0x8a: {  	v19 =	vunpack.i.u.bf16.f32 v2;
	v23 =	vld.idx.msk [tilespmem:v23+s11+$0x0], $0xffff;
	[tilespmem:s24+$0xFFFFFF40] =	vst v4;
	v4 =	vmul.f32 v5, v7;
	v5 =	vadd.f32 v18, v42  }
0x8b: {  	v7 =	vunpack.i.l.bf16.f32 v40;
	v43 =	vld [tilespmem:s28+$0xFFFFFF50];
	v1 =	vmul.f32 v1, v3;
	v0 =	vadd.f32 v0, v19  }
0x8c: {  	v2 =	vunpack.i.l.bf16.f32 v2;
	v44 =	vld.idx.msk [tilespmem:v22+s11+$0x0], $0xffff;
	v3 =	vor.u32 v48, v10;
	[tilespmem:s24+$0xFFFFFFC0] =	vst v4;
	v4 =	vmul.f32 v5, v7  }
0x8d: {  	v5 =	vor.u32 v48, v13;
	v7 =	vld [tilespmem:s28+$0xFFFFFFD0];
	[tilespmem:s24+$0x40] =	vst v1;
	v0 =	vmul.f32 v0, v2  }
0x8e: {  	v1 =	vor.u32 v48, v14;
	[tilespmem:s24+$0xC0] =	vst v4;
	v2 =	vld [tilespmem:s28+$0x50]  }
0x8f: {  	v18 =	vunpack.i.u.bf16.f32 v6;
	v4 =	vor.u32 v48, v12;
	v19 =	vld [tilespmem:s28+$0xD0];
	[tilespmem:s24+$0x1C0] =	vst v0  }
0x90: {  	v46 =	vor.u32 v51, v11;
	v16 =	vadd.f32 v16, v18;
	v18 =	vld [tilespmem:s28+$0x1D0]  }
0x91: {  	v6 =	vunpack.i.l.bf16.f32 v6;
	v0 =	vunpack.i.u.bf16.f32 v25;
	v3 =	vld.idx.msk [tilespmem:v3+s11+$0x0], $0xffff  }
0x92: {  	v6 =	vmul.f32 v16, v6;
	v22 =	vunpack.i.u.bf16.f32 v43;
	v0 =	vadd.f32 v23, v0;
	v5 =	vld.idx.msk [tilespmem:v5+s11+$0x0], $0xffff  }
0x93: {  	v23 =	vunpack.i.l.bf16.f32 v25;
	v45 =	vadd.f32 v44, v22;
	v1 =	vld.idx.msk [tilespmem:v1+s11+$0x0], $0xffff  }
0x94: {  	v15 =	vunpack.i.l.bf16.f32 v43;
	v22 =	vor.u32 v51, v9;
	[tilespmem:s24+$0xFFFFFE50] =	vst v6;
	v0 =	vmul.f32 v0, v23;
	v4 =	vld.idx.msk [tilespmem:v4+s11+$0x0], $0xffff  }
0x95: {  	v50 =	vor.u32 v51, v8;
	v52 =	vunpack.i.u.bf16.f32 v7;
	v17 =	vld.idx.msk [tilespmem:v46+s11+$0x0], $0xffff;
	v6 =	vmul.f32 v45, v15  }
0x96: {  	v7 =	vunpack.i.l.bf16.f32 v7;
	v23 =	vunpack.i.u.bf16.f32 v2;
	[tilespmem:s24+$0xFFFFFED0] =	vst v0;
	v0 =	vld [tilespmem:s28+$0xFFFFFE60];
	v3 =	vadd.f32 v3, v52  }
0x97: {  	v2 =	vunpack.i.l.bf16.f32 v2;
	v54 =	vunpack.i.u.bf16.f32 v19;
	[tilespmem:s24+$0xFFFFFF50] =	vst v6;
	v6 =	vld [tilespmem:s28+$0xFFFFFEE0];
	v5 =	vadd.f32 v5, v23  }
0x98: {  	v24 =	vld [tilespmem:s28+$0xFFFFFF60];
	v23 =	vunpack.i.u.bf16.f32 v18;
	v3 =	vmul.f32 v3, v7;
	v1 =	vadd.f32 v1, v54  }
0x99: {  	v55 =	vld.idx.msk [tilespmem:v22+s11+$0x0], $0xffff;
	v7 =	vunpack.i.l.bf16.f32 v19;
	v2 =	vmul.f32 v5, v2;
	v4 =	vadd.f32 v4, v23  }
0x9a: {  	v18 =	vunpack.i.l.bf16.f32 v18;
	v15 =	vld.idx.msk [tilespmem:v50+s11+$0x0], $0xffff;
	v5 =	vor.u32 v51, v10;
	[tilespmem:s24+$0xFFFFFFD0] =	vst v3;
	v1 =	vmul.f32 v1, v7  }
0x9b: {  	v19 =	vor.u32 v51, v12;
	[tilespmem:s24+$0x50] =	vst v2;
	v2 =	vmul.f32 v4, v18;
	v7 =	vld [tilespmem:s28+$0xFFFFFFE0]  }
0x9c: {  	s25 =	sadd.s32 $0x0, s21;
	v3 =	vor.u32 v51, v13;
	v30 =	vld [tilespmem:s28+$0x60];
	[tilespmem:s24+$0xD0] =	vst v1  }
0x9d: {  	s0 =	sadd.s32 $0xE, s25;
	v4 =	vor.u32 v51, v14;
	[tilespmem:s24+$0x1D0] =	vst v2;
	v1 =	vld [tilespmem:s28+$0xE0]  }
0x9e: {  	s6 =	sadd.s32 $0xA, s25;
	v11 =	vor.u32 v29, v11;
	v18 =	vunpack.i.u.bf16.f32 v0;
	v2 =	vmov s0;
	v27 =	vld [tilespmem:s28+$0x1E0]  }
0x9f: {  	s1 =	sadd.s32 $0x8, s25;
	s29 =	sadd.s32 $0x9, s25;
	s7 =	sadd.s32 $0xF, s25;
	v22 =	vmov s6;
	v17 =	vadd.f32 v17, v18;
	v2 =	vand.u32 $0xFFFFFFFE, v2;
	v5 =	vld.idx.msk [tilespmem:v5+s11+$0x0], $0xffff  }
0xa0: {  	s16 =	sadd.s32 $0xC, s25;
	v57 =	vmovc v29;
	v0 =	vunpack.i.l.bf16.f32 v0;
	v18 =	vmov s29;
	s29 =	sadd.s32 $0xB, s25;
	s25 =	sadd.s32 $0xD, s25;
	v29 =	vld.idx.msk [tilespmem:v19+s11+$0x0], $0xffff;
	v2 =	vbroadcast v2, $0x0  }
0xa1: {  	v25 =	vmov s25;
	v0 =	vmul.f32 v17, v0;
	v19 =	vand.u32 $0xFFFFFFFA, v22;
	v31 =	vld.idx.msk [tilespmem:v3+s11+$0x0], $0xffff  }
0xa2: {  	s25 =	simm.s32 $0x3800;
	v19 =	vbroadcast v19, $0x0;
	v3 =	vld.idx.msk [tilespmem:v4+s11+$0x0], $0xffff;
	v4 =	vand.u32 $0xFFFFFFF9, v18;
	v18 =	vmov s7  }
0xa3: {  	v33 =	vld [tilespmem:s25+$0xFFFFFE00]  }
0xa4: {  	v23 =	vmov s29;
	v34 =	vld [tilespmem:s25+$0xFFFFFE80];
	[tilespmem:s24+$0xFFFFFE60] =	vst v0  }
0xa5: {  	v60 =	vmov s1;
	v23 =	vand.u32 $0xFFFFFFFB, v23;
	v28 =	vld.idx.msk [tilespmem:v11+s11+$0x0], $0xffff  }
0xa6: {  	v4 =	vbroadcast v4, $0x0;
	v11 =	vbroadcast v23, $0x0;
	v23 =	vand.u32 $0xFFFFFFFD, v25;
	v2 =	vld.idx.msk [tilespmem:v2+s10+$0x0], $0xffff  }
0xa7: {  	v17 =	vand.u32 $0xFFFFFFF8, v60;
	v22 =	vmov s16;
	v23 =	vbroadcast v23, $0x0;
	v32 =	vld.idx.msk [tilespmem:v18+s10+$0x0], $0xffff  }
0xa8: {  	v17 =	vbroadcast v17, $0x0;
	v22 =	vand.u32 $0xFFFFFFFC, v22;
	v18 =	vunpack.i.u.bf16.f32 v6;
	v26 =	vld.idx.msk [tilespmem:v19+s10+$0x0], $0xffff  }
0xa9: {  	v36 =	vld [tilespmem:s25+$0xFFFFFF80];
	v25 =	vbroadcast v22, $0x0;
	v22 =	vunpack.i.u.bf16.f32 v24;
	v16 =	vadd.f32 v55, v18  }
0xaa: {  	v38 =	vld [tilespmem:s25+$0x0];
	v15 =	vadd.f32 v15, v22;
	v6 =	vunpack.i.l.bf16.f32 v6  }
0xab: {  	v39 =	vld [tilespmem:s25+$0x80];
	v18 =	vunpack.i.l.bf16.f32 v24;
	v6 =	vmul.f32 v16, v6;
	v22 =	vshll.u32 v2, $0x7  }
0xac: {  	v4 =	vld.idx.msk [tilespmem:v4+s10+$0x0], $0xffff;
	v2 =	vmul.f32 v15, v18;
	v18 =	vor.u32 v53, v22  }
0xad: {  	[tilespmem:s24+$0xFFFFFEE0] =	vst v6;
	v6 =	vld.idx.msk [tilespmem:v23+s10+$0x0], $0xffff;
	v23 =	vshll.u32 v26, $0x7  }
0xae: {  	v17 =	vld.idx.msk [tilespmem:v17+s10+$0x0], $0xffff;
	v37 =	vor.u32 v53, v23  }
0xaf: {  	v11 =	vld.idx.msk [tilespmem:v11+s10+$0x0], $0xffff  }
0xb0: {  	[tilespmem:s24+$0xFFFFFF60] =	vst v2;
	v2 =	vld [tilespmem:s25+$0x100]  }
0xb1: {  	v24 =	vld.idx.msk [tilespmem:v18+s11+$0x0], $0xffff  }
0xb2: {  	v19 =	vshll.u32 v4, $0x7;
	v4 =	vld [tilespmem:s25+$0xFFFFFF00]  }
0xb3: {  	v45 =	vshll.u32 v17, $0x7;
	v37 =	vld.idx.msk [tilespmem:v37+s11+$0x0], $0xffff  }
0xb4: {  	v25 =	vld.idx.msk [tilespmem:v25+s10+$0x0], $0xffff;
	v17 =	vor.u32 v53, v45  }
0xb5: {  	v41 =	vld [tilespmem:s25+$0x180];
	v35 =	vor.u32 v53, v19;
	v26 =	vunpack.i.u.bf16.f32 v2  }
0xb6: {  	v0 =	vld [tilespmem:s28+$0xFFFFFE70];
	v61 =	vunpack.i.u.bf16.f32 v7;
	v2 =	vunpack.i.l.bf16.f32 v2;
	v40 =	vadd.f32 v24, v26  }
0xb7: {  	v16 =	vld [tilespmem:s28+$0xFFFFFEF0];
	v55 =	vunpack.i.u.bf16.f32 v4;
	v24 =	vshll.u32 v11, $0x7;
	v11 =	vor.u32 v59, v22  }
0xb8: {  	v62 =	vunpack.i.u.bf16.f32 v30;
	v46 =	vld [tilespmem:s28+$0xFFFFFF70];
	v58 =	vadd.f32 v37, v55;
	v2 =	vmul.f32 v40, v2  }
0xb9: {  	s26 =	simm.s32 $0xB800;
	v43 =	vld.idx.msk [tilespmem:v17+s11+$0x0], $0xffff;
	v4 =	vunpack.i.l.bf16.f32 v4;
	v26 =	vshll.u32 v25, $0x7;
	v42 =	vor.u32 v53, v24  }
0xba: {  	v25 =	vshll.u32 v6, $0x7;
	v6 =	vld.idx.msk [tilespmem:v35+s11+$0x0], $0xffff;
	v44 =	vor.u32 v53, v26;
	v4 =	vmul.f32 v58, v4;
	[tilespmem:s26+$0x100] =	vst v2  }
0xbb: {  	v17 =	vshll.u32 v32, $0x7;
	v63 =	vor.u32 v53, v25;
	v2 =	vadd.f32 v5, v61;
	v15 =	vld [tilespmem:s25+$0x110]  }
0xbc: {  	v7 =	vunpack.i.l.bf16.f32 v7;
	v5 =	vadd.f32 v31, v62;
	v31 =	vor.u32 v53, v17;
	[tilespmem:s26+$0xFFFFFF00] =	vst v4;
	v11 =	vld.idx.msk [tilespmem:v11+s11+$0x0], $0xffff  }
0xbd: {  	v30 =	vunpack.i.l.bf16.f32 v30;
	v37 =	vld [tilespmem:s25+$0xFFFFFF10];
	v2 =	vmul.f32 v2, v7;
	v7 =	vunpack.i.u.bf16.f32 v33  }
0xbe: {  	v52 =	vunpack.i.u.bf16.f32 v34;
	v5 =	vmul.f32 v5, v30;
	v30 =	vld.idx.msk [tilespmem:v42+s11+$0x0], $0xffff;
	v7 =	vadd.f32 v43, v7  }
0xbf: {  	v50 =	vor.u32 v59, v45;
	v6 =	vadd.f32 v6, v52;
	v54 =	vld.idx.msk [tilespmem:v44+s11+$0x0], $0xffff;
	v33 =	vunpack.i.l.bf16.f32 v33  }
0xc0: {  	v60 =	vor.u32 v49, v22;
	v32 =	vld.idx.msk [tilespmem:v63+s11+$0x0], $0xffff;
	[tilespmem:s24+$0xFFFFFFE0] =	vst v2;
	v2 =	vunpack.i.l.bf16.f32 v34;
	v7 =	vmul.f32 v7, v33  }
0xc1: {  	v61 =	vunpack.i.u.bf16.f32 v38;
	[tilespmem:s24+$0x60] =	vst v5;
	v31 =	vld.idx.msk [tilespmem:v31+s11+$0x0], $0xffff;
	v5 =	vmul.f32 v6, v2;
	v2 =	vunpack.i.u.bf16.f32 v15  }
0xc2: {  	v62 =	vunpack.i.u.bf16.f32 v41;
	v52 =	vunpack.i.u.bf16.f32 v1;
	v33 =	vld [tilespmem:s28+$0xFFFFFFF0];
	[tilespmem:s26+$0xFFFFFE00] =	vst v7;
	v7 =	vadd.f32 v11, v2  }
0xc3: {  	v1 =	vunpack.i.l.bf16.f32 v1;
	v6 =	vunpack.i.u.bf16.f32 v36;
	v2 =	vld [tilespmem:s28+$0x70];
	[tilespmem:s26+$0xFFFFFE80] =	vst v5;
	v5 =	vunpack.i.l.bf16.f32 v15  }
0xc4: {  	v3 =	vadd.f32 v3, v52;
	v6 =	vadd.f32 v30, v6;
	v34 =	vld [tilespmem:s25+$0xFFFFFE10];
	v4 =	vmul.f32 v7, v5  }
0xc5: {  	v11 =	vunpack.i.l.bf16.f32 v36;
	v36 =	vadd.f32 v54, v61;
	v15 =	vor.u32 v59, v19;
	v30 =	vld [tilespmem:s25+$0xFFFFFE90]  }
0xc6: {  	v1 =	vmul.f32 v3, v1;
	v5 =	vunpack.i.l.bf16.f32 v38;
	v6 =	vmul.f32 v6, v11;
	v11 =	vld.idx.msk [tilespmem:v50+s11+$0x0], $0xffff;
	[tilespmem:s26+$0x110] =	vst v4  }
0xc7: {  	v7 =	vunpack.i.u.bf16.f32 v39;
	v5 =	vmul.f32 v36, v5;
	v31 =	vadd.f32 v31, v62;
	v63 =	vld [tilespmem:s25+$0x120]  }
0xc8: {  	v44 =	vunpack.i.l.bf16.f32 v41;
	v50 =	vor.u32 v59, v24;
	v7 =	vadd.f32 v32, v7;
	[tilespmem:s26+$0xFFFFFF80] =	vst v6;
	v6 =	vld.idx.msk [tilespmem:v60+s11+$0x0], $0xffff  }
0xc9: {  	v4 =	vunpack.i.l.bf16.f32 v39;
	[tilespmem:s26+$0x0] =	vst v5;
	v5 =	vmul.f32 v31, v44;
	v31 =	vld [tilespmem:s25+$0xFFFFFF90]  }
0xca: {  	v55 =	vor.u32 v59, v25;
	[tilespmem:s24+$0xE0] =	vst v1;
	v4 =	vmul.f32 v7, v4;
	v36 =	vld.idx.msk [tilespmem:v15+s11+$0x0], $0xffff  }
0xcb: {  	v7 =	vor.u32 v59, v23;
	v44 =	vld [tilespmem:s28+$0xF0]  }
0xcc: {  	[tilespmem:s26+$0x80] =	vst v4;
	v4 =	vld [tilespmem:s25+$0x10]  }
0xcd: {  	v54 =	vor.u32 v59, v26;
	v35 =	vld.idx.msk [tilespmem:v50+s11+$0x0], $0xffff  }
0xce: {  	v58 =	vor.u32 v59, v17;
	v43 =	vor.u32 v49, v25;
	[tilespmem:s26+$0x180] =	vst v5;
	v5 =	vld [tilespmem:s25+$0x90];
	v60 =	vunpack.i.u.bf16.f32 v63  }
0xcf: {  	v61 =	vor.u32 v56, v22;
	v62 =	vor.u32 v49, v45;
	v38 =	vld.idx.msk [tilespmem:v55+s11+$0x0], $0xffff;
	v6 =	vadd.f32 v6, v60  }
0xd0: {  	v15 =	vunpack.i.u.bf16.f32 v37;
	v3 =	vld.idx.msk [tilespmem:v7+s11+$0x0], $0xffff;
	v7 =	vunpack.i.u.bf16.f32 v34;
	v32 =	vunpack.i.l.bf16.f32 v63  }
0xd1: {  	v40 =	vld [tilespmem:s25+$0x190];
	v63 =	vunpack.i.u.bf16.f32 v30;
	v7 =	vadd.f32 v11, v7;
	v6 =	vmul.f32 v6, v32  }
0xd2: {  	v50 =	vunpack.i.l.bf16.f32 v37;
	v34 =	vunpack.i.l.bf16.f32 v34;
	v11 =	vld.idx.msk [tilespmem:v54+s11+$0x0], $0xffff;
	v36 =	vadd.f32 v36, v63  }
0xd3: {  	v30 =	vunpack.i.l.bf16.f32 v30;
	v52 =	vunpack.i.u.bf16.f32 v31;
	v7 =	vmul.f32 v7, v34;
	[tilespmem:s26+$0x120] =	vst v6;
	v6 =	vld.idx.msk [tilespmem:v58+s11+$0x0], $0xffff  }
0xd4: {  	v35 =	vadd.f32 v35, v52;
	v30 =	vmul.f32 v36, v30;
	v1 =	vunpack.i.u.bf16.f32 v5;
	v54 =	vld [tilespmem:s25+$0x130]  }
0xd5: {  	v31 =	vunpack.i.l.bf16.f32 v31;
	v32 =	vor.u32 v49, v19;
	v1 =	vadd.f32 v38, v1;
	[tilespmem:s26+$0xFFFFFE10] =	vst v7;
	v7 =	vld.idx.msk [tilespmem:v61+s11+$0x0], $0xffff  }
0xd6: {  	v5 =	vunpack.i.l.bf16.f32 v5;
	v3 =	vadd.f32 v3, v15;
	[tilespmem:s26+$0xFFFFFE90] =	vst v30;
	v30 =	vmul.f32 v35, v31;
	v42 =	vld [tilespmem:s25+$0xFFFFFE20]  }
0xd7: {  	v63 =	vor.u32 v57, v10;
	v55 =	vunpack.i.u.bf16.f32 v4;
	v58 =	vld.idx.msk [tilespmem:v62+s11+$0x0], $0xffff;
	v5 =	vmul.f32 v1, v5  }
0xd8: {  	v10 =	vor.u32 v49, v26;
	v11 =	vadd.f32 v11, v55;
	v31 =	vld [tilespmem:s25+$0xFFFFFEA0];
	v3 =	vmul.f32 v3, v50;
	[tilespmem:s26+$0xFFFFFF90] =	vst v30  }
0xd9: {  	v4 =	vunpack.i.l.bf16.f32 v4;
	v52 =	vor.u32 v57, v14;
	v36 =	vor.u32 v57, v8;
	v30 =	vld [tilespmem:s25+$0xFFFFFFA0];
	[tilespmem:s26+$0x90] =	vst v5  }
0xda: {  	v41 =	vunpack.i.u.bf16.f32 v40;
	v55 =	vor.u32 v57, v13;
	v13 =	vld.idx.msk [tilespmem:v32+s11+$0x0], $0xffff;
	[tilespmem:s26+$0xFFFFFF10] =	vst v3;
	v3 =	vmul.f32 v11, v4  }
0xdb: {  	v34 =	vld [tilespmem:s25+$0xA0];
	v4 =	vadd.f32 v6, v41;
	v6 =	vunpack.i.l.bf16.f32 v40;
	v1 =	vunpack.i.u.bf16.f32 v54  }
0xdc: {  	v11 =	vld [tilespmem:s25+$0xFFFFFF20];
	[tilespmem:s26+$0x10] =	vst v3;
	v3 =	vadd.f32 v7, v1;
	v1 =	vor.u32 v57, v9;
	v9 =	vor.u32 v49, v23  }
0xdd: {  	v5 =	vunpack.i.l.bf16.f32 v54;
	v54 =	vor.u32 v57, v12;
	v12 =	vld.idx.msk [tilespmem:v43+s11+$0x0], $0xffff;
	v4 =	vmul.f32 v4, v6  }
0xde: {  	v35 =	vor.u32 v51, v23;
	v6 =	vld [tilespmem:s25+$0x20];
	v7 =	vor.u32 v47, v22;
	v3 =	vmul.f32 v3, v5  }
0xdf: {  	v8 =	vunpack.i.u.bf16.f32 v20;
	v62 =	vor.u32 v56, v19;
	v40 =	vor.u32 v48, v26;
	v10 =	vld.idx.msk [tilespmem:v10+s11+$0x0], $0xffff;
	[tilespmem:s26+$0x190] =	vst v4  }
0xe0: {  	v60 =	vunpack.i.l.bf16.f32 v42;
	v4 =	vor.u32 v49, v24;
	v5 =	vld [tilespmem:s25+$0x1A0];
	[tilespmem:s26+$0x130] =	vst v3;
	v3 =	vadd.f32 v21, v8  }
0xe1: {  	v8 =	vunpack.i.l.bf16.f32 v20;
	v20 =	vor.u32 v49, v17;
	v21 =	vunpack.i.u.bf16.f32 v42;
	v9 =	vld.idx.msk [tilespmem:v9+s11+$0x0], $0xffff  }
0xe2: {  	v61 =	vunpack.i.u.bf16.f32 v31;
	v31 =	vunpack.i.l.bf16.f32 v31;
	v50 =	vld [tilespmem:s25+$0x140];
	v21 =	vadd.f32 v58, v21  }
0xe3: {  	v43 =	vor.u32 v48, v22;
	v13 =	vadd.f32 v13, v61;
	v7 =	vld.idx.msk [tilespmem:v7+s11+$0x0], $0xffff;
	v58 =	vor.u32 v56, v45  }
0xe4: {  	v61 =	vor.u32 v47, v45;
	v49 =	vunpack.i.u.bf16.f32 v6;
	v1 =	vld.idx.msk [tilespmem:v1+s11+$0x0], $0xffff;
	v21 =	vmul.f32 v21, v60  }
0xe5: {  	v41 =	vunpack.i.u.bf16.f32 v11;
	v11 =	vunpack.i.l.bf16.f32 v11;
	v10 =	vadd.f32 v10, v49;
	v4 =	vld.idx.msk [tilespmem:v4+s11+$0x0], $0xffff  }
0xe6: {  	v13 =	vmul.f32 v13, v31;
	v6 =	vunpack.i.l.bf16.f32 v6;
	[tilespmem:s26+$0xFFFFFE20] =	vst v21;
	v20 =	vld.idx.msk [tilespmem:v20+s11+$0x0], $0xffff;
	v9 =	vadd.f32 v9, v41  }
0xe7: {  	v6 =	vmul.f32 v10, v6;
	v10 =	vor.u32 v56, v23;
	v42 =	vunpack.i.u.bf16.f32 v50;
	v31 =	vld [tilespmem:s25+$0xFFFFFE30]  }
0xe8: {  	[tilespmem:s26+$0xFFFFFEA0] =	vst v13;
	v32 =	vld.idx.msk [tilespmem:v58+s11+$0x0], $0xffff;
	v7 =	vadd.f32 v7, v42;
	v9 =	vmul.f32 v9, v11  }
0xe9: {  	v8 =	vmul.f32 v3, v8;
	v21 =	vunpack.i.u.bf16.f32 v30;
	v14 =	vunpack.i.l.bf16.f32 v50;
	v50 =	vld [tilespmem:s25+$0xFFFFFEB0]  }
0xea: {  	v38 =	vunpack.i.u.bf16.f32 v16;
	v4 =	vadd.f32 v4, v21;
	v11 =	vld.idx.msk [tilespmem:v62+s11+$0x0], $0xffff;
	v7 =	vmul.f32 v7, v14;
	[tilespmem:s26+$0xFFFFFF20] =	vst v9  }
0xeb: {  	v3 =	vunpack.i.u.bf16.f32 v27;
	v30 =	vunpack.i.l.bf16.f32 v30;
	v21 =	vunpack.i.u.bf16.f32 v34;
	v60 =	vld [tilespmem:s25+$0xFFFFFF30]  }
0xec: {  	v12 =	vadd.f32 v12, v21;
	v4 =	vmul.f32 v4, v30;
	[tilespmem:s26+$0x140] =	vst v7;
	v7 =	vunpack.i.u.bf16.f32 v5;
	v10 =	vld.idx.msk [tilespmem:v10+s11+$0x0], $0xffff  }
0xed: {  	v21 =	vunpack.i.l.bf16.f32 v34;
	v5 =	vunpack.i.l.bf16.f32 v5;
	v58 =	vld [tilespmem:s25+$0x150];
	v7 =	vadd.f32 v20, v7  }
0xee: {  	v42 =	vunpack.i.u.bf16.f32 v50;
	v9 =	vld.idx.msk [tilespmem:v43+s11+$0x0], $0xffff;
	[tilespmem:s26+$0xFFFFFFA0] =	vst v4;
	v4 =	vmul.f32 v12, v21;
	v20 =	vor.u32 v56, v24  }
0xef: {  	v3 =	vadd.f32 v29, v3;
	[tilespmem:s26+$0x20] =	vst v6;
	v6 =	vld [tilespmem:s25+$0xFFFFFFB0];
	v11 =	vadd.f32 v11, v42;
	v5 =	vmul.f32 v7, v5  }
0xf0: {  	v29 =	vunpack.i.l.bf16.f32 v0;
	v1 =	vadd.f32 v1, v38;
	v14 =	vunpack.i.l.bf16.f32 v50;
	[tilespmem:s26+$0xA0] =	vst v4;
	v4 =	vld [tilespmem:s25+$0x30]  }
0xf1: {  	v7 =	vunpack.i.l.bf16.f32 v27;
	v27 =	vor.u32 v56, v26;
	v11 =	vmul.f32 v11, v14;
	[tilespmem:s26+$0x1A0] =	vst v5;
	v5 =	vld [tilespmem:s25+$0xB0]  }
0xf2: {  	v21 =	vunpack.i.u.bf16.f32 v0;
	v0 =	vmul.f32 v3, v7;
	v3 =	vor.u32 v56, v25;
	v30 =	vld [tilespmem:s25+$0x1B0]  }
0xf3: {  	v7 =	vadd.f32 v28, v21;
	v21 =	vor.u32 v56, v17;
	v28 =	vunpack.i.u.bf16.f32 v58;
	v20 =	vld.idx.msk [tilespmem:v20+s11+$0x0], $0xffff;
	[tilespmem:s26+$0xFFFFFEB0] =	vst v11  }
0xf4: {  	v41 =	vor.u32 v51, v22;
	[tilespmem:s24+$0x1E0] =	vst v0;
	v0 =	vunpack.i.l.bf16.f32 v16;
	v9 =	vadd.f32 v9, v28;
	v50 =	vld [tilespmem:s25+$0xFFFFFEC0]  }
0xf5: {  	v13 =	vunpack.i.l.bf16.f32 v58;
	v28 =	vunpack.i.u.bf16.f32 v31;
	v0 =	vmul.f32 v1, v0;
	v1 =	vld [tilespmem:s28+$0x1F0]  }
0xf6: {  	v62 =	vor.u32 v47, v19;
	v28 =	vadd.f32 v32, v28;
	v27 =	vld.idx.msk [tilespmem:v27+s11+$0x0], $0xffff;
	v9 =	vmul.f32 v9, v13  }
0xf7: {  	v12 =	vunpack.i.l.bf16.f32 v60;
	v58 =	vor.u32 v47, v25;
	v31 =	vunpack.i.l.bf16.f32 v31;
	v3 =	vld.idx.msk [tilespmem:v3+s11+$0x0], $0xffff  }
0xf8: {  	v7 =	vmul.f32 v7, v29;
	v28 =	vmul.f32 v28, v31;
	v31 =	vunpack.i.u.bf16.f32 v60;
	[tilespmem:s26+$0x150] =	vst v9;
	v9 =	vld.idx.msk [tilespmem:v21+s11+$0x0], $0xffff  }
0xf9: {  	v32 =	vor.u32 v47, v24;
	v49 =	vunpack.i.u.bf16.f32 v4;
	v10 =	vadd.f32 v10, v31;
	v43 =	vld [tilespmem:s25+$0x160]  }
0xfa: {  	v4 =	vunpack.i.l.bf16.f32 v4;
	v13 =	vor.u32 v47, v23;
	[tilespmem:s26+$0xFFFFFE30] =	vst v28;
	v28 =	vunpack.i.u.bf16.f32 v6;
	v31 =	vld.idx.msk [tilespmem:v41+s11+$0x0], $0xffff  }
0xfb: {  	v60 =	vor.u32 v57, v22;
	v11 =	vld [tilespmem:s25+$0xFFFFFE40];
	v20 =	vadd.f32 v20, v28;
	v10 =	vmul.f32 v10, v12  }
0xfc: {  	v21 =	vor.u32 v47, v26;
	v6 =	vunpack.i.l.bf16.f32 v6;
	v56 =	vadd.f32 v27, v49;
	v27 =	vld.idx.msk [tilespmem:v61+s11+$0x0], $0xffff  }
0xfd: {  	v22 =	vunpack.i.u.bf16.f32 v30;
	v28 =	vunpack.i.u.bf16.f32 v5;
	v6 =	vmul.f32 v20, v6;
	v20 =	vld.idx.msk [tilespmem:v62+s11+$0x0], $0xffff;
	[tilespmem:s26+$0xFFFFFF30] =	vst v10  }
0xfe: {  	v41 =	vor.u32 v51, v45;
	v3 =	vadd.f32 v3, v28;
	v4 =	vmul.f32 v56, v4;
	v28 =	vld [tilespmem:s25+$0xFFFFFF40]  }
0xff: {  	v38 =	vunpack.i.u.bf16.f32 v1;
	v5 =	vunpack.i.l.bf16.f32 v5;
	v13 =	vld.idx.msk [tilespmem:v13+s11+$0x0], $0xffff;
	v10 =	vunpack.i.u.bf16.f32 v43;
	[tilespmem:s26+$0xFFFFFFB0] =	vst v6  }
0x100: {  	v61 =	vor.u32 v48, v19;
	v3 =	vmul.f32 v3, v5;
	[tilespmem:s26+$0x30] =	vst v4;
	v5 =	vadd.f32 v31, v10;
	v10 =	vld [tilespmem:s25+$0xFFFFFFC0]  }
0x101: {  	v9 =	vadd.f32 v9, v22;
	v22 =	vunpack.i.l.bf16.f32 v30;
	v6 =	vor.u32 v47, v17;
	v62 =	vld [tilespmem:s25+$0x40]  }
0x102: {  	v4 =	vunpack.i.l.bf16.f32 v43;
	v43 =	vor.u32 v48, v17;
	v29 =	vunpack.i.u.bf16.f32 v11;
	v21 =	vld.idx.msk [tilespmem:v21+s11+$0x0], $0xffff  }
0x103: {  	v49 =	vunpack.i.u.bf16.f32 v46;
	[tilespmem:s26+$0xB0] =	vst v3;
	v9 =	vmul.f32 v9, v22;
	v22 =	vadd.f32 v27, v29;
	v29 =	vld.idx.msk [tilespmem:v32+s11+$0x0], $0xffff  }
0x104: {  	v31 =	vor.u32 v48, v45;
	v11 =	vunpack.i.l.bf16.f32 v11;
	v27 =	vunpack.i.u.bf16.f32 v50;
	v12 =	vld.idx.msk [tilespmem:v58+s11+$0x0], $0xffff  }
0x105: {  	v18 =	vld [tilespmem:s25+$0xC0];
	v32 =	vor.u32 v51, v17;
	v3 =	vmul.f32 v5, v4;
	v4 =	vor.u32 v48, v23;
	[tilespmem:s26+$0x1B0] =	vst v9  }
0x106: {  	v5 =	vor.u32 v48, v24;
	v9 =	vor.u32 v51, v19;
	v20 =	vadd.f32 v20, v27;
	v47 =	vld [tilespmem:s25+$0x1C0]  }
0x107: {  	v27 =	vunpack.i.l.bf16.f32 v50;
	v11 =	vmul.f32 v22, v11;
	v22 =	vunpack.i.u.bf16.f32 v28;
	[tilespmem:s26+$0x160] =	vst v3;
	v6 =	vld.idx.msk [tilespmem:v6+s11+$0x0], $0xffff  }
0x108: {  	v50 =	vor.u32 v51, v24;
	v24 =	vor.u32 v57, v24;
	v13 =	vadd.f32 v13, v22;
	v30 =	vld [tilespmem:s25+$0x170]  }
0x109: {  	v3 =	vor.u32 v48, v25;
	v20 =	vmul.f32 v20, v27;
	v22 =	vunpack.i.l.bf16.f32 v28;
	v14 =	vld.idx.msk [tilespmem:v60+s11+$0x0], $0xffff;
	[tilespmem:s26+$0xFFFFFE40] =	vst v11  }
0x10a: {  	v27 =	vunpack.i.u.bf16.f32 v10;
	v10 =	vunpack.i.l.bf16.f32 v10;
	v13 =	vmul.f32 v13, v22;
	v56 =	vld [tilespmem:s25+$0xFFFFFE50]  }
0x10b: {  	v28 =	vunpack.i.l.bf16.f32 v62;
	[tilespmem:s26+$0xFFFFFEC0] =	vst v20;
	v20 =	vunpack.i.u.bf16.f32 v62;
	v27 =	vadd.f32 v29, v27;
	v31 =	vld.idx.msk [tilespmem:v31+s11+$0x0], $0xffff  }
0x10c: {  	v58 =	vunpack.i.u.bf16.f32 v18;
	v22 =	vor.u32 v57, v23;
	v20 =	vadd.f32 v21, v20;
	v21 =	vld [tilespmem:s25+$0xFFFFFED0];
	[tilespmem:s26+$0xFFFFFF40] =	vst v13  }
0x10d: {  	v12 =	vadd.f32 v12, v58;
	v10 =	vmul.f32 v27, v10;
	v60 =	vld [tilespmem:s25+$0xFFFFFF50];
	v11 =	vunpack.i.u.bf16.f32 v30  }
0x10e: {  	v29 =	vunpack.i.l.bf16.f32 v30;
	v30 =	vld.idx.msk [tilespmem:v61+s11+$0x0], $0xffff;
	v61 =	vunpack.i.l.bf16.f32 v18;
	v11 =	vadd.f32 v14, v11  }
0x10f: {  	v28 =	vmul.f32 v20, v28;
	v4 =	vld.idx.msk [tilespmem:v4+s11+$0x0], $0xffff;
	[tilespmem:s26+$0xFFFFFFC0] =	vst v10;
	v10 =	vunpack.i.u.bf16.f32 v56;
	v12 =	vmul.f32 v12, v61  }
0x110: {  	v62 =	vld [tilespmem:s25+$0xFFFFFFD0];
	v10 =	vadd.f32 v31, v10;
	v11 =	vmul.f32 v11, v29;
	v29 =	vunpack.i.u.bf16.f32 v47  }
0x111: {  	v23 =	vor.u32 v57, v26;
	v14 =	vunpack.i.l.bf16.f32 v56;
	v5 =	vld.idx.msk [tilespmem:v5+s11+$0x0], $0xffff;
	[tilespmem:s26+$0xC0] =	vst v12;
	v6 =	vadd.f32 v6, v29  }
0x112: {  	v34 =	vunpack.i.l.bf16.f32 v47;
	[tilespmem:s26+$0x40] =	vst v28;
	v28 =	vunpack.i.u.bf16.f32 v21;
	v12 =	vld [tilespmem:s25+$0xD0];
	v10 =	vmul.f32 v10, v14  }
0x113: {  	v27 =	vor.u32 v51, v26;
	v3 =	vld.idx.msk [tilespmem:v3+s11+$0x0], $0xffff;
	v28 =	vadd.f32 v30, v28;
	v6 =	vmul.f32 v6, v34  }
0x114: {  	v26 =	vunpack.i.u.bf16.f32 v2;
	v20 =	vor.u32 v57, v19;
	v21 =	vunpack.i.l.bf16.f32 v21;
	v30 =	vld [tilespmem:s25+$0x50];
	[tilespmem:s26+$0xFFFFFE50] =	vst v10  }
0x115: {  	v31 =	vor.u32 v57, v45;
	v39 =	vmul.f32 v28, v21;
	v21 =	vunpack.i.u.bf16.f32 v60;
	[tilespmem:s26+$0x1C0] =	vst v6;
	v6 =	vld.idx.msk [tilespmem:v40+s11+$0x0], $0xffff  }
0x116: {  	v29 =	vor.u32 v51, v25;
	v13 =	vunpack.i.l.bf16.f32 v60;
	v51 =	vld.idx.msk [tilespmem:v41+s11+$0x0], $0xffff;
	v4 =	vadd.f32 v4, v21  }
0x117: {  	v25 =	vor.u32 v57, v25;
	v28 =	vor.u32 v57, v17;
	v40 =	vunpack.i.u.bf16.f32 v62;
	v19 =	vld [tilespmem:s25+$0x1D0]  }
0x118: {  	v56 =	vunpack.i.l.bf16.f32 v33;
	v42 =	vld.idx.msk [tilespmem:v43+s11+$0x0], $0xffff;
	v5 =	vadd.f32 v5, v40;
	[tilespmem:s26+$0xFFFFFED0] =	vst v39;
	v4 =	vmul.f32 v4, v13  }
0x119: {  	[tilespmem:s24+$0x170] =	vst v8;
	v60 =	vunpack.i.l.bf16.f32 v46;
	v43 =	vunpack.i.l.bf16.f32 v62;
	v10 =	vunpack.i.u.bf16.f32 v30;
	v47 =	vld [tilespmem:s25+$0xFFFFFEE0]  }
0x11a: {  	v57 =	vunpack.i.l.bf16.f32 v2;
	v5 =	vmul.f32 v5, v43;
	[tilespmem:s26+$0xFFFFFF50] =	vst v4;
	v6 =	vadd.f32 v6, v10;
	v10 =	vld [tilespmem:s25+$0xFFFFFE60]  }
0x11b: {  	[tilespmem:s24+$0xFFFFFE70] =	vst v7;
	v21 =	vunpack.i.u.bf16.f32 v33;
	v40 =	vunpack.i.l.bf16.f32 v44;
	v4 =	vunpack.i.u.bf16.f32 v12;
	v48 =	vld [tilespmem:s25+$0xFFFFFF60]  }
0x11c: {  	v45 =	vunpack.i.l.bf16.f32 v30;
	v3 =	vadd.f32 v3, v4;
	v7 =	vld.idx.msk [tilespmem:v35+s11+$0x0], $0xffff;
	[tilespmem:s26+$0xFFFFFFD0] =	vst v5;
	v4 =	vunpack.i.u.bf16.f32 v19  }
0x11d: {  	[tilespmem:s24+$0xFFFFFEF0] =	vst v0;
	v0 =	vunpack.i.l.bf16.f32 v12;
	v2 =	vld [tilespmem:s25+$0xFFFFFFE0];
	v8 =	vmul.f32 v6, v45;
	v4 =	vadd.f32 v42, v4  }
0x11e: {  	[tilespmem:s26+$0x170] =	vst v11;
	v30 =	vunpack.i.u.bf16.f32 v44;
	v5 =	vunpack.i.l.bf16.f32 v19;
	v6 =	vld.idx.msk [tilespmem:v9+s11+$0x0], $0xffff;
	v3 =	vmul.f32 v3, v0  }
0x11f: {  	v35 =	vunpack.i.l.bf16.f32 v1;
	v0 =	vld.idx.msk [tilespmem:v36+s11+$0x0], $0xffff;
	v9 =	vunpack.i.u.bf16.f32 v47;
	[tilespmem:s26+$0x50] =	vst v8;
	v5 =	vmul.f32 v4, v5  }
0x120: {  	s31 =	simm.s32 $0x8;
	v1 =	vunpack.i.l.bf16.f32 v47;
	[tilespmem:s26+$0xD0] =	vst v3;
	v11 =	vunpack.i.u.bf16.f32 v10;
	v8 =	vunpack.i.l.bf16.f32 v10;
	v3 =	vld [tilespmem:s25+$0x60]  }
0x121: {  	s30 =	simm.s32 $0x3800;
	s29 =	simm.s32 $0xB800;
	s28 =	sshll.u32 s22, $0x8;
	v10 =	vunpack.i.u.bf16.f32 v48;
	v4 =	vunpack.i.l.bf16.f32 v48;
	v11 =	vadd.f32 v51, v11;
	[tilespmem:s26+$0x1D0] =	vst v5;
	v5 =	vld [tilespmem:s25+$0xE0]  }
.LBB2_3:
0x122: {  	[tilespmem:$0x1FF80] =	vst v22;
	v22 =	vld.idx.msk [tilespmem:v27+s11+$0x0], $0xffff  }
0x123: {  	v32 =	vld.idx.msk [tilespmem:v32+s11+$0x0], $0xffff;
	v15 =	vmov v23;
	v8 =	vmul.f32 v11, v8  }
0x124: {  	s1 =	sadd.s32 s31, s21;
	[tilespmem:$0x1FE60] =	vst v15;
	v15 =	vld [tilespmem:$0x1FFF0]  }
0x125: {  	s0 =	sadd.s32 $0x8, s1;
	[tilespmem:s26+$0xFFFFFE60] =	vst v8;
	v8 =	vld.idx.msk [tilespmem:v29+s11+$0x0], $0xffff  }
0x126: {  	s16 =	sadd.s32 $0x9, s1;
	s6 =	sadd.s32 $0xE, s1;
	v11 =	vmov s0;
	v6 =	vadd.f32 v6, v9;
	v9 =	vld [tilespmem:s25+$0x1E0]  }
0x127: {  	v12 =	vmov s16;
	s0 =	sadd.s32 $0xA, s1;
	s16 =	sadd.s32 $0xB, s1;
	v13 =	vmov s6;
	v7 =	vadd.f32 v7, v10;
	v10 =	vld.idx.msk [tilespmem:v50+s11+$0x0], $0xffff  }
0x128: {  	s7 =	sadd.s32 $0xC, s1;
	v27 =	vmov s0;
	v33 =	vmov s16;
	s16 =	sadd.s32 $0xD, s1;
	v13 =	vand.u32 $0xFFFFFFFE, v13;
	s1 =	sadd.s32 $0xF, s1;
	v36 =	vld [tilespmem:s25+$0xFFFFFE70]  }
0x129: {  	v11 =	vand.u32 $0xFFFFFFF8, v11;
	v13 =	vbroadcast v13, $0x0;
	v31 =	vld.idx.msk [tilespmem:v31+s11+$0x0], $0xffff;
	v37 =	vmov s1  }
0x12a: {  	v29 =	vmov s7;
	v12 =	vand.u32 $0xFFFFFFF9, v12;
	v11 =	vbroadcast v11, $0x0;
	v48 =	vld.idx.msk [tilespmem:v63+s11+$0x0], $0xffff  }
0x12b: {  	v47 =	vmov s16;
	v27 =	vand.u32 $0xFFFFFFFA, v27;
	v12 =	vbroadcast v12, $0x0;
	v39 =	vld.idx.msk [tilespmem:v55+s11+$0x0], $0xffff  }
0x12c: {  	v16 =	vmovc v24;
	v33 =	vand.u32 $0xFFFFFFFB, v33;
	v29 =	vand.u32 $0xFFFFFFFC, v29;
	v55 =	vld.idx.msk [tilespmem:v52+s11+$0x0], $0xffff;
	v24 =	vbroadcast v27, $0x0  }
0x12d: {  	v14 =	vmovc v25;
	v50 =	vunpack.i.u.bf16.f32 v2;
	v25 =	vunpack.i.u.bf16.f32 v5;
	v61 =	vld.idx.msk [tilespmem:v54+s11+$0x0], $0xffff;
	v23 =	vbroadcast v29, $0x0  }
0x12e: {  	[tilespmem:$0x1FE40] =	vst v35;
	v51 =	vunpack.i.u.bf16.f32 v3;
	v2 =	vunpack.i.l.bf16.f32 v2;
	v8 =	vadd.f32 v8, v25;
	v25 =	vld.idx.msk [tilespmem:v37+s10+$0x0], $0xffff  }
0x12f: {  	[tilespmem:$0x1FEF0] =	vst v20;
	v3 =	vunpack.i.l.bf16.f32 v3;
	v35 =	vand.u32 $0xFFFFFFFD, v47;
	v27 =	vbroadcast v33, $0x0;
	v13 =	vld.idx.msk [tilespmem:v13+s10+$0x0], $0xffff  }
0x130: {  	[tilespmem:$0x1FE00] =	vst v16;
	v5 =	vunpack.i.l.bf16.f32 v5;
	v0 =	vadd.f32 v0, v49;
	v29 =	vbroadcast v35, $0x0;
	v11 =	vld.idx.msk [tilespmem:v11+s10+$0x0], $0xffff  }
0x131: {  	v22 =	vadd.f32 v22, v51;
	v1 =	vmul.f32 v6, v1;
	v4 =	vmul.f32 v7, v4;
	v7 =	vld.idx.msk [tilespmem:v12+s10+$0x0], $0xffff  }
0x132: {  	v62 =	vmovc v28;
	[tilespmem:$0x1FDE0] =	vst v0;
	v10 =	vadd.f32 v10, v50;
	v58 =	vunpack.i.u.bf16.f32 v9;
	v6 =	vunpack.i.l.bf16.f32 v9;
	v63 =	vld.idx.msk [tilespmem:v24+s10+$0x0], $0xffff  }
0x133: {  	v9 =	vunpack.i.u.bf16.f32 v36;
	v28 =	vadd.f32 v32, v58;
	[tilespmem:s26+$0xFFFFFEE0] =	vst v1;
	v1 =	vmul.f32 v8, v5;
	v0 =	vld.idx.msk [tilespmem:v23+s10+$0x0], $0xffff  }
0x134: {  	v8 =	vadd.f32 v31, v9;
	v2 =	vmul.f32 v10, v2;
	v10 =	vunpack.i.l.bf16.f32 v36;
	[tilespmem:s26+$0xFFFFFF60] =	vst v4;
	v9 =	vld [tilespmem:s25+$0xFFFFFEF0]  }
0x135: {  	v3 =	vmul.f32 v22, v3;
	[tilespmem:$0x1FDC0] =	vst v10;
	v5 =	vmul.f32 v28, v6;
	v6 =	vld.idx.msk [tilespmem:v27+s10+$0x0], $0xffff  }
0x136: {  	s25 =	sadd.s32 $0x400, s25;
	v10 =	vld [tilespmem:s30+$0xFFFFFF70];
	[tilespmem:s26+$0xFFFFFFE0] =	vst v2;
	v2 =	vadd.f32 v48, v21  }
0x137: {  	[tilespmem:s26+$0x60] =	vst v3;
	v16 =	vld [tilespmem:s25+$0xFFFFFE00];
	v33 =	vshll.u32 v13, $0x7  }
0x138: {  	v58 =	vadd.f32 v39, v26;
	[tilespmem:$0x1FDF0] =	vst v2;
	v2 =	vld.idx.msk [tilespmem:v29+s10+$0x0], $0xffff;
	v21 =	vshll.u32 v11, $0x7;
	v4 =	vor.u32 v53, v33  }
0x139: {  	[tilespmem:$0x1FDD0] =	vst v8;
	v17 =	vld [tilespmem:s25+$0xFFFFFF00];
	v28 =	vshll.u32 v25, $0x7;
	v23 =	vshll.u32 v7, $0x7;
	v8 =	vor.u32 v53, v21  }
0x13a: {  	v42 =	vld [tilespmem:s25+$0x0];
	[tilespmem:s26+$0x1E0] =	vst v5;
	v20 =	vor.u32 v59, v28;
	v35 =	vor.u32 v59, v21;
	v5 =	vor.u32 v53, v23  }
0x13b: {  	v11 =	vld [tilespmem:s25+$0x100];
	v22 =	vor.u32 v59, v23;
	v24 =	vshll.u32 v63, $0x7;
	v26 =	vshll.u32 v0, $0x7  }
0x13c: {  	v0 =	vld [tilespmem:s25+$0xFFFFFE80];
	v47 =	vor.u32 v59, v33;
	v12 =	vor.u32 v53, v24;
	v27 =	vor.u32 v59, v24  }
0x13d: {  	[tilespmem:$0x1FDA0] =	vst v38;
	v7 =	vshll.u32 v6, $0x7;
	v38 =	vor.u32 v53, v26;
	v25 =	vshll.u32 v2, $0x7;
	v6 =	vld.idx.msk [tilespmem:v4+s11+$0x0], $0xffff  }
0x13e: {  	v29 =	vor.u32 v59, v26;
	v31 =	vor.u32 v59, v7;
	v32 =	vor.u32 v59, v25;
	v59 =	vld.idx.msk [tilespmem:v8+s11+$0x0], $0xffff  }
0x13f: {  	v37 =	vor.u32 v53, v7;
	v51 =	vld.idx.msk [tilespmem:v5+s11+$0x0], $0xffff  }
0x140: {  	v3 =	vadd.f32 v55, v30;
	v4 =	vld [tilespmem:$0x1FFB0]  }
0x141: {  	v13 =	vor.u32 v53, v28;
	v45 =	vunpack.i.u.bf16.f32 v16;
	v43 =	vunpack.i.u.bf16.f32 v11;
	v12 =	vld.idx.msk [tilespmem:v12+s11+$0x0], $0xffff  }
0x142: {  	[tilespmem:$0x1FE10] =	vst v40;
	v36 =	vunpack.i.l.bf16.f32 v16;
	v63 =	vunpack.i.u.bf16.f32 v17;
	v38 =	vld.idx.msk [tilespmem:v38+s11+$0x0], $0xffff;
	v6 =	vadd.f32 v6, v43  }
0x143: {  	[tilespmem:$0x1FE30] =	vst v14;
	v41 =	vld [tilespmem:s25+$0xFFFFFF80];
	v11 =	vunpack.i.l.bf16.f32 v11;
	v40 =	vor.u32 v53, v25;
	v45 =	vadd.f32 v59, v45  }
0x144: {  	[tilespmem:$0x1FE20] =	vst v3;
	v50 =	vunpack.i.l.bf16.f32 v0;
	v37 =	vld.idx.msk [tilespmem:v37+s11+$0x0], $0xffff;
	v43 =	vunpack.i.u.bf16.f32 v0;
	v0 =	vmul.f32 v6, v11  }
0x145: {  	[tilespmem:s26+$0xE0] =	vst v1;
	v1 =	vld [tilespmem:$0x1FFE0];
	s26 =	sadd.s32 $0x400, s26;
	v39 =	vunpack.i.l.bf16.f32 v17;
	v43 =	vadd.f32 v51, v43;
	v36 =	vmul.f32 v45, v36  }
0x146: {  	v14 =	vunpack.i.u.bf16.f32 v42;
	v2 =	vunpack.i.l.bf16.f32 v42;
	v49 =	vld.idx.msk [tilespmem:v13+s11+$0x0], $0xffff;
	v42 =	vadd.f32 v12, v63;
	[tilespmem:s26+$0x100] =	vst v0  }
0x147: {  	v46 =	vld [tilespmem:s25+$0x80];
	v14 =	vadd.f32 v38, v14;
	v50 =	vmul.f32 v43, v50;
	v0 =	vor.u32 v4, v21;
	[tilespmem:s26+$0xFFFFFE00] =	vst v36  }
0x148: {  	v34 =	vunpack.i.u.bf16.f32 v41;
	v40 =	vld.idx.msk [tilespmem:v40+s11+$0x0], $0xffff;
	v42 =	vmul.f32 v42, v39;
	[tilespmem:$0x1FE70] =	vst v0  }
0x149: {  	v13 =	vld [tilespmem:s30+$0x70];
	v34 =	vadd.f32 v37, v34;
	v38 =	vmul.f32 v14, v2;
	[tilespmem:s26+$0xFFFFFE80] =	vst v50  }
0x14a: {  	v41 =	vunpack.i.l.bf16.f32 v41;
	v18 =	vld [tilespmem:s25+$0x110];
	[tilespmem:s26+$0xFFFFFF00] =	vst v42  }
0x14b: {  	v34 =	vmul.f32 v34, v41;
	v47 =	vld.idx.msk [tilespmem:v47+s11+$0x0], $0xffff;
	v0 =	vor.u32 v4, v24;
	[tilespmem:s26+$0x0] =	vst v38  }
0x14c: {  	v48 =	vld [tilespmem:s25+$0x180];
	v44 =	vor.u32 v1, v21;
	v30 =	vor.u32 v1, v23;
	v16 =	vunpack.i.u.bf16.f32 v46;
	[tilespmem:$0x1FE80] =	vst v0  }
0x14d: {  	v52 =	vor.u32 v1, v24;
	v12 =	vld [tilespmem:s30+$0xFFFFFFF0];
	v16 =	vadd.f32 v40, v16;
	v0 =	vor.u32 v4, v7;
	[tilespmem:s26+$0xFFFFFF80] =	vst v34  }
0x14e: {  	v54 =	vor.u32 v1, v26;
	v17 =	vunpack.i.l.bf16.f32 v46;
	v35 =	vld.idx.msk [tilespmem:v35+s11+$0x0], $0xffff;
	[tilespmem:$0x1FE90] =	vst v0;
	v0 =	vor.u32 v4, v26  }
0x14f: {  	v42 =	vld [tilespmem:$0x1FFC0];
	v16 =	vmul.f32 v16, v17;
	[tilespmem:$0x1FEA0] =	vst v0;
	v0 =	vor.u32 v4, v25;
	v63 =	vunpack.i.u.bf16.f32 v18  }
0x150: {  	v53 =	vor.u32 v1, v7;
	v55 =	vor.u32 v1, v25;
	v45 =	vld [tilespmem:s25+$0xFFFFFE90];
	[tilespmem:$0x1FEB0] =	vst v0;
	v43 =	vadd.f32 v47, v63  }
0x151: {  	v50 =	vor.u32 v1, v33;
	v36 =	vld [tilespmem:s25+$0xFFFFFF10];
	v0 =	vor.u32 v4, v28;
	[tilespmem:s26+$0x80] =	vst v16;
	v18 =	vunpack.i.l.bf16.f32 v18  }
0x152: {  	v6 =	vor.u32 v1, v28;
	v1 =	vld [tilespmem:s25+$0x10];
	[tilespmem:$0x1FEC0] =	vst v0;
	v0 =	vunpack.i.u.bf16.f32 v9;
	v18 =	vmul.f32 v43, v18  }
0x153: {  	v63 =	vld [tilespmem:s25+$0xFFFFFE10];
	[tilespmem:$0x1FF20] =	vst v0  }
0x154: {  	v0 =	vor.u32 v42, v23;
	v47 =	vld [tilespmem:$0x1FFD0];
	[tilespmem:s26+$0x110] =	vst v18  }
0x155: {  	[tilespmem:$0x1FED0] =	vst v0;
	v0 =	vor.u32 v42, v24;
	v17 =	vld [tilespmem:s25+$0x120]  }
0x156: {  	[tilespmem:$0x1FEE0] =	vst v0;
	v0 =	vor.u32 v42, v7;
	v40 =	vld.idx.msk [tilespmem:v50+s11+$0x0], $0xffff  }
0x157: {  	v19 =	vunpack.i.u.bf16.f32 v48;
	v22 =	vld.idx.msk [tilespmem:v22+s11+$0x0], $0xffff;
	[tilespmem:$0x1FF00] =	vst v0;
	v0 =	vor.u32 v42, v26  }
0x158: {  	v39 =	vld.idx.msk [tilespmem:v29+s11+$0x0], $0xffff;
	v18 =	vadd.f32 v49, v19;
	[tilespmem:$0x1FF10] =	vst v0;
	v0 =	vor.u32 v42, v25  }
0x159: {  	v48 =	vunpack.i.l.bf16.f32 v48;
	v41 =	vld [tilespmem:s25+$0xFFFFFF90];
	v19 =	vunpack.i.u.bf16.f32 v63;
	[tilespmem:$0x1FF30] =	vst v0;
	v0 =	vor.u32 v42, v28  }
0x15a: {  	v2 =	vld [tilespmem:s25+$0x90];
	v18 =	vmul.f32 v18, v48;
	[tilespmem:$0x1FF40] =	vst v0;
	v0 =	vor.u32 v47, v21;
	v43 =	vunpack.i.u.bf16.f32 v17  }
0x15b: {  	v3 =	vadd.f32 v35, v19;
	v19 =	vld.idx.msk [tilespmem:v27+s11+$0x0], $0xffff;
	[tilespmem:$0x1FF50] =	vst v0;
	v27 =	vadd.f32 v40, v43  }
0x15c: {  	v8 =	vor.u32 v15, v24;
	v35 =	vld.idx.msk [tilespmem:v31+s11+$0x0], $0xffff;
	v0 =	vor.u32 v47, v23;
	[tilespmem:s26+$0x180] =	vst v18;
	v17 =	vunpack.i.l.bf16.f32 v17  }
0x15d: {  	v34 =	vunpack.i.l.bf16.f32 v63;
	[tilespmem:$0x1FF60] =	vst v0;
	v18 =	vor.u32 v47, v24;
	v0 =	vld [tilespmem:s25+$0x190];
	v17 =	vmul.f32 v27, v17  }
0x15e: {  	v37 =	vunpack.i.l.bf16.f32 v41;
	v3 =	vmul.f32 v3, v34;
	[tilespmem:$0x1FF70] =	vst v18;
	v18 =	vunpack.i.u.bf16.f32 v41;
	v41 =	vld.idx.msk [tilespmem:v32+s11+$0x0], $0xffff  }
0x15f: {  	v46 =	vor.u32 v15, v7;
	v38 =	vor.u32 v15, v33;
	[tilespmem:s26+$0x120] =	vst v17;
	v17 =	vld.idx.msk [tilespmem:v20+s11+$0x0], $0xffff  }
0x160: {  	v51 =	vor.u32 v4, v23;
	v11 =	vor.u32 v15, v23;
	v48 =	vunpack.i.u.bf16.f32 v45;
	[tilespmem:s26+$0xFFFFFE10] =	vst v3;
	v20 =	vld [tilespmem:$0x1FFA0]  }
0x161: {  	v16 =	vunpack.i.u.bf16.f32 v36;
	v36 =	vunpack.i.l.bf16.f32 v36;
	v22 =	vadd.f32 v22, v48;
	v48 =	vld [tilespmem:s25+$0xFFFFFE20]  }
0x162: {  	v45 =	vunpack.i.l.bf16.f32 v45;
	v16 =	vadd.f32 v19, v16;
	v18 =	vadd.f32 v35, v18;
	v35 =	vld.idx.msk [tilespmem:v44+s11+$0x0], $0xffff  }
0x163: {  	v50 =	vor.u32 v47, v7;
	v63 =	vunpack.i.u.bf16.f32 v1;
	v22 =	vmul.f32 v22, v45;
	v34 =	vld [tilespmem:s25+$0x130]  }
0x164: {  	v1 =	vunpack.i.l.bf16.f32 v1;
	v40 =	vunpack.i.u.bf16.f32 v2;
	v16 =	vmul.f32 v16, v36;
	v19 =	vld.idx.msk [tilespmem:v38+s11+$0x0], $0xffff  }
0x165: {  	[tilespmem:s26+$0xFFFFFE90] =	vst v22;
	v22 =	vld [tilespmem:s30+$0xF0];
	v18 =	vmul.f32 v18, v37;
	v3 =	vor.u32 v20, v23;
	v23 =	vadd.f32 v39, v63  }
0x166: {  	v45 =	vld [tilespmem:s25+$0xFFFFFEA0];
	[tilespmem:s26+$0xFFFFFF10] =	vst v16;
	v44 =	vor.u32 v20, v24;
	v24 =	vor.u32 v20, v7;
	v7 =	vadd.f32 v41, v40  }
0x167: {  	v2 =	vunpack.i.l.bf16.f32 v2;
	v43 =	vunpack.i.u.bf16.f32 v0;
	[tilespmem:s26+$0xFFFFFF90] =	vst v18;
	v41 =	vld [tilespmem:s25+$0xFFFFFF20];
	v1 =	vmul.f32 v23, v1  }
0x168: {  	v40 =	vadd.f32 v17, v43;
	v43 =	vld [tilespmem:s25+$0xFFFFFFA0];
	v2 =	vmul.f32 v7, v2;
	v7 =	vunpack.i.u.bf16.f32 v34  }
0x169: {  	v18 =	vunpack.i.u.bf16.f32 v48;
	[tilespmem:s26+$0x10] =	vst v1;
	v1 =	vadd.f32 v19, v7;
	v19 =	vor.u32 v4, v33;
	v4 =	vld [tilespmem:$0x1FDA0]  }
0x16a: {  	v0 =	vunpack.i.l.bf16.f32 v0;
	v18 =	vadd.f32 v35, v18;
	v7 =	vunpack.i.l.bf16.f32 v48;
	[tilespmem:s26+$0x90] =	vst v2;
	v48 =	vld [tilespmem:s25+$0x20]  }
0x16b: {  	v0 =	vmul.f32 v40, v0;
	v63 =	vld [tilespmem:s25+$0xA0]  }
0x16c: {  	v7 =	vmul.f32 v18, v7;
	v18 =	vld.idx.msk [tilespmem:v30+s11+$0x0], $0xffff  }
0x16d: {  	v2 =	vunpack.i.l.bf16.f32 v34;
	[tilespmem:s26+$0x190] =	vst v0;
	v36 =	vunpack.i.u.bf16.f32 v41;
	v17 =	vunpack.i.l.bf16.f32 v41;
	v41 =	vld.idx.msk [tilespmem:v53+s11+$0x0], $0xffff  }
0x16e: {  	v0 =	vunpack.i.u.bf16.f32 v45;
	v1 =	vmul.f32 v1, v2;
	v2 =	vunpack.i.l.bf16.f32 v45;
	v45 =	vld [tilespmem:s25+$0x1A0]  }
0x16f: {  	[tilespmem:$0x1FDB0] =	vst v61;
	v53 =	vld [tilespmem:$0x1FDD0]  }
0x170: {  	[tilespmem:s26+$0xFFFFFE20] =	vst v7;
	v7 =	vunpack.i.u.bf16.f32 v48;
	v16 =	vunpack.i.l.bf16.f32 v48;
	v48 =	vld [tilespmem:$0x1FDB0]  }
0x171: {  	v6 =	vld.idx.msk [tilespmem:v6+s11+$0x0], $0xffff  }
0x172: {  	v37 =	vunpack.i.l.bf16.f32 v43;
	v0 =	vadd.f32 v18, v0;
	v18 =	vld.idx.msk [tilespmem:v55+s11+$0x0], $0xffff  }
0x173: {  	[tilespmem:s26+$0x130] =	vst v1;
	v1 =	vunpack.i.u.bf16.f32 v43;
	v43 =	vunpack.i.u.bf16.f32 v45;
	v35 =	vunpack.i.l.bf16.f32 v45;
	v45 =	vld.idx.msk [tilespmem:v54+s11+$0x0], $0xffff  }
0x174: {  	v54 =	vld [tilespmem:$0x1FDE0]  }
0x175: {  	v39 =	vadd.f32 v48, v4;
	v4 =	vld.idx.msk [tilespmem:v52+s11+$0x0], $0xffff  }
0x176: {  	v0 =	vmul.f32 v0, v2;
	v52 =	vld [tilespmem:$0x1FDC0]  }
0x177: {  	[tilespmem:$0x1FE50] =	vst v62;
	v55 =	vld [tilespmem:$0x1FDF0]  }
0x178: {  	v38 =	vld [tilespmem:s25+$0x140];
	[tilespmem:s26+$0xFFFFFEA0] =	vst v0;
	v0 =	vadd.f32 v41, v1  }
0x179: {  	v62 =	vor.u32 v15, v26;
	v5 =	vor.u32 v15, v21;
	v61 =	vor.u32 v15, v25;
	v19 =	vld.idx.msk [tilespmem:v19+s11+$0x0], $0xffff  }
0x17a: {  	v49 =	vunpack.i.u.bf16.f32 v10;
	v10 =	vunpack.i.l.bf16.f32 v10;
	v11 =	vld.idx.msk [tilespmem:v11+s11+$0x0], $0xffff;
	v0 =	vmul.f32 v0, v37  }
0x17b: {  	v59 =	vor.u32 v15, v28;
	v48 =	vmul.f32 v53, v52;
	v52 =	vmul.f32 v54, v60;
	v60 =	vmovc v10;
	v10 =	vld [tilespmem:s25+$0xFFFFFE30]  }
0x17c: {  	v14 =	vor.u32 v42, v21;
	v54 =	vmul.f32 v55, v56;
	v55 =	vmul.f32 v58, v57;
	v58 =	vld [tilespmem:$0x1FE10]  }
0x17d: {  	v15 =	vunpack.i.l.bf16.f32 v38;
	v53 =	vunpack.i.u.bf16.f32 v38;
	v38 =	vor.u32 v42, v33;
	v42 =	vld [tilespmem:$0x1FE40]  }
0x17e: {  	[tilespmem:s26+$0xFFFFFFA0] =	vst v0;
	v4 =	vadd.f32 v4, v36;
	v2 =	vadd.f32 v19, v53;
	v19 =	vld [tilespmem:$0x1FE20]  }
0x17f: {  	v40 =	vunpack.i.u.bf16.f32 v63;
	[tilespmem:s29+$0xFFFFFE70] =	vst v48;
	v48 =	vld [tilespmem:s25+$0xFFFFFEB0]  }
0x180: {  	v37 =	vadd.f32 v18, v40;
	[tilespmem:s24+$0xFFFFFF70] =	vst v52;
	v4 =	vmul.f32 v4, v17;
	v5 =	vld.idx.msk [tilespmem:v5+s11+$0x0], $0xffff  }
0x181: {  	v34 =	vunpack.i.l.bf16.f32 v63;
	[tilespmem:s24+$0xFFFFFFF0] =	vst v54;
	v1 =	vmul.f32 v2, v15;
	v2 =	vld [tilespmem:s30+$0x1F0]  }
0x182: {  	v7 =	vadd.f32 v45, v7;
	v0 =	vmul.f32 v37, v34;
	v37 =	vld.idx.msk [tilespmem:v46+s11+$0x0], $0xffff;
	[tilespmem:s26+$0xFFFFFF20] =	vst v4  }
0x183: {  	[tilespmem:s26+$0x140] =	vst v1;
	v8 =	vld.idx.msk [tilespmem:v8+s11+$0x0], $0xffff  }
0x184: {  	v6 =	vadd.f32 v6, v43;
	v4 =	vmul.f32 v7, v16;
	v7 =	vld [tilespmem:s25+$0x150]  }
0x185: {  	v1 =	vunpack.i.u.bf16.f32 v10;
	v45 =	vld.idx.msk [tilespmem:v38+s11+$0x0], $0xffff  }
0x186: {  	v19 =	vmul.f32 v19, v58;
	[tilespmem:s26+$0x20] =	vst v4;
	v4 =	vmul.f32 v6, v35;
	v58 =	vld [tilespmem:s25+$0xFFFFFFB0];
	v1 =	vadd.f32 v5, v1  }
0x187: {  	v30 =	vunpack.i.u.bf16.f32 v22;
	[tilespmem:s26+$0xA0] =	vst v0;
	v10 =	vunpack.i.l.bf16.f32 v10;
	v5 =	vld [tilespmem:s25+$0xFFFFFF30]  }
0x188: {  	v22 =	vunpack.i.l.bf16.f32 v22;
	v6 =	vunpack.i.u.bf16.f32 v48;
	[tilespmem:s26+$0x1A0] =	vst v4;
	v4 =	vld [tilespmem:s25+$0xB0];
	v0 =	vmul.f32 v1, v10  }
0x189: {  	v38 =	vunpack.i.u.bf16.f32 v2;
	v35 =	vunpack.i.l.bf16.f32 v2;
	v2 =	vadd.f32 v11, v6;
	[tilespmem:s24+$0xF0] =	vst v19;
	v6 =	vld [tilespmem:s25+$0x1B0]  }
0x18a: {  	v40 =	vmov v22;
	v36 =	vmul.f32 v39, v42;
	v22 =	vld.idx.msk [tilespmem:v61+s11+$0x0], $0xffff;
	[tilespmem:s26+$0xFFFFFE30] =	vst v0;
	v0 =	vunpack.i.u.bf16.f32 v7  }
0x18b: {  	v48 =	vunpack.i.l.bf16.f32 v48;
	v0 =	vadd.f32 v45, v0;
	v45 =	vld [tilespmem:$0x1FE70]  }
0x18c: {  	[tilespmem:s24+$0x1F0] =	vst v36;
	v1 =	vld [tilespmem:s25+$0x30];
	v2 =	vmul.f32 v2, v48  }
0x18d: {  	v39 =	vor.u32 v47, v33;
	[tilespmem:s24+$0x70] =	vst v55;
	v41 =	vld.idx.msk [tilespmem:v59+s11+$0x0], $0xffff;
	v7 =	vunpack.i.l.bf16.f32 v7  }
0x18e: {  	v19 =	vld.idx.msk [tilespmem:v62+s11+$0x0], $0xffff;
	[tilespmem:s26+$0xFFFFFEB0] =	vst v2;
	v0 =	vmul.f32 v0, v7  }
0x18f: {  	v29 =	vor.u32 v47, v25;
	v32 =	vor.u32 v47, v28;
	v10 =	vunpack.i.u.bf16.f32 v5;
	v43 =	vld [tilespmem:s25+$0xFFFFFEC0]  }
0x190: {  	v27 =	vor.u32 v47, v26;
	v31 =	vor.u32 v20, v21;
	v2 =	vadd.f32 v8, v10;
	v10 =	vld [tilespmem:s25+$0xFFFFFE40];
	[tilespmem:s26+$0x150] =	vst v0  }
0x191: {  	v21 =	vunpack.i.u.bf16.f32 v12;
	v11 =	vunpack.i.u.bf16.f32 v58;
	v16 =	vunpack.i.l.bf16.f32 v58;
	v42 =	vld [tilespmem:s25+$0x160]  }
0x192: {  	v11 =	vadd.f32 v37, v11;
	v5 =	vunpack.i.l.bf16.f32 v5;
	v18 =	vunpack.i.u.bf16.f32 v1;
	v8 =	vld.idx.msk [tilespmem:v39+s11+$0x0], $0xffff  }
0x193: {  	v2 =	vmul.f32 v2, v5;
	v5 =	vadd.f32 v19, v18;
	v0 =	vunpack.i.u.bf16.f32 v6;
	v46 =	vld.idx.msk [tilespmem:v45+s11+$0x0], $0xffff  }
0x194: {  	v47 =	vld.idx.msk [tilespmem:v51+s11+$0x0], $0xffff;
	v1 =	vunpack.i.l.bf16.f32 v1;
	v7 =	vunpack.i.u.bf16.f32 v4;
	v0 =	vadd.f32 v41, v0  }
0x195: {  	v63 =	vld [tilespmem:$0x1FE00];
	v7 =	vadd.f32 v22, v7;
	v6 =	vunpack.i.l.bf16.f32 v6;
	v1 =	vmul.f32 v5, v1  }
0x196: {  	v34 =	vld [tilespmem:$0x1FEB0];
	v11 =	vmul.f32 v11, v16;
	v4 =	vunpack.i.l.bf16.f32 v4;
	v0 =	vmul.f32 v0, v6  }
0x197: {  	v52 =	vld [tilespmem:$0x1FE30];
	v4 =	vmul.f32 v7, v4;
	v7 =	vunpack.i.u.bf16.f32 v10;
	[tilespmem:s26+$0x30] =	vst v1;
	v5 =	vunpack.i.u.bf16.f32 v42  }
0x198: {  	v51 =	vld [tilespmem:$0x1FE80];
	[tilespmem:s26+$0x1B0] =	vst v0;
	v1 =	vadd.f32 v8, v5;
	v5 =	vunpack.i.u.bf16.f32 v43;
	v0 =	vadd.f32 v46, v7  }
0x199: {  	v12 =	vunpack.i.l.bf16.f32 v12;
	v36 =	vld [tilespmem:$0x1FEC0];
	[tilespmem:s26+$0xFFFFFFB0] =	vst v11;
	v10 =	vunpack.i.l.bf16.f32 v10;
	v5 =	vadd.f32 v47, v5  }
0x19a: {  	v56 =	vmov v12;
	v11 =	vld [tilespmem:s25+$0xFFFFFFC0];
	[tilespmem:s26+$0xFFFFFF30] =	vst v2;
	v12 =	vunpack.i.l.bf16.f32 v43;
	v0 =	vmul.f32 v0, v10  }
0x19b: {  	v2 =	vld [tilespmem:s25+$0xFFFFFF40];
	v5 =	vmul.f32 v5, v12  }
0x19c: {  	[tilespmem:s26+$0xFFFFFE40] =	vst v0;
	v0 =	vld [tilespmem:$0x1FE90]  }
0x19d: {  	[tilespmem:s26+$0xFFFFFEC0] =	vst v5;
	v5 =	vld [tilespmem:$0x1FEA0]  }
0x19e: {  	[tilespmem:s26+$0xB0] =	vst v4;
	v6 =	vld [tilespmem:s25+$0x40];
	v4 =	vunpack.i.l.bf16.f32 v42;
	v8 =	vor.u32 v20, v33  }
0x19f: {  	v48 =	vld [tilespmem:s25+$0xC0];
	v1 =	vmul.f32 v1, v4  }
0x1a0: {  	v58 =	vld.idx.msk [tilespmem:v51+s11+$0x0], $0xffff  }
0x1a1: {  	v19 =	vld.idx.msk [tilespmem:v34+s11+$0x0], $0xffff;
	[tilespmem:s26+$0x160] =	vst v1  }
0x1a2: {  	v1 =	vunpack.i.u.bf16.f32 v11;
	v10 =	vunpack.i.l.bf16.f32 v11;
	v11 =	vld [tilespmem:s25+$0x170]  }
0x1a3: {  	v8 =	vld.idx.msk [tilespmem:v8+s11+$0x0], $0xffff  }
0x1a4: {  	v0 =	vld.idx.msk [tilespmem:v0+s11+$0x0], $0xffff  }
0x1a5: {  	v7 =	vunpack.i.u.bf16.f32 v2;
	v5 =	vld.idx.msk [tilespmem:v5+s11+$0x0], $0xffff  }
0x1a6: {  	v4 =	vld [tilespmem:s25+$0x1C0];
	v7 =	vadd.f32 v58, v7  }
0x1a7: {  	v37 =	vld.idx.msk [tilespmem:v36+s11+$0x0], $0xffff;
	v2 =	vunpack.i.l.bf16.f32 v2;
	v39 =	vunpack.i.u.bf16.f32 v11  }
0x1a8: {  	v2 =	vmul.f32 v7, v2;
	v22 =	vld [tilespmem:s25+$0xFFFFFE50];
	v7 =	vadd.f32 v8, v39  }
0x1a9: {  	v61 =	vunpack.i.u.bf16.f32 v6;
	v8 =	vld.idx.msk [tilespmem:v14+s11+$0x0], $0xffff;
	v0 =	vadd.f32 v0, v1;
	v1 =	vunpack.i.l.bf16.f32 v11  }
0x1aa: {  	[tilespmem:s26+$0xFFFFFF40] =	vst v2;
	v2 =	vadd.f32 v5, v61;
	v11 =	vld [tilespmem:$0x1FED0];
	v1 =	vmul.f32 v7, v1  }
0x1ab: {  	v23 =	vor.u32 v20, v26;
	v54 =	vld [tilespmem:$0x1FE50];
	v6 =	vunpack.i.l.bf16.f32 v6;
	v18 =	vunpack.i.u.bf16.f32 v4  }
0x1ac: {  	v26 =	vunpack.i.u.bf16.f32 v13;
	v42 =	vld [tilespmem:$0x1FEE0];
	v2 =	vmul.f32 v2, v6;
	[tilespmem:s26+$0x170] =	vst v1;
	v1 =	vadd.f32 v37, v18  }
0x1ad: {  	v55 =	vld [tilespmem:$0x1FE60];
	v4 =	vunpack.i.l.bf16.f32 v4;
	v0 =	vmul.f32 v0, v10;
	v10 =	vunpack.i.u.bf16.f32 v22  }
0x1ae: {  	v62 =	vunpack.i.u.bf16.f32 v48;
	v46 =	vld [tilespmem:$0x1FF20];
	[tilespmem:s26+$0x40] =	vst v2;
	v2 =	vadd.f32 v8, v10;
	v1 =	vmul.f32 v1, v4  }
0x1af: {  	v13 =	vunpack.i.l.bf16.f32 v13;
	v41 =	vld [tilespmem:s25+$0xFFFFFED0];
	v7 =	vadd.f32 v19, v62;
	v6 =	vunpack.i.l.bf16.f32 v22  }
0x1b0: {  	v57 =	vmov v13;
	v13 =	vunpack.i.l.bf16.f32 v48;
	[tilespmem:s26+$0x1C0] =	vst v1;
	v1 =	vmul.f32 v2, v6;
	v6 =	vld [tilespmem:$0x1FF00]  }
0x1b1: {  	[tilespmem:s26+$0xFFFFFFC0] =	vst v0;
	v0 =	vmul.f32 v7, v13;
	v7 =	vld [tilespmem:$0x1FEF0]  }
0x1b2: {  	v11 =	vld.idx.msk [tilespmem:v11+s11+$0x0], $0xffff  }
0x1b3: {  	v5 =	vld [tilespmem:s25+$0xFFFFFF50]  }
0x1b4: {  	v12 =	vld.idx.msk [tilespmem:v42+s11+$0x0], $0xffff  }
0x1b5: {  	v48 =	vld [tilespmem:$0x1FF40]  }
0x1b6: {  	v43 =	vunpack.i.u.bf16.f32 v41;
	v45 =	vld [tilespmem:s25+$0xFFFFFFD0]  }
0x1b7: {  	v25 =	vor.u32 v20, v25;
	[tilespmem:s26+$0xC0] =	vst v0;
	v0 =	vadd.f32 v11, v43;
	v11 =	vld [tilespmem:$0x1FF10]  }
0x1b8: {  	v28 =	vor.u32 v20, v28;
	v20 =	vmovc v3;
	v3 =	vunpack.i.l.bf16.f32 v41;
	v8 =	vunpack.i.u.bf16.f32 v5;
	v6 =	vld.idx.msk [tilespmem:v6+s11+$0x0], $0xffff  }
0x1b9: {  	v7 =	vld.idx.msk [tilespmem:v7+s11+$0x0], $0xffff;
	v0 =	vmul.f32 v0, v3;
	v3 =	vadd.f32 v12, v8  }
0x1ba: {  	v5 =	vunpack.i.l.bf16.f32 v5;
	v4 =	vld [tilespmem:s25+$0x50]  }
0x1bb: {  	[tilespmem:s26+$0xFFFFFED0] =	vst v0;
	v0 =	vmul.f32 v3, v5;
	v5 =	vld [tilespmem:$0x1FF30]  }
0x1bc: {  	v2 =	vld [tilespmem:s25+$0x1D0];
	[tilespmem:s26+$0xFFFFFE50] =	vst v1;
	v1 =	vunpack.i.u.bf16.f32 v45  }
0x1bd: {  	v1 =	vadd.f32 v6, v1;
	v6 =	vld [tilespmem:$0x1FF50]  }
0x1be: {  	v10 =	vld [tilespmem:s25+$0xD0];
	v7 =	vadd.f32 v7, v46  }
0x1bf: {  	v9 =	vunpack.i.l.bf16.f32 v9;
	v13 =	vld.idx.msk [tilespmem:v48+s11+$0x0], $0xffff  }
0x1c0: {  	v7 =	vmul.f32 v7, v9;
	v11 =	vld.idx.msk [tilespmem:v11+s11+$0x0], $0xffff  }
0x1c1: {  	s24 =	smov.u32 s29;
	v51 =	vunpack.i.l.bf16.f32 v2;
	[tilespmem:s26+$0xFFFFFF50] =	vst v0;
	v0 =	vunpack.i.u.bf16.f32 v2;
	v2 =	vld [tilespmem:s25+$0xFFFFFEE0]  }
0x1c2: {  	[tilespmem:s24+$0xFFFFFEF0] =	vst v7;
	v7 =	vld [tilespmem:$0x1FF70]  }
0x1c3: {  	v5 =	vld.idx.msk [tilespmem:v5+s11+$0x0], $0xffff  }
0x1c4: {  	v3 =	vunpack.i.u.bf16.f32 v4;
	v9 =	vld [tilespmem:s25+$0xFFFFFE60]  }
0x1c5: {  	v3 =	vadd.f32 v11, v3;
	v61 =	vld.idx.msk [tilespmem:v6+s11+$0x0], $0xffff  }
0x1c6: {  	v47 =	vunpack.i.u.bf16.f32 v10;
	v8 =	vunpack.i.l.bf16.f32 v45;
	v4 =	vunpack.i.l.bf16.f32 v4;
	v6 =	vld [tilespmem:$0x1FF60]  }
0x1c7: {  	v1 =	vmul.f32 v1, v8;
	v3 =	vmul.f32 v3, v4;
	v4 =	vadd.f32 v13, v0;
	v0 =	vld [tilespmem:$0x1FF80]  }
0x1c8: {  	v59 =	vld [tilespmem:$0x1FF90];
	v5 =	vadd.f32 v5, v47  }
0x1c9: {  	s31 =	sadd.s32 $0x8, s31;
	v10 =	vunpack.i.l.bf16.f32 v10;
	v58 =	vld [tilespmem:s25+$0xFFFFFF60];
	v8 =	vunpack.i.l.bf16.f32 v9;
	[tilespmem:s26+$0xFFFFFFD0] =	vst v1;
	v1 =	vunpack.i.l.bf16.f32 v2  }
0x1ca: {  	p0 =	slt.u32 s31, $0x78;
	v11 =	vunpack.i.u.bf16.f32 v9;
	v9 =	vunpack.i.u.bf16.f32 v2;
	v2 =	vld [tilespmem:s25+$0xFFFFFFE0];
	v5 =	vmul.f32 v5, v10  }
.Ltmp0:
0x1cb: {  	v7 =	vld.idx.msk [tilespmem:v7+s11+$0x0], $0xffff;
	[tilespmem:s26+$0x50] =	vst v3;
	(pc) =	sbr.rel @p0 .LBB2_3-.Ltmp0, $4  }
0x1cc: {  	v3 =	vld [tilespmem:s25+$0x60];
	[tilespmem:s26+$0xD0] =	vst v5  }
0x1cd: {  	v62 =	vmul.f32 v4, v51;
	v5 =	vld [tilespmem:s25+$0xE0]  }
0x1ce: {  	v53 =	vlaneseq.u32;
	v6 =	vld.idx.msk [tilespmem:v6+s11+$0x0], $0xffff  }
0x1cf: {  	s30 =	smov.u32 s25;
	s29 =	smov.u32 s26;
	v22 =	vmovc v44;
	v4 =	vunpack.i.l.bf16.f32 v58;
	v10 =	vunpack.i.u.bf16.f32 v58;
	[tilespmem:s26+$0x1D0] =	vst v62;
	v11 =	vadd.f32 v61, v11;
	v0 =	vld.idx.msk [tilespmem:v0+s11+$0x0], $0xffff  }
0x1d0: {  	_ =	sdelay $0x2  }
0x1d1: {  	v12 =	vld [tilespmem:s25+$0x1E0]  }
0x1d2: {  	v13 =	vld.idx.msk [tilespmem:v50+s11+$0x0], $0xffff  }
0x1d3: {  	v14 =	vld.idx.msk [tilespmem:v29+s11+$0x0], $0xffff  }
0x1d4: {  	v7 =	vadd.f32 v7, v10;
	v10 =	vld.idx.msk [tilespmem:v63+s11+$0x0], $0xffff  }
0x1d5: {  	v46 =	vld.idx.msk [tilespmem:v55+s11+$0x0], $0xffff;
	v8 =	vmul.f32 v11, v8  }
0x1d6: {  	v11 =	vld.idx.msk [tilespmem:v27+s11+$0x0], $0xffff  }
0x1d7: {  	[tilespmem:s26+$0xFFFFFE60] =	vst v8;
	v8 =	vld.idx.msk [tilespmem:v32+s11+$0x0], $0xffff;
	v6 =	vadd.f32 v6, v9  }
0x1d8: {  	v15 =	vld [tilespmem:s25+$0xFFFFFE70]  }
0x1d9: {  	v16 =	vunpack.i.u.bf16.f32 v2;
	v17 =	vunpack.i.u.bf16.f32 v3;
	v9 =	vld.idx.msk [tilespmem:v31+s11+$0x0], $0xffff;
	v1 =	vmul.f32 v6, v1  }
0x1da: {  	v18 =	vunpack.i.u.bf16.f32 v5;
	v4 =	vmul.f32 v7, v4;
	v13 =	vadd.f32 v13, v16;
	v6 =	vld.idx.msk [tilespmem:v52+s11+$0x0], $0xffff  }
0x1db: {  	v2 =	vunpack.i.l.bf16.f32 v2;
	v7 =	vadd.f32 v14, v18;
	v14 =	vld.idx.msk [tilespmem:v54+s11+$0x0], $0xffff;
	v11 =	vadd.f32 v11, v17;
	[tilespmem:s26+$0xFFFFFEE0] =	vst v1  }
0x1dc: {  	v3 =	vunpack.i.l.bf16.f32 v3;
	[tilespmem:s26+$0xFFFFFF60] =	vst v4;
	v2 =	vmul.f32 v13, v2;
	v4 =	vld [tilespmem:s25+$0xFFFFFEF0]  }
0x1dd: {  	v3 =	vmul.f32 v11, v3;
	v11 =	vld.idx.msk [tilespmem:v20+s11+$0x0], $0xffff  }
0x1de: {  	v0 =	vadd.f32 v0, v49;
	v19 =	vunpack.i.u.bf16.f32 v12;
	v1 =	vunpack.i.l.bf16.f32 v5;
	[tilespmem:s26+$0xFFFFFFE0] =	vst v2;
	v2 =	vld [tilespmem:s30+$0xFFFFFF70]  }
0x1df: {  	v5 =	vadd.f32 v8, v19;
	v1 =	vmul.f32 v7, v1;
	[tilespmem:s26+$0x60] =	vst v3;
	v3 =	vld [tilespmem:s30+$0xFFFFFFF0]  }
0x1e0: {  	v10 =	vadd.f32 v10, v21;
	v0 =	vmul.f32 v0, v60;
	v8 =	vunpack.i.l.bf16.f32 v12;
	v47 =	vld.idx.msk [tilespmem:v24+s11+$0x0], $0xffff  }
0x1e1: {  	v7 =	vunpack.i.u.bf16.f32 v15;
	v5 =	vmul.f32 v5, v8;
	[tilespmem:s26+$0xE0] =	vst v1;
	v1 =	vld [tilespmem:s30+$0x70]  }
0x1e2: {  	v10 =	vmul.f32 v10, v56;
	[tilespmem:s24+$0xFFFFFF70] =	vst v0;
	v7 =	vadd.f32 v9, v7;
	v0 =	vld.idx.msk [tilespmem:v25+s11+$0x0], $0xffff  }
0x1e3: {  	v12 =	vadd.f32 v46, v26;
	v9 =	vunpack.i.l.bf16.f32 v15;
	v6 =	vadd.f32 v6, v30;
	[tilespmem:s26+$0x1E0] =	vst v5;
	v5 =	vld [tilespmem:s30+$0xF0]  }
0x1e4: {  	v14 =	vadd.f32 v14, v38;
	v7 =	vmul.f32 v7, v9;
	v9 =	vld.idx.msk [tilespmem:v22+s11+$0x0], $0xffff  }
0x1e5: {  	[tilespmem:s24+$0xFFFFFFF0] =	vst v10;
	v12 =	vmul.f32 v12, v57;
	v6 =	vmul.f32 v6, v40;
	v8 =	vld [tilespmem:s30+$0x1F0];
	v13 =	vunpack.i.u.bf16.f32 v4  }
0x1e6: {  	v4 =	vunpack.i.l.bf16.f32 v4;
	v15 =	vunpack.i.u.bf16.f32 v2;
	[tilespmem:s29+$0xFFFFFE70] =	vst v7;
	v7 =	vld.idx.msk [tilespmem:v23+s11+$0x0], $0xffff;
	v10 =	vadd.f32 v11, v13  }
0x1e7: {  	v11 =	vld.idx.msk [tilespmem:v28+s11+$0x0], $0xffff;
	v2 =	vunpack.i.l.bf16.f32 v2;
	v13 =	vmul.f32 v14, v35;
	v48 =	vunpack.i.u.bf16.f32 v3  }
0x1e8: {  	[tilespmem:s24+$0xF0] =	vst v6;
	v3 =	vunpack.i.l.bf16.f32 v3;
	v4 =	vmul.f32 v10, v4;
	v6 =	vadd.f32 v47, v48  }
0x1e9: {  	[tilespmem:s24+$0x70] =	vst v12;
	v18 =	vunpack.i.u.bf16.f32 v1;
	v19 =	vunpack.i.u.bf16.f32 v5;
	v9 =	vadd.f32 v9, v15  }
0x1ea: {  	[tilespmem:s29+$0xFFFFFEF0] =	vst v4;
	v0 =	vadd.f32 v0, v19;
	v3 =	vmul.f32 v6, v3;
	v4 =	vunpack.i.l.bf16.f32 v5  }
0x1eb: {  	[tilespmem:s24+$0x1F0] =	vst v13;
	v7 =	vadd.f32 v7, v18;
	v2 =	vmul.f32 v9, v2;
	v9 =	vunpack.i.u.bf16.f32 v8  }
0x1ec: {  	v1 =	vunpack.i.l.bf16.f32 v1;
	v5 =	vadd.f32 v11, v9;
	v0 =	vmul.f32 v0, v4;
	[tilespmem:s29+$0xFFFFFFF0] =	vst v3  }
0x1ed: {  	v1 =	vmul.f32 v7, v1;
	[tilespmem:s29+$0xFFFFFF70] =	vst v2;
	v2 =	vunpack.i.l.bf16.f32 v8  }
0x1ee: {  	s0 =	sadd.s32 s3, s28;
	v2 =	vmul.f32 v5, v2;
	[tilespmem:s29+$0xF0] =	vst v0  }
0x1ef: {  	s6 =	sadd.s32 $0xFFFFFFF8, s21;
	s0 =	sshll.u32 s0, $0x4;
	[tilespmem:s29+$0x70] =	vst v1  }
0x1f0: {  	s31 =	sadd.s32 $0x8E, s6;
	s0 =	sadd.s32 s2, s0;
	[tilespmem:s29+$0x1F0] =	vst v2  }
0x1f1: {  	[hbm4b:s0+s4] =	stream.linear.scatter [tilespmem:s18], [sflag:$0x2], $0x4000, $0x38;
	[tilespmem:$0x13E00] =	vst v63  }
0x1f2: {  	s24 =	sadd.s32 $0x88, s6;
	v0 =	vmov s31;
	_ =	swait.ge [sflag:s14], $0x4000  }
0x1f3: {  	p0 =	seq.s32 s22, $0x18;
	s25 =	sadd.s32 $0x89, s6;
	v0 =	vand.u32 $0xFFFFFFFE, v0;
	v1 =	vmov s24;
	[sflag:s14] =	ssyncset.done $0x0  }
0x1f4: {  	s26 =	sadd.s32 $0x8A, s6;
	v0 =	vbroadcast v0, $0x0;
	v2 =	vmov s25;
	v1 =	vand.u32 $0xFFFFFFF8, v1;
	s0 =	simm.s32 @!p0 $0x2;
	[sflag:s14] =	ssyncadd.s32 $0xFFFFC000  }
0x1f5: {  	v3 =	vmov s26;
	s29 =	sadd.s32 $0x8B, s6;
	v2 =	vand.u32 $0xFFFFFFF9, v2;
	v1 =	vbroadcast v1, $0x0;
	_ =	swait.ge @!p0 [sflag:s0], $0x4000  }
0x1f6: {  	s1 =	sshll.u32 @!p0 s22, $0x8;
	s30 =	sadd.s32 $0x8C, s6;
	v3 =	vand.u32 $0xFFFFFFFA, v3;
	v4 =	vmov s29;
	v2 =	vbroadcast v2, $0x0;
	[sflag:s0] =	ssyncset.done @!p0 $0x0  }
0x1f7: {  	s31 =	sadd.s32 $0x8D, s6;
	v5 =	vmov s30;
	v3 =	vbroadcast v3, $0x0;
	v4 =	vand.u32 $0xFFFFFFFB, v4;
	[sflag:s0] =	ssyncadd.s32 @!p0 $0xFFFFC000;
	s0 =	sand.u32 @!p0 $0x3FFFFF00, s1  }
0x1f8: {  	s7 =	simm.s32 @!p0 $0x80;
	s16 =	simm.s32 @!p0 $0x3200;
	v6 =	vmov s31;
	v5 =	vand.u32 $0xFFFFFFFC, v5;
	v4 =	vbroadcast v4, $0x0;
	s0 =	sadd.s32 @!p0 $0x100, s0  }
0x1f9: {  	v6 =	vand.u32 $0xFFFFFFFD, v6;
	v5 =	vbroadcast v5, $0x0;
	[tilespmem:s16], [sflag:$0x1] =	stream.indirect.gather @!p0 [hbm4b:s5+s7], $0x80, s0, s7, $0xb8;
	[tilespmem:$0x13E00] =	vst v63  }
0x1fa: {  	v6 =	vbroadcast v6, $0x0;
	v0 =	vld.idx.msk [tilespmem:v0+s10+$0x0], $0xffff  }
0x1fb: {  	s6 =	sadd.s32 $0x8F, s6;
	v1 =	vld.idx.msk [tilespmem:v1+s10+$0x0], $0xffff  }
0x1fc: {  	v7 =	vmov s6;
	v2 =	vld.idx.msk [tilespmem:v2+s10+$0x0], $0xffff  }
0x1fd: {  	v3 =	vld.idx.msk [tilespmem:v3+s10+$0x0], $0xffff  }
0x1fe: {  	v4 =	vld.idx.msk [tilespmem:v4+s10+$0x0], $0xffff  }
0x1ff: {  	v5 =	vld.idx.msk [tilespmem:v5+s10+$0x0], $0xffff  }
0x200: {  	v6 =	vld.idx.msk [tilespmem:v6+s10+$0x0], $0xffff  }
0x201: {  	s24 =	simm.s32 $0x0;
	v7 =	vld.idx.msk [tilespmem:v7+s10+$0x0], $0xffff  }
0x202: {  	v9 =	vld [tilespmem:s24+$0x7500]  }
0x203: {  	v15 =	vld [tilespmem:s24+$0x7200]  }
0x204: {  	v50 =	vld [tilespmem:s24+$0x7380]  }
0x205: {  	v18 =	vld [tilespmem:s24+$0x7400]  }
0x206: {  	v28 =	vld [tilespmem:s24+$0x7210];
	v0 =	vshll.u32 v0, $0x7  }
0x207: {  	v52 =	vld [tilespmem:s24+$0x7290];
	v8 =	vor.u32 v53, v0  }
0x208: {  	v34 =	vld [tilespmem:s24+$0x7310]  }
0x209: {  	v37 =	vld [tilespmem:s24+$0x7390]  }
0x20a: {  	v55 =	vld [tilespmem:s24+$0x7520]  }
0x20b: {  	v62 =	vld [tilespmem:s24+$0x7530]  }
0x20c: {  	v8 =	vld.idx.msk [tilespmem:v8+s11+$0x0], $0xffff  }
0x20d: {  	v41 =	vld [tilespmem:s24+$0x73A0];
	v14 =	vshll.u32 v1, $0x7  }
0x20e: {  	v46 =	vld [tilespmem:s24+$0x75A0];
	v13 =	vshll.u32 v2, $0x7;
	v12 =	vor.u32 v53, v14  }
0x20f: {  	v47 =	vld [tilespmem:s24+$0x7540];
	v49 =	vor.u32 v53, v13  }
0x210: {  	v1 =	vld [tilespmem:s24+$0x7280];
	v10 =	vunpack.i.u.bf16.f32 v9  }
0x211: {  	v2 =	vld [tilespmem:s24+$0x7300];
	v11 =	vshll.u32 v3, $0x7;
	v19 =	vor.u32 v59, v0;
	v10 =	vadd.f32 v8, v10  }
0x212: {  	v3 =	vld [tilespmem:s24+$0x7480];
	v9 =	vunpack.i.l.bf16.f32 v9;
	v20 =	vor.u32 v53, v11  }
0x213: {  	v21 =	vmul.f32 v10, v9;
	v10 =	vshll.u32 v5, $0x7;
	v5 =	vld.idx.msk [tilespmem:v12+s11+$0x0], $0xffff  }
0x214: {  	v8 =	vshll.u32 v4, $0x7;
	v9 =	vshll.u32 v6, $0x7;
	v6 =	vld.idx.msk [tilespmem:v49+s11+$0x0], $0xffff  }
0x215: {  	v22 =	vor.u32 v53, v8;
	v12 =	vshll.u32 v7, $0x7;
	v7 =	vld [tilespmem:s24+$0x7510];
	[tilespmem:s24+$0xF500] =	vst v21  }
0x216: {  	v19 =	vld.idx.msk [tilespmem:v19+s11+$0x0], $0xffff  }
0x217: {  	v20 =	vld.idx.msk [tilespmem:v20+s11+$0x0], $0xffff;
	v23 =	vor.u32 v53, v10  }
0x218: {  	v4 =	vld [tilespmem:s24+$0x7580];
	v51 =	vor.u32 v53, v9  }
0x219: {  	v56 =	vld [tilespmem:$0x1FFE0]  }
0x21a: {  	v54 =	vunpack.i.u.bf16.f32 v1;
	v21 =	vor.u32 v53, v12;
	v22 =	vld.idx.msk [tilespmem:v22+s11+$0x0], $0xffff;
	v25 =	vunpack.i.u.bf16.f32 v7  }
0x21b: {  	v6 =	vadd.f32 v6, v54;
	v54 =	vld [tilespmem:s24+$0x7550];
	v19 =	vadd.f32 v19, v25  }
0x21c: {  	v33 =	vunpack.i.u.bf16.f32 v15;
	v15 =	vunpack.i.l.bf16.f32 v15;
	v7 =	vunpack.i.l.bf16.f32 v7;
	v23 =	vld.idx.msk [tilespmem:v23+s11+$0x0], $0xffff  }
0x21d: {  	v24 =	vor.u32 v59, v14;
	v5 =	vadd.f32 v5, v33;
	v16 =	vld.idx.msk [tilespmem:v51+s11+$0x0], $0xffff;
	v7 =	vmul.f32 v19, v7  }
0x21e: {  	v1 =	vunpack.i.l.bf16.f32 v1;
	v36 =	vunpack.i.u.bf16.f32 v2;
	v51 =	vld [tilespmem:s24+$0x7330];
	v29 =	vor.u32 v56, v0  }
0x21f: {  	v21 =	vld.idx.msk [tilespmem:v21+s11+$0x0], $0xffff;
	v5 =	vmul.f32 v5, v15;
	v15 =	vadd.f32 v20, v36;
	[tilespmem:s24+$0xF510] =	vst v7;
	v7 =	vunpack.i.u.bf16.f32 v50  }
0x220: {  	v2 =	vunpack.i.l.bf16.f32 v2;
	v20 =	vld [tilespmem:s24+$0x7410];
	v1 =	vmul.f32 v6, v1;
	v6 =	vadd.f32 v22, v7  }
0x221: {  	v17 =	vunpack.i.l.bf16.f32 v50;
	v26 =	vor.u32 v59, v13;
	[tilespmem:s24+$0xF200] =	vst v5;
	v2 =	vmul.f32 v15, v2;
	v15 =	vld [tilespmem:s24+$0x7590]  }
0x222: {  	v27 =	vor.u32 v59, v11;
	[tilespmem:s24+$0xF280] =	vst v1;
	v60 =	vld.idx.msk [tilespmem:v24+s11+$0x0], $0xffff;
	v1 =	vmul.f32 v6, v17  }
0x223: {  	v57 =	vunpack.i.u.bf16.f32 v18;
	v18 =	vunpack.i.l.bf16.f32 v18;
	[tilespmem:s24+$0xF300] =	vst v2;
	v29 =	vld.idx.msk [tilespmem:v29+s11+$0x0], $0xffff  }
0x224: {  	v58 =	vunpack.i.u.bf16.f32 v3;
	v25 =	vor.u32 v59, v8;
	v5 =	vadd.f32 v23, v57;
	v7 =	vld [tilespmem:s24+$0x7490];
	[tilespmem:s24+$0xF380] =	vst v1  }
0x225: {  	v3 =	vunpack.i.l.bf16.f32 v3;
	v22 =	vunpack.i.u.bf16.f32 v4;
	v6 =	vadd.f32 v16, v58;
	v57 =	vld [tilespmem:$0x1FFF0]  }
0x226: {  	v30 =	vor.u32 v59, v10;
	v2 =	vmul.f32 v5, v18;
	v5 =	vld.idx.msk [tilespmem:v26+s11+$0x0], $0xffff;
	v21 =	vadd.f32 v21, v22  }
0x227: {  	v19 =	vor.u32 v59, v12;
	v4 =	vunpack.i.l.bf16.f32 v4;
	v1 =	vmul.f32 v6, v3;
	v3 =	vld.idx.msk [tilespmem:v27+s11+$0x0], $0xffff  }
0x228: {  	v61 =	vunpack.i.u.bf16.f32 v55;
	v4 =	vmul.f32 v21, v4;
	v27 =	vld [tilespmem:s24+$0x7220]  }
0x229: {  	v17 =	vadd.f32 v29, v61;
	[tilespmem:s24+$0xF400] =	vst v2;
	v2 =	vld.idx.msk [tilespmem:v25+s11+$0x0], $0xffff  }
0x22a: {  	v18 =	vunpack.i.l.bf16.f32 v55;
	[tilespmem:s24+$0xF580] =	vst v4;
	v33 =	vld [tilespmem:s24+$0x73E0];
	v6 =	vor.u32 v57, v0  }
0x22b: {  	v31 =	vor.u32 v59, v9;
	[tilespmem:s24+$0xF480] =	vst v1;
	v1 =	vld.idx.msk [tilespmem:v30+s11+$0x0], $0xffff;
	v17 =	vmul.f32 v17, v18  }
0x22c: {  	v29 =	vunpack.i.u.bf16.f32 v28;
	v19 =	vld.idx.msk [tilespmem:v19+s11+$0x0], $0xffff  }
0x22d: {  	v16 =	vadd.f32 v60, v29;
	v29 =	vld [tilespmem:s24+$0x7320];
	[tilespmem:s24+$0xF520] =	vst v17  }
0x22e: {  	v32 =	vunpack.i.l.bf16.f32 v52;
	v63 =	vunpack.i.u.bf16.f32 v62;
	v40 =	vunpack.i.u.bf16.f32 v34;
	v55 =	vld [tilespmem:$0x1FFB0]  }
0x22f: {  	v34 =	vunpack.i.l.bf16.f32 v34;
	v43 =	vunpack.i.u.bf16.f32 v37;
	v21 =	vor.u32 v56, v14;
	v4 =	vld.idx.msk [tilespmem:v6+s11+$0x0], $0xffff  }
0x230: {  	v44 =	vunpack.i.l.bf16.f32 v37;
	v23 =	vor.u32 v56, v8;
	v28 =	vunpack.i.l.bf16.f32 v28;
	v18 =	vld.idx.msk [tilespmem:v31+s11+$0x0], $0xffff  }
0x231: {  	v30 =	vunpack.i.u.bf16.f32 v52;
	v31 =	vld [tilespmem:s24+$0x72A0];
	v16 =	vmul.f32 v16, v28;
	v3 =	vadd.f32 v3, v40  }
0x232: {  	v45 =	vunpack.i.u.bf16.f32 v20;
	v5 =	vadd.f32 v5, v30;
	v30 =	vld [tilespmem:s24+$0x74A0];
	v2 =	vadd.f32 v2, v43  }
0x233: {  	v20 =	vunpack.i.l.bf16.f32 v20;
	v28 =	vld [tilespmem:s24+$0x7420];
	[tilespmem:s24+$0xF210] =	vst v16;
	v3 =	vmul.f32 v3, v34;
	v1 =	vadd.f32 v1, v45  }
0x234: {  	v21 =	vld.idx.msk [tilespmem:v21+s11+$0x0], $0xffff;
	v2 =	vmul.f32 v2, v44;
	v42 =	vor.u32 v55, v0;
	v4 =	vadd.f32 v4, v63  }
0x235: {  	v48 =	vunpack.i.u.bf16.f32 v15;
	v17 =	vunpack.i.l.bf16.f32 v62;
	v34 =	vld [tilespmem:s24+$0x7460];
	[tilespmem:s24+$0xF310] =	vst v3;
	v1 =	vmul.f32 v1, v20  }
0x236: {  	v26 =	vor.u32 v56, v12;
	v44 =	vld [tilespmem:s24+$0x72C0];
	v3 =	vadd.f32 v19, v48;
	[tilespmem:s24+$0xF390] =	vst v2;
	v4 =	vmul.f32 v4, v17  }
0x237: {  	v15 =	vunpack.i.l.bf16.f32 v15;
	v5 =	vmul.f32 v5, v32;
	v19 =	vld [tilespmem:s24+$0x7230];
	v6 =	vor.u32 v56, v13;
	[tilespmem:s24+$0xF410] =	vst v1  }
0x238: {  	v1 =	vmul.f32 v3, v15;
	v3 =	vld.idx.msk [tilespmem:v23+s11+$0x0], $0xffff;
	[tilespmem:s24+$0xF530] =	vst v4;
	v4 =	vunpack.i.u.bf16.f32 v7  }
0x239: {  	[tilespmem:s24+$0xF290] =	vst v5;
	v4 =	vadd.f32 v18, v4;
	v5 =	vld.idx.msk [tilespmem:v42+s11+$0x0], $0xffff  }
0x23a: {  	v22 =	vor.u32 v56, v11;
	v23 =	vld [tilespmem:s24+$0x72B0];
	[tilespmem:s24+$0xF590] =	vst v1;
	v7 =	vunpack.i.l.bf16.f32 v7  }
0x23b: {  	v15 =	vld.idx.msk [tilespmem:v26+s11+$0x0], $0xffff;
	v26 =	vunpack.i.u.bf16.f32 v27;
	v2 =	vmul.f32 v4, v7  }
0x23c: {  	v24 =	vor.u32 v56, v10;
	v21 =	vadd.f32 v21, v26;
	v26 =	vunpack.i.u.bf16.f32 v41;
	v6 =	vld.idx.msk [tilespmem:v6+s11+$0x0], $0xffff  }
0x23d: {  	v25 =	vor.u32 v56, v9;
	v3 =	vadd.f32 v3, v26;
	v26 =	vld [tilespmem:s24+$0x74B0];
	v7 =	vunpack.i.u.bf16.f32 v47;
	[tilespmem:s24+$0xF490] =	vst v2  }
0x23e: {  	v5 =	vadd.f32 v5, v7;
	v58 =	vld [tilespmem:$0x1FFC0]  }
0x23f: {  	v49 =	vunpack.i.l.bf16.f32 v47;
	v4 =	vld.idx.msk [tilespmem:v22+s11+$0x0], $0xffff  }
0x240: {  	v47 =	vld [tilespmem:s24+$0x7340];
	v5 =	vmul.f32 v5, v49  }
0x241: {  	v2 =	vld.idx.msk [tilespmem:v24+s11+$0x0], $0xffff  }
0x242: {  	v18 =	vor.u32 v57, v14;
	v1 =	vld.idx.msk [tilespmem:v25+s11+$0x0], $0xffff;
	[tilespmem:s24+$0xF540] =	vst v5;
	v5 =	vunpack.i.l.bf16.f32 v27;
	v27 =	vunpack.i.u.bf16.f32 v31  }
0x243: {  	v62 =	vunpack.i.u.bf16.f32 v29;
	v49 =	vld [tilespmem:s24+$0x73C0];
	v7 =	vor.u32 v58, v0;
	v6 =	vadd.f32 v6, v27  }
0x244: {  	v4 =	vadd.f32 v4, v62;
	v31 =	vunpack.i.l.bf16.f32 v31;
	v27 =	vld [tilespmem:s24+$0x73B0];
	v5 =	vmul.f32 v21, v5  }
0x245: {  	v50 =	vor.u32 v57, v13;
	v29 =	vunpack.i.l.bf16.f32 v29;
	v21 =	vld [tilespmem:s24+$0x7430];
	v6 =	vmul.f32 v6, v31  }
0x246: {  	v20 =	vor.u32 v57, v11;
	v4 =	vmul.f32 v4, v29;
	[tilespmem:s24+$0xF220] =	vst v5;
	v5 =	vld [tilespmem:s24+$0x75B0]  }
0x247: {  	[tilespmem:s24+$0xF2A0] =	vst v6;
	v6 =	vld.idx.msk [tilespmem:v18+s11+$0x0], $0xffff  }
0x248: {  	v63 =	vunpack.i.l.bf16.f32 v41;
	[tilespmem:s24+$0xF320] =	vst v4;
	v7 =	vld.idx.msk [tilespmem:v7+s11+$0x0], $0xffff  }
0x249: {  	v40 =	vunpack.i.u.bf16.f32 v28;
	v3 =	vmul.f32 v3, v63;
	v22 =	vor.u32 v57, v8;
	v60 =	vld [tilespmem:$0x1FFD0]  }
0x24a: {  	v24 =	vor.u32 v57, v10;
	v2 =	vadd.f32 v2, v40;
	v4 =	vld.idx.msk [tilespmem:v50+s11+$0x0], $0xffff  }
0x24b: {  	v16 =	vunpack.i.l.bf16.f32 v46;
	v28 =	vunpack.i.l.bf16.f32 v28;
	[tilespmem:s24+$0xF3A0] =	vst v3;
	v3 =	vld.idx.msk [tilespmem:v20+s11+$0x0], $0xffff  }
0x24c: {  	v2 =	vmul.f32 v2, v28;
	v31 =	vunpack.i.u.bf16.f32 v30;
	v20 =	vunpack.i.l.bf16.f32 v30;
	v30 =	vld [tilespmem:s24+$0x7240]  }
0x24d: {  	v29 =	vunpack.i.u.bf16.f32 v54;
	v28 =	vunpack.i.u.bf16.f32 v46;
	v1 =	vadd.f32 v1, v31;
	v50 =	vld [tilespmem:s24+$0x74C0]  }
0x24e: {  	v46 =	vunpack.i.u.bf16.f32 v23;
	[tilespmem:s24+$0xF420] =	vst v2;
	v2 =	vld.idx.msk [tilespmem:v22+s11+$0x0], $0xffff;
	v7 =	vadd.f32 v7, v29;
	v41 =	vor.u32 v60, v0  }
0x24f: {  	v31 =	vunpack.i.u.bf16.f32 v19;
	v18 =	vunpack.i.l.bf16.f32 v54;
	v1 =	vmul.f32 v1, v20;
	v20 =	vld.idx.msk [tilespmem:v24+s11+$0x0], $0xffff  }
0x250: {  	v15 =	vadd.f32 v15, v28;
	v6 =	vadd.f32 v6, v31;
	v31 =	vld [tilespmem:s24+$0x7440];
	v7 =	vmul.f32 v7, v18  }
0x251: {  	v4 =	vadd.f32 v4, v46;
	v46 =	vld [tilespmem:s24+$0x72E0]  }
0x252: {  	[tilespmem:s24+$0xF550] =	vst v7;
	v7 =	vmul.f32 v15, v16;
	v15 =	vld [tilespmem:s24+$0x7560]  }
0x253: {  	v48 =	vunpack.i.u.bf16.f32 v51;
	v25 =	vor.u32 v57, v9;
	[tilespmem:s24+$0xF4A0] =	vst v1;
	v1 =	vld.idx.msk [tilespmem:v41+s11+$0x0], $0xffff  }
0x254: {  	v43 =	vor.u32 v55, v13;
	v19 =	vunpack.i.l.bf16.f32 v19;
	v3 =	vadd.f32 v3, v48;
	v48 =	vld [tilespmem:s24+$0x7360];
	[tilespmem:s24+$0xF5A0] =	vst v7  }
0x255: {  	v23 =	vunpack.i.l.bf16.f32 v23;
	v6 =	vmul.f32 v6, v19;
	v18 =	vor.u32 v57, v12;
	v54 =	vld [tilespmem:$0x1FFA0]  }
0x256: {  	v32 =	vunpack.i.l.bf16.f32 v51;
	v51 =	vunpack.i.u.bf16.f32 v21;
	v19 =	vld [tilespmem:s24+$0x75C0];
	v4 =	vmul.f32 v4, v23  }
0x257: {  	v3 =	vmul.f32 v3, v32;
	v32 =	vld [tilespmem:s24+$0x74E0];
	[tilespmem:s24+$0xF230] =	vst v6;
	v6 =	vadd.f32 v20, v51;
	v45 =	vunpack.i.u.bf16.f32 v15  }
0x258: {  	v42 =	vor.u32 v55, v14;
	v21 =	vunpack.i.l.bf16.f32 v21;
	v7 =	vld.idx.msk [tilespmem:v25+s11+$0x0], $0xffff;
	[tilespmem:s24+$0xF2B0] =	vst v4;
	v1 =	vadd.f32 v1, v45  }
0x259: {  	[tilespmem:s24+$0xF330] =	vst v3;
	v15 =	vunpack.i.l.bf16.f32 v15;
	v3 =	vmul.f32 v6, v21;
	v6 =	vld.idx.msk [tilespmem:v43+s11+$0x0], $0xffff  }
0x25a: {  	v18 =	vld.idx.msk [tilespmem:v18+s11+$0x0], $0xffff;
	v0 =	vor.u32 v54, v0;
	v1 =	vmul.f32 v1, v15;
	v15 =	vunpack.i.u.bf16.f32 v27  }
0x25b: {  	v22 =	vor.u32 v55, v11;
	v45 =	vld [tilespmem:s24+$0x7260];
	v15 =	vadd.f32 v2, v15  }
0x25c: {  	v24 =	vor.u32 v55, v8;
	v23 =	vunpack.i.u.bf16.f32 v26;
	v27 =	vunpack.i.l.bf16.f32 v27;
	[tilespmem:s24+$0xF560] =	vst v1;
	v1 =	vld [tilespmem:s24+$0x7570]  }
0x25d: {  	v25 =	vor.u32 v55, v10;
	v4 =	vmul.f32 v15, v27;
	v15 =	vld.idx.msk [tilespmem:v42+s11+$0x0], $0xffff;
	v27 =	vunpack.i.u.bf16.f32 v44  }
0x25e: {  	v7 =	vadd.f32 v7, v23;
	v6 =	vadd.f32 v6, v27;
	v27 =	vld [tilespmem:s24+$0x73D0]  }
0x25f: {  	v52 =	vunpack.i.l.bf16.f32 v26;
	v61 =	vor.u32 v58, v13;
	v2 =	vld.idx.msk [tilespmem:v0+s11+$0x0], $0xffff  }
0x260: {  	v28 =	vor.u32 v55, v9;
	v0 =	vunpack.i.u.bf16.f32 v5;
	[tilespmem:s24+$0xF3B0] =	vst v4;
	v4 =	vmul.f32 v7, v52;
	v7 =	vld.idx.msk [tilespmem:v22+s11+$0x0], $0xffff  }
0x261: {  	v63 =	vunpack.i.l.bf16.f32 v47;
	v29 =	vor.u32 v55, v12;
	[tilespmem:s24+$0xF430] =	vst v3;
	v0 =	vadd.f32 v18, v0;
	v3 =	vld.idx.msk [tilespmem:v24+s11+$0x0], $0xffff  }
0x262: {  	v62 =	vor.u32 v58, v11;
	v40 =	vunpack.i.u.bf16.f32 v49;
	v5 =	vunpack.i.l.bf16.f32 v5;
	[tilespmem:s24+$0xF4B0] =	vst v4;
	v4 =	vld.idx.msk [tilespmem:v25+s11+$0x0], $0xffff  }
0x263: {  	v26 =	vunpack.i.l.bf16.f32 v30;
	v24 =	vunpack.i.u.bf16.f32 v30;
	v25 =	vld [tilespmem:s24+$0x7250];
	v0 =	vmul.f32 v0, v5  }
0x264: {  	v41 =	vunpack.i.l.bf16.f32 v49;
	v20 =	vor.u32 v58, v10;
	v15 =	vadd.f32 v15, v24;
	v24 =	vld [tilespmem:s24+$0x7350]  }
0x265: {  	v23 =	vor.u32 v58, v12;
	v42 =	vunpack.i.u.bf16.f32 v31;
	v5 =	vor.u32 v58, v14;
	[tilespmem:s24+$0xF5B0] =	vst v0;
	v0 =	vld.idx.msk [tilespmem:v28+s11+$0x0], $0xffff  }
0x266: {  	v22 =	vor.u32 v58, v9;
	v18 =	vor.u32 v58, v8;
	v30 =	vunpack.i.u.bf16.f32 v47;
	v21 =	vld.idx.msk [tilespmem:v29+s11+$0x0], $0xffff  }
0x267: {  	v28 =	vunpack.i.l.bf16.f32 v44;
	v15 =	vmul.f32 v15, v26;
	v7 =	vadd.f32 v7, v30;
	v26 =	vld [tilespmem:s24+$0x7450]  }
0x268: {  	v30 =	vunpack.i.l.bf16.f32 v31;
	v29 =	vld [tilespmem:s24+$0x72D0];
	v6 =	vmul.f32 v6, v28;
	v3 =	vadd.f32 v3, v40  }
0x269: {  	v31 =	vunpack.i.u.bf16.f32 v50;
	v28 =	vld [tilespmem:s24+$0x74D0];
	[tilespmem:s24+$0xF240] =	vst v15;
	v7 =	vmul.f32 v7, v63;
	v4 =	vadd.f32 v4, v42  }
0x26a: {  	v43 =	vunpack.i.u.bf16.f32 v19;
	[tilespmem:s24+$0xF2C0] =	vst v6;
	v3 =	vmul.f32 v3, v41;
	v5 =	vld.idx.msk [tilespmem:v5+s11+$0x0], $0xffff;
	v0 =	vadd.f32 v0, v31  }
0x26b: {  	v6 =	vunpack.i.l.bf16.f32 v50;
	[tilespmem:s24+$0xF340] =	vst v7;
	v4 =	vmul.f32 v4, v30;
	v16 =	vld.idx.msk [tilespmem:v61+s11+$0x0], $0xffff;
	v7 =	vadd.f32 v21, v43  }
0x26c: {  	v19 =	vunpack.i.l.bf16.f32 v19;
	v44 =	vor.u32 v60, v13;
	[tilespmem:s24+$0xF3C0] =	vst v3;
	v3 =	vld.idx.msk [tilespmem:v62+s11+$0x0], $0xffff;
	v0 =	vmul.f32 v0, v6  }
0x26d: {  	v15 =	vld [tilespmem:s24+$0x75D0];
	v47 =	vunpack.i.u.bf16.f32 v24;
	v24 =	vunpack.i.l.bf16.f32 v24;
	[tilespmem:s24+$0xF440] =	vst v4;
	v4 =	vmul.f32 v7, v19  }
0x26e: {  	v30 =	vunpack.i.u.bf16.f32 v25;
	v25 =	vunpack.i.l.bf16.f32 v25;
	v31 =	vunpack.i.u.bf16.f32 v29;
	[tilespmem:s24+$0xF4C0] =	vst v0;
	v0 =	vld.idx.msk [tilespmem:v20+s11+$0x0], $0xffff  }
0x26f: {  	v29 =	vunpack.i.l.bf16.f32 v29;
	v6 =	vld.idx.msk [tilespmem:v18+s11+$0x0], $0xffff;
	v7 =	vor.u32 v60, v14;
	v5 =	vadd.f32 v5, v30;
	[tilespmem:s24+$0xF5C0] =	vst v4  }
0x270: {  	v18 =	vor.u32 v60, v11;
	v19 =	vor.u32 v60, v8;
	v16 =	vadd.f32 v16, v31;
	v21 =	vld.idx.msk [tilespmem:v23+s11+$0x0], $0xffff  }
0x271: {  	v30 =	vunpack.i.u.bf16.f32 v27;
	v4 =	vld.idx.msk [tilespmem:v22+s11+$0x0], $0xffff;
	v5 =	vmul.f32 v5, v25;
	v3 =	vadd.f32 v3, v47  }
0x272: {  	v27 =	vunpack.i.l.bf16.f32 v27;
	v31 =	vunpack.i.u.bf16.f32 v26;
	v16 =	vmul.f32 v16, v29;
	v29 =	vld [tilespmem:s24+$0x72F0]  }
0x273: {  	v25 =	vunpack.i.l.bf16.f32 v26;
	[tilespmem:s24+$0xF250] =	vst v5;
	v3 =	vmul.f32 v3, v24;
	v5 =	vld [tilespmem:s24+$0x75E0];
	v0 =	vadd.f32 v0, v31  }
0x274: {  	v26 =	vunpack.i.u.bf16.f32 v28;
	v6 =	vadd.f32 v6, v30;
	v24 =	vunpack.i.u.bf16.f32 v15;
	v49 =	vld.idx.msk [tilespmem:v7+s11+$0x0], $0xffff  }
0x275: {  	v7 =	vunpack.i.l.bf16.f32 v28;
	v28 =	vld [tilespmem:s24+$0x7370];
	[tilespmem:s24+$0xF350] =	vst v3;
	v0 =	vmul.f32 v0, v25;
	v3 =	vadd.f32 v21, v24  }
0x276: {  	v15 =	vunpack.i.l.bf16.f32 v15;
	[tilespmem:s24+$0xF2D0] =	vst v16;
	v16 =	vld [tilespmem:s24+$0x73F0];
	v6 =	vmul.f32 v6, v27  }
0x277: {  	s0 =	sadd.s32 $0x0, s21;
	v17 =	vld.idx.msk [tilespmem:v44+s11+$0x0], $0xffff;
	[tilespmem:s24+$0xF450] =	vst v0;
	v0 =	vmul.f32 v3, v15  }
0x278: {  	s7 =	sadd.s32 $0x8E, s0;
	v31 =	vld [tilespmem:s24+$0x7270];
	[tilespmem:s24+$0xF3D0] =	vst v6  }
0x279: {  	s25 =	sadd.s32 $0x89, s0;
	v21 =	vld.idx.msk [tilespmem:v18+s11+$0x0], $0xffff;
	[tilespmem:s24+$0xF5D0] =	vst v0;
	v0 =	vmov s7  }
0x27a: {  	v20 =	vor.u32 v60, v10;
	v35 =	vld.idx.msk [tilespmem:v19+s11+$0x0], $0xffff;
	v19 =	vmov s25;
	s25 =	simm.s32 $0x400;
	v0 =	vand.u32 $0xFFFFFFFE, v0  }
0x27b: {  	v22 =	vor.u32 v60, v9;
	v4 =	vadd.f32 v4, v26;
	v37 =	vld [tilespmem:s25+$0x7280];
	v0 =	vbroadcast v0, $0x0  }
0x27c: {  	s16 =	sadd.s32 $0x88, s0;
	v51 =	vunpack.i.l.bf16.f32 v46;
	v13 =	vor.u32 v54, v13;
	v50 =	vunpack.i.l.bf16.f32 v45;
	v38 =	vld [tilespmem:s25+$0x7300]  }
0x27d: {  	v23 =	vor.u32 v60, v12;
	v18 =	vmov s16;
	v4 =	vmul.f32 v4, v7;
	v41 =	vld [tilespmem:s25+$0x7400]  }
0x27e: {  	v18 =	vand.u32 $0xFFFFFFF8, v18;
	v3 =	vor.u32 v54, v14;
	v14 =	vunpack.i.u.bf16.f32 v46;
	v43 =	vld [tilespmem:s25+$0x7480]  }
0x27f: {  	s26 =	sadd.s32 $0x8A, s0;
	v19 =	vand.u32 $0xFFFFFFF9, v19;
	[tilespmem:s24+$0xF4D0] =	vst v4;
	v15 =	vld.idx.msk [tilespmem:v20+s11+$0x0], $0xffff;
	v4 =	vunpack.i.u.bf16.f32 v45;
	v14 =	vadd.f32 v17, v14  }
0x280: {  	v20 =	vmov s26;
	v6 =	vld.idx.msk [tilespmem:v22+s11+$0x0], $0xffff;
	v4 =	vadd.f32 v49, v4;
	v22 =	vbroadcast v18, $0x0  }
0x281: {  	s29 =	sadd.s32 $0x8B, s0;
	v24 =	vbroadcast v19, $0x0;
	v20 =	vand.u32 $0xFFFFFFFA, v20;
	v14 =	vmul.f32 v14, v51;
	v0 =	vld.idx.msk [tilespmem:v0+s10+$0x0], $0xffff  }
0x282: {  	v7 =	vld.idx.msk [tilespmem:v23+s11+$0x0], $0xffff;
	v23 =	vmov s29;
	v20 =	vbroadcast v20, $0x0;
	v4 =	vmul.f32 v4, v50  }
0x283: {  	s31 =	sadd.s32 $0x8D, s0;
	v46 =	vld [tilespmem:s25+$0x7510];
	v23 =	vand.u32 $0xFFFFFFFB, v23;
	[tilespmem:s24+$0xF2E0] =	vst v14  }
0x284: {  	v17 =	vld [tilespmem:s24+$0x7470];
	v23 =	vbroadcast v23, $0x0;
	[tilespmem:s24+$0xF260] =	vst v4;
	v4 =	vmov s31  }
0x285: {  	v14 =	vand.u32 $0xFFFFFFFD, v4;
	v4 =	vld.idx.msk [tilespmem:v13+s11+$0x0], $0xffff  }
0x286: {  	v13 =	vbroadcast v14, $0x0;
	v14 =	vld.idx.msk [tilespmem:v22+s10+$0x0], $0xffff;
	v30 =	vshll.u32 v0, $0x7  }
0x287: {  	s30 =	sadd.s32 $0x8C, s0;
	v22 =	vld.idx.msk [tilespmem:v24+s10+$0x0], $0xffff;
	v0 =	vor.u32 v53, v30  }
0x288: {  	v25 =	vmov s30;
	v24 =	vld.idx.msk [tilespmem:v20+s10+$0x0], $0xffff;
	v20 =	vunpack.i.u.bf16.f32 v48  }
0x289: {  	s0 =	sadd.s32 $0x8F, s0;
	v25 =	vand.u32 $0xFFFFFFFC, v25;
	v19 =	vld [tilespmem:s24+$0x75F0];
	v20 =	vadd.f32 v21, v20  }
0x28a: {  	v26 =	vmov s0;
	v25 =	vbroadcast v25, $0x0;
	v21 =	vunpack.i.l.bf16.f32 v48;
	v27 =	vld.idx.msk [tilespmem:v23+s10+$0x0], $0xffff  }
0x28b: {  	v20 =	vmul.f32 v20, v21;
	v21 =	vld [tilespmem:s25+$0x7500]  }
0x28c: {  	v23 =	vld.idx.msk [tilespmem:v0+s11+$0x0], $0xffff  }
0x28d: {  	v45 =	vld [tilespmem:s25+$0x7580]  }
0x28e: {  	v11 =	vor.u32 v54, v11;
	v18 =	vld [tilespmem:s24+$0x74F0]  }
0x28f: {  	v52 =	vld.idx.msk [tilespmem:v26+s10+$0x0], $0xffff  }
0x290: {  	v25 =	vld.idx.msk [tilespmem:v25+s10+$0x0], $0xffff;
	[tilespmem:s24+$0xF360] =	vst v20;
	v20 =	vunpack.i.u.bf16.f32 v21  }
0x291: {  	v13 =	vld.idx.msk [tilespmem:v13+s10+$0x0], $0xffff;
	v39 =	vor.u32 v59, v30;
	v26 =	vadd.f32 v23, v20;
	v23 =	vshll.u32 v14, $0x7  }
0x292: {  	v3 =	vld.idx.msk [tilespmem:v3+s11+$0x0], $0xffff;
	v21 =	vunpack.i.l.bf16.f32 v21;
	v20 =	vshll.u32 v22, $0x7;
	v48 =	vor.u32 v53, v23  }
0x293: {  	v0 =	vld.idx.msk [tilespmem:v11+s11+$0x0], $0xffff;
	v22 =	vshll.u32 v27, $0x7;
	v42 =	vor.u32 v53, v20;
	v26 =	vmul.f32 v26, v21  }
0x294: {  	v61 =	vor.u32 v54, v8;
	v11 =	vld [tilespmem:s25+$0x7200];
	v27 =	vshll.u32 v52, $0x7;
	v8 =	vor.u32 v53, v22  }
0x295: {  	v63 =	vor.u32 v54, v10;
	v14 =	vld [tilespmem:s25+$0x7380];
	v10 =	vor.u32 v53, v27;
	[tilespmem:s25+$0xF500] =	vst v26  }
0x296: {  	v62 =	vor.u32 v54, v12;
	v21 =	vshll.u32 v24, $0x7;
	v26 =	vshll.u32 v13, $0x7;
	v13 =	vld.idx.msk [tilespmem:v39+s11+$0x0], $0xffff  }
0x297: {  	v9 =	vor.u32 v54, v9;
	v12 =	vunpack.i.u.bf16.f32 v46;
	v44 =	vor.u32 v53, v21;
	v36 =	vld.idx.msk [tilespmem:v48+s11+$0x0], $0xffff  }
0x298: {  	v46 =	vunpack.i.l.bf16.f32 v46;
	v24 =	vshll.u32 v25, $0x7;
	v25 =	vunpack.i.u.bf16.f32 v1;
	v40 =	vld.idx.msk [tilespmem:v42+s11+$0x0], $0xffff;
	[tilespmem:$0x1FD80] =	vst v9  }
0x299: {  	v50 =	vunpack.i.u.bf16.f32 v11;
	v47 =	vor.u32 v53, v24;
	v2 =	vadd.f32 v2, v25;
	v8 =	vld.idx.msk [tilespmem:v8+s11+$0x0], $0xffff  }
0x29a: {  	v11 =	vunpack.i.l.bf16.f32 v11;
	v1 =	vunpack.i.l.bf16.f32 v1;
	v49 =	vor.u32 v53, v26;
	v10 =	vld.idx.msk [tilespmem:v10+s11+$0x0], $0xffff  }
0x29b: {  	v52 =	vunpack.i.u.bf16.f32 v38;
	v38 =	vunpack.i.l.bf16.f32 v38;
	v25 =	vmul.f32 v2, v1;
	v48 =	vld [tilespmem:s25+$0x7210]  }
0x29c: {  	v2 =	vunpack.i.u.bf16.f32 v33;
	v9 =	vunpack.i.l.bf16.f32 v33;
	v33 =	vunpack.i.u.bf16.f32 v34;
	v1 =	vld.idx.msk [tilespmem:v44+s11+$0x0], $0xffff  }
0x29d: {  	v34 =	vunpack.i.l.bf16.f32 v34;
	v51 =	vld [tilespmem:s25+$0x7290];
	v44 =	vor.u32 v56, v30;
	v12 =	vadd.f32 v13, v12  }
0x29e: {  	v2 =	vadd.f32 v35, v2;
	v35 =	vor.u32 v59, v23;
	v42 =	vld.idx.msk [tilespmem:v47+s11+$0x0], $0xffff;
	v47 =	vor.u32 v59, v21  }
0x29f: {  	v13 =	vunpack.i.u.bf16.f32 v32;
	v39 =	vld.idx.msk [tilespmem:v49+s11+$0x0], $0xffff;
	v32 =	vunpack.i.l.bf16.f32 v32;
	v12 =	vmul.f32 v12, v46  }
0x2a0: {  	v49 =	vor.u32 v59, v22;
	v36 =	vadd.f32 v36, v50;
	v50 =	vld [tilespmem:s25+$0x7520];
	v6 =	vadd.f32 v6, v13  }
0x2a1: {  	v13 =	vor.u32 v56, v21;
	v1 =	vadd.f32 v1, v52;
	v52 =	vld [tilespmem:s25+$0x7310];
	[tilespmem:s25+$0xF510] =	vst v12;
	v12 =	vunpack.i.u.bf16.f32 v37  }
0x2a2: {  	v46 =	vor.u32 v59, v20;
	v11 =	vmul.f32 v36, v11;
	v12 =	vadd.f32 v40, v12;
	v40 =	vld.idx.msk [tilespmem:v44+s11+$0x0], $0xffff  }
0x2a3: {  	v36 =	vunpack.i.u.bf16.f32 v41;
	v44 =	vunpack.i.u.bf16.f32 v14;
	v1 =	vmul.f32 v1, v38;
	v38 =	vld [tilespmem:s25+$0x7410]  }
0x2a4: {  	v41 =	vunpack.i.l.bf16.f32 v41;
	v32 =	vmul.f32 v6, v32;
	[tilespmem:s25+$0xF200] =	vst v11;
	v8 =	vadd.f32 v8, v44;
	v44 =	vld [tilespmem:s25+$0x7390]  }
0x2a5: {  	v37 =	vunpack.i.l.bf16.f32 v37;
	v36 =	vadd.f32 v42, v36;
	v14 =	vunpack.i.l.bf16.f32 v14;
	v35 =	vld.idx.msk [tilespmem:v35+s11+$0x0], $0xffff  }
0x2a6: {  	v6 =	vunpack.i.u.bf16.f32 v29;
	v12 =	vmul.f32 v12, v37;
	[tilespmem:s25+$0xF300] =	vst v1;
	v8 =	vmul.f32 v8, v14;
	v14 =	vld [tilespmem:s25+$0x7490]  }
0x2a7: {  	v42 =	vunpack.i.u.bf16.f32 v50;
	v37 =	vunpack.i.u.bf16.f32 v43;
	v1 =	vmul.f32 v36, v41;
	v47 =	vld.idx.msk [tilespmem:v47+s11+$0x0], $0xffff  }
0x2a8: {  	v11 =	vadd.f32 v39, v37;
	v37 =	vor.u32 v59, v24;
	[tilespmem:s25+$0xF280] =	vst v12;
	v39 =	vadd.f32 v40, v42;
	v40 =	vld [tilespmem:s25+$0x7590]  }
0x2a9: {  	v29 =	vunpack.i.l.bf16.f32 v29;
	v50 =	vunpack.i.l.bf16.f32 v50;
	v41 =	vor.u32 v57, v30;
	[tilespmem:s25+$0xF400] =	vst v1;
	v36 =	vld.idx.msk [tilespmem:v46+s11+$0x0], $0xffff  }
0x2aa: {  	v43 =	vunpack.i.l.bf16.f32 v43;
	v12 =	vunpack.i.u.bf16.f32 v5;
	[tilespmem:s25+$0xF380] =	vst v8;
	v8 =	vunpack.i.u.bf16.f32 v45;
	v42 =	vld [tilespmem:s25+$0x72A0]  }
0x2ab: {  	v46 =	vor.u32 v59, v26;
	v8 =	vadd.f32 v10, v8;
	v1 =	vld.idx.msk [tilespmem:v49+s11+$0x0], $0xffff;
	v10 =	vadd.f32 v15, v33  }
0x2ac: {  	v15 =	vunpack.i.l.bf16.f32 v45;
	v45 =	vld [tilespmem:s25+$0x7220];
	v39 =	vmul.f32 v39, v50;
	v50 =	vor.u32 v59, v27  }
0x2ad: {  	v4 =	vadd.f32 v4, v6;
	v11 =	vmul.f32 v11, v43;
	v7 =	vadd.f32 v7, v12;
	v37 =	vld.idx.msk [tilespmem:v37+s11+$0x0], $0xffff  }
0x2ae: {  	v12 =	vor.u32 v56, v20;
	v33 =	vmul.f32 v2, v9;
	v2 =	vmul.f32 v8, v15;
	v8 =	vld [tilespmem:s25+$0x7530];
	[tilespmem:s25+$0xF520] =	vst v39  }
0x2af: {  	v43 =	vunpack.i.l.bf16.f32 v48;
	v9 =	vunpack.i.u.bf16.f32 v31;
	[tilespmem:s25+$0xF480] =	vst v11;
	v34 =	vmul.f32 v10, v34;
	v10 =	vld.idx.msk [tilespmem:v41+s11+$0x0], $0xffff  }
0x2b0: {  	v49 =	vunpack.i.u.bf16.f32 v52;
	v15 =	vor.u32 v56, v22;
	[tilespmem:s25+$0xF580] =	vst v2;
	v2 =	vld.idx.msk [tilespmem:v46+s11+$0x0], $0xffff;
	v46 =	vunpack.i.u.bf16.f32 v51  }
0x2b1: {  	v47 =	vadd.f32 v47, v49;
	v36 =	vadd.f32 v36, v46;
	v39 =	vld.idx.msk [tilespmem:v50+s11+$0x0], $0xffff;
	v50 =	vunpack.i.u.bf16.f32 v48  }
0x2b2: {  	v49 =	vor.u32 v55, v30;
	v46 =	vld [tilespmem:s25+$0x7320];
	v35 =	vadd.f32 v35, v50;
	v50 =	vunpack.i.l.bf16.f32 v51  }
0x2b3: {  	v51 =	vunpack.i.l.bf16.f32 v52;
	v52 =	vunpack.i.u.bf16.f32 v44;
	v36 =	vmul.f32 v36, v50;
	v50 =	vld [tilespmem:s25+$0x74A0]  }
0x2b4: {  	v48 =	vunpack.i.u.bf16.f32 v8;
	v1 =	vadd.f32 v1, v52;
	v47 =	vmul.f32 v47, v51;
	v51 =	vld [tilespmem:s25+$0x75A0]  }
0x2b5: {  	v10 =	vadd.f32 v10, v48;
	v48 =	vld [tilespmem:s25+$0x73A0];
	v35 =	vmul.f32 v35, v43;
	v43 =	vunpack.i.u.bf16.f32 v38  }
0x2b6: {  	v8 =	vunpack.i.l.bf16.f32 v8;
	v44 =	vunpack.i.l.bf16.f32 v44;
	v37 =	vadd.f32 v37, v43;
	v43 =	vld [tilespmem:s25+$0x7540];
	[tilespmem:s25+$0xF290] =	vst v36  }
0x2b7: {  	v11 =	vor.u32 v56, v23;
	v1 =	vmul.f32 v1, v44;
	[tilespmem:s25+$0xF310] =	vst v47;
	v8 =	vmul.f32 v10, v8;
	v10 =	vld [tilespmem:s25+$0x7420]  }
0x2b8: {  	v5 =	vunpack.i.l.bf16.f32 v5;
	v3 =	vadd.f32 v3, v9;
	v52 =	vunpack.i.l.bf16.f32 v38;
	[tilespmem:s25+$0xF210] =	vst v35;
	v12 =	vld.idx.msk [tilespmem:v12+s11+$0x0], $0xffff  }
0x2b9: {  	v41 =	vor.u32 v56, v24;
	v38 =	vunpack.i.u.bf16.f32 v28;
	v13 =	vld.idx.msk [tilespmem:v13+s11+$0x0], $0xffff;
	v36 =	vmul.f32 v37, v52;
	[tilespmem:s25+$0xF390] =	vst v1  }
0x2ba: {  	v47 =	vunpack.i.l.bf16.f32 v40;
	v35 =	vor.u32 v56, v27;
	v1 =	vmul.f32 v7, v5;
	[tilespmem:s25+$0xF530] =	vst v8;
	v7 =	vld.idx.msk [tilespmem:v15+s11+$0x0], $0xffff  }
0x2bb: {  	v8 =	vor.u32 v56, v26;
	v56 =	vunpack.i.u.bf16.f32 v14;
	v15 =	vunpack.i.u.bf16.f32 v16;
	v49 =	vld.idx.msk [tilespmem:v49+s11+$0x0], $0xffff;
	[tilespmem:s25+$0xF410] =	vst v36  }
0x2bc: {  	v38 =	vadd.f32 v0, v38;
	v11 =	vld.idx.msk [tilespmem:v11+s11+$0x0], $0xffff;
	v2 =	vadd.f32 v2, v56;
	v56 =	vunpack.i.u.bf16.f32 v40;
	[tilespmem:$0x1FD90] =	vst v15  }
0x2bd: {  	v0 =	vmul.f32 v4, v29;
	v14 =	vunpack.i.l.bf16.f32 v14;
	v44 =	vadd.f32 v39, v56;
	v37 =	vld [tilespmem:s25+$0x7230]  }
0x2be: {  	v15 =	vunpack.i.l.bf16.f32 v43;
	v2 =	vmul.f32 v2, v14;
	v14 =	vunpack.i.u.bf16.f32 v43;
	v43 =	vld [tilespmem:s25+$0x7550]  }
0x2bf: {  	v52 =	vunpack.i.u.bf16.f32 v18;
	v36 =	vor.u32 v57, v21;
	v40 =	vld [tilespmem:s25+$0x75B0];
	v5 =	vmul.f32 v44, v47  }
0x2c0: {  	v39 =	vor.u32 v57, v22;
	v56 =	vunpack.i.l.bf16.f32 v46;
	v44 =	vld [tilespmem:s25+$0x74B0];
	[tilespmem:s25+$0xF490] =	vst v2;
	v14 =	vadd.f32 v49, v14  }
0x2c1: {  	v47 =	vunpack.i.u.bf16.f32 v17;
	[tilespmem:s25+$0xF590] =	vst v5;
	v5 =	vld.idx.msk [tilespmem:v8+s11+$0x0], $0xffff;
	v8 =	vor.u32 v58, v30;
	v49 =	vunpack.i.l.bf16.f32 v45  }
0x2c2: {  	v6 =	vld.idx.msk [tilespmem:v35+s11+$0x0], $0xffff;
	v35 =	vor.u32 v57, v20;
	v9 =	vmul.f32 v14, v15;
	v14 =	vor.u32 v57, v23  }
0x2c3: {  	v2 =	vld.idx.msk [tilespmem:v41+s11+$0x0], $0xffff;
	v15 =	vunpack.i.u.bf16.f32 v45;
	v45 =	vunpack.i.l.bf16.f32 v50;
	v4 =	vunpack.i.u.bf16.f32 v37  }
0x2c4: {  	v41 =	vld [tilespmem:s25+$0x72B0];
	v29 =	vunpack.i.l.bf16.f32 v37;
	v11 =	vadd.f32 v11, v15;
	v15 =	vunpack.i.u.bf16.f32 v46  }
0x2c5: {  	v37 =	vld [tilespmem:s25+$0x7440];
	[tilespmem:s25+$0xF540] =	vst v9;
	v9 =	vunpack.i.u.bf16.f32 v42;
	v42 =	vunpack.i.l.bf16.f32 v42;
	v13 =	vadd.f32 v13, v15  }
0x2c6: {  	v46 =	vld [tilespmem:s25+$0x7330];
	v15 =	vunpack.i.u.bf16.f32 v10;
	v10 =	vunpack.i.l.bf16.f32 v10;
	v9 =	vadd.f32 v12, v9  }
0x2c7: {  	v8 =	vld.idx.msk [tilespmem:v8+s11+$0x0], $0xffff;
	v12 =	vunpack.i.u.bf16.f32 v48;
	v48 =	vunpack.i.l.bf16.f32 v48;
	v11 =	vmul.f32 v11, v49  }
0x2c8: {  	v49 =	vunpack.i.u.bf16.f32 v50;
	v2 =	vadd.f32 v2, v15;
	v7 =	vadd.f32 v7, v12;
	v12 =	vld [tilespmem:s25+$0x73B0]  }
0x2c9: {  	v50 =	vunpack.i.l.bf16.f32 v41;
	v5 =	vadd.f32 v5, v49;
	v49 =	vunpack.i.u.bf16.f32 v41;
	v41 =	vld [tilespmem:s25+$0x73C0]  }
0x2ca: {  	v15 =	vunpack.i.u.bf16.f32 v43;
	v13 =	vmul.f32 v13, v56;
	v9 =	vmul.f32 v9, v42;
	v42 =	vld [tilespmem:s25+$0x7430];
	[tilespmem:s25+$0xF220] =	vst v11  }
0x2cb: {  	v56 =	vor.u32 v57, v26;
	v11 =	vor.u32 v57, v24;
	v2 =	vmul.f32 v2, v10;
	v14 =	vld.idx.msk [tilespmem:v14+s11+$0x0], $0xffff  }
0x2cc: {  	v7 =	vmul.f32 v7, v48;
	v48 =	vunpack.i.u.bf16.f32 v19;
	[tilespmem:s25+$0xF320] =	vst v13;
	v5 =	vmul.f32 v5, v45;
	v45 =	vld [tilespmem:s25+$0x74C0]  }
0x2cd: {  	v13 =	vor.u32 v60, v30;
	v30 =	vor.u32 v54, v30;
	[tilespmem:s25+$0xF2A0] =	vst v9;
	v9 =	vunpack.i.l.bf16.f32 v31;
	v36 =	vld.idx.msk [tilespmem:v36+s11+$0x0], $0xffff  }
0x2ce: {  	v31 =	vunpack.i.l.bf16.f32 v43;
	[tilespmem:s25+$0xF420] =	vst v2;
	v43 =	vor.u32 v55, v22;
	v8 =	vadd.f32 v8, v15;
	v10 =	vld.idx.msk [tilespmem:v35+s11+$0x0], $0xffff  }
0x2cf: {  	[tilespmem:s25+$0xF3A0] =	vst v7;
	v7 =	vunpack.i.u.bf16.f32 v51;
	v2 =	vmul.f32 v3, v9;
	v3 =	vunpack.i.l.bf16.f32 v51;
	v35 =	vld [tilespmem:s25+$0x72C0]  }
0x2d0: {  	v51 =	vunpack.i.u.bf16.f32 v46;
	v46 =	vunpack.i.l.bf16.f32 v46;
	v6 =	vadd.f32 v6, v7;
	v7 =	vld.idx.msk [tilespmem:v39+s11+$0x0], $0xffff  }
0x2d1: {  	v15 =	vor.u32 v60, v22;
	v39 =	vor.u32 v55, v21;
	v8 =	vmul.f32 v8, v31;
	v9 =	vld.idx.msk [tilespmem:v11+s11+$0x0], $0xffff  }
0x2d2: {  	v31 =	vor.u32 v57, v27;
	v11 =	vor.u32 v55, v20;
	v3 =	vmul.f32 v6, v3;
	v6 =	vld [tilespmem:s25+$0x7560]  }
0x2d3: {  	v4 =	vadd.f32 v14, v4;
	v14 =	vld [tilespmem:s25+$0x7240];
	[tilespmem:s25+$0xF550] =	vst v8;
	v8 =	vor.u32 v55, v23;
	v36 =	vadd.f32 v36, v51  }
0x2d4: {  	[tilespmem:s25+$0xF4A0] =	vst v5;
	v51 =	vunpack.i.u.bf16.f32 v40;
	v40 =	vunpack.i.l.bf16.f32 v40;
	v5 =	vld.idx.msk [tilespmem:v13+s11+$0x0], $0xffff;
	v13 =	vunpack.i.l.bf16.f32 v28  }
0x2d5: {  	v28 =	vor.u32 v55, v24;
	[tilespmem:s25+$0xF5A0] =	vst v3;
	v3 =	vld.idx.msk [tilespmem:v56+s11+$0x0], $0xffff;
	v10 =	vadd.f32 v10, v49;
	v49 =	vunpack.i.u.bf16.f32 v12  }
0x2d6: {  	v4 =	vmul.f32 v4, v29;
	v29 =	vld [tilespmem:s25+$0x7340];
	v12 =	vunpack.i.l.bf16.f32 v12;
	v7 =	vadd.f32 v7, v49  }
0x2d7: {  	v36 =	vmul.f32 v36, v46;
	v46 =	vor.u32 v55, v26;
	v49 =	vunpack.i.l.bf16.f32 v16;
	v31 =	vld.idx.msk [tilespmem:v31+s11+$0x0], $0xffff  }
0x2d8: {  	v10 =	vmul.f32 v10, v50;
	[tilespmem:s25+$0xF230] =	vst v4;
	v4 =	vor.u32 v55, v27;
	v7 =	vmul.f32 v7, v12;
	v12 =	vld [tilespmem:s25+$0x7570]  }
0x2d9: {  	v50 =	vunpack.i.u.bf16.f32 v44;
	v56 =	vunpack.i.u.bf16.f32 v6;
	[tilespmem:s25+$0xF330] =	vst v36;
	v36 =	vor.u32 v58, v21;
	v8 =	vld.idx.msk [tilespmem:v8+s11+$0x0], $0xffff  }
0x2da: {  	v55 =	vunpack.i.l.bf16.f32 v44;
	[tilespmem:s25+$0xF2B0] =	vst v10;
	v10 =	vor.u32 v58, v20;
	v39 =	vld.idx.msk [tilespmem:v39+s11+$0x0], $0xffff;
	v5 =	vadd.f32 v5, v56  }
0x2db: {  	v6 =	vunpack.i.l.bf16.f32 v6;
	v3 =	vadd.f32 v3, v50;
	v11 =	vld.idx.msk [tilespmem:v11+s11+$0x0], $0xffff;
	[tilespmem:s25+$0xF3B0] =	vst v7;
	v7 =	vor.u32 v58, v22  }
0x2dc: {  	v50 =	vunpack.i.l.bf16.f32 v17;
	v56 =	vld.idx.msk [tilespmem:v43+s11+$0x0], $0xffff;
	v43 =	vor.u32 v58, v27;
	v5 =	vmul.f32 v5, v6  }
0x2dd: {  	v6 =	vunpack.i.u.bf16.f32 v42;
	v31 =	vadd.f32 v31, v51;
	v3 =	vmul.f32 v3, v55;
	v51 =	vld [tilespmem:s25+$0x73D0]  }
0x2de: {  	v42 =	vunpack.i.l.bf16.f32 v42;
	v55 =	vunpack.i.u.bf16.f32 v37;
	v6 =	vadd.f32 v9, v6;
	v9 =	vld [tilespmem:s25+$0x75C0];
	[tilespmem:s25+$0xF560] =	vst v5  }
0x2df: {  	v37 =	vunpack.i.l.bf16.f32 v37;
	v31 =	vmul.f32 v31, v40;
	[tilespmem:s25+$0xF4B0] =	vst v3;
	v3 =	vmul.f32 v38, v13;
	v38 =	vld [tilespmem:s25+$0x75D0]  }
0x2e0: {  	v5 =	vor.u32 v58, v23;
	v13 =	vunpack.i.u.bf16.f32 v14;
	v14 =	vunpack.i.l.bf16.f32 v14;
	v30 =	vld.idx.msk [tilespmem:v30+s11+$0x0], $0xffff  }
0x2e1: {  	v6 =	vmul.f32 v6, v42;
	v16 =	vld.idx.msk [tilespmem:v46+s11+$0x0], $0xffff;
	v8 =	vadd.f32 v8, v13;
	v13 =	vunpack.i.u.bf16.f32 v29;
	[tilespmem:s25+$0xF5B0] =	vst v31  }
0x2e2: {  	v42 =	vor.u32 v58, v26;
	v31 =	vunpack.i.u.bf16.f32 v12;
	v13 =	vadd.f32 v39, v13;
	v17 =	vld.idx.msk [tilespmem:v4+s11+$0x0], $0xffff  }
0x2e3: {  	[tilespmem:s25+$0xF430] =	vst v6;
	v4 =	vunpack.i.l.bf16.f32 v12;
	v12 =	vld [tilespmem:s25+$0x7250];
	v8 =	vmul.f32 v8, v14;
	v14 =	vunpack.i.u.bf16.f32 v41  }
0x2e4: {  	v29 =	vunpack.i.l.bf16.f32 v29;
	v46 =	vunpack.i.l.bf16.f32 v41;
	v28 =	vld.idx.msk [tilespmem:v28+s11+$0x0], $0xffff;
	v14 =	vadd.f32 v56, v14  }
0x2e5: {  	v13 =	vmul.f32 v13, v29;
	v29 =	vld [tilespmem:s25+$0x7450];
	[tilespmem:s25+$0xF240] =	vst v8;
	v30 =	vadd.f32 v30, v31;
	v31 =	vunpack.i.u.bf16.f32 v35  }
0x2e6: {  	v39 =	vor.u32 v60, v27;
	v6 =	vor.u32 v58, v24;
	v5 =	vld.idx.msk [tilespmem:v5+s11+$0x0], $0xffff;
	v11 =	vadd.f32 v11, v31  }
0x2e7: {  	[tilespmem:s24+$0xF570] =	vst v25;
	v56 =	vunpack.i.u.bf16.f32 v9;
	v35 =	vunpack.i.l.bf16.f32 v35;
	v14 =	vmul.f32 v14, v46;
	v31 =	vld [tilespmem:s25+$0x7350]  }
0x2e8: {  	[tilespmem:s25+$0xF340] =	vst v13;
	v4 =	vmul.f32 v30, v4;
	v30 =	vld [tilespmem:s25+$0x72D0];
	v13 =	vadd.f32 v17, v56;
	v11 =	vmul.f32 v11, v35  }
0x2e9: {  	v9 =	vunpack.i.l.bf16.f32 v9;
	[tilespmem:s25+$0xF3C0] =	vst v14;
	v25 =	vadd.f32 v28, v55;
	v28 =	vunpack.i.u.bf16.f32 v45;
	v35 =	vld [tilespmem:s25+$0x74D0]  }
0x2ea: {  	v58 =	vunpack.i.l.bf16.f32 v45;
	v7 =	vld.idx.msk [tilespmem:v7+s11+$0x0], $0xffff;
	v28 =	vadd.f32 v16, v28;
	v9 =	vmul.f32 v13, v9;
	[tilespmem:s25+$0xF2C0] =	vst v11  }
0x2eb: {  	[tilespmem:s24+$0xF270] =	vst v2;
	v2 =	vunpack.i.l.bf16.f32 v51;
	v8 =	vor.u32 v60, v23;
	v25 =	vmul.f32 v25, v37;
	v10 =	vld.idx.msk [tilespmem:v10+s11+$0x0], $0xffff  }
0x2ec: {  	v46 =	vor.u32 v54, v23;
	v56 =	vunpack.i.l.bf16.f32 v18;
	v14 =	vmul.f32 v28, v58;
	v28 =	vld.idx.msk [tilespmem:v36+s11+$0x0], $0xffff;
	[tilespmem:s25+$0xF5C0] =	vst v9  }
0x2ed: {  	v17 =	vor.u32 v60, v26;
	v45 =	vor.u32 v54, v27;
	v9 =	vunpack.i.u.bf16.f32 v12;
	[tilespmem:s25+$0xF440] =	vst v25;
	v25 =	vld.idx.msk [tilespmem:v43+s11+$0x0], $0xffff  }
0x2ee: {  	v55 =	vunpack.i.l.bf16.f32 v19;
	v16 =	vor.u32 v60, v24;
	v5 =	vadd.f32 v5, v9;
	[tilespmem:s25+$0xF4C0] =	vst v14;
	v6 =	vld.idx.msk [tilespmem:v6+s11+$0x0], $0xffff  }
0x2ef: {  	v24 =	vor.u32 v54, v24;
	v12 =	vunpack.i.l.bf16.f32 v12;
	v9 =	vunpack.i.u.bf16.f32 v30;
	v13 =	vld.idx.msk [tilespmem:v42+s11+$0x0], $0xffff  }
0x2f0: {  	v14 =	vunpack.i.l.bf16.f32 v30;
	v5 =	vmul.f32 v5, v12;
	v12 =	vunpack.i.u.bf16.f32 v51;
	v51 =	vld [tilespmem:s25+$0x75E0]  }
0x2f1: {  	[tilespmem:s24+$0xF3E0] =	vst v33;
	v30 =	vunpack.i.u.bf16.f32 v31;
	v7 =	vadd.f32 v7, v12;
	v12 =	vld [tilespmem:s25+$0x7360];
	v9 =	vadd.f32 v10, v9  }
0x2f2: {  	[tilespmem:s24+$0xF5E0] =	vst v1;
	v11 =	vor.u32 v60, v20;
	v37 =	vor.u32 v60, v21;
	v10 =	vld [tilespmem:s25+$0x7260];
	v28 =	vadd.f32 v28, v30  }
0x2f3: {  	[tilespmem:s24+$0xF2F0] =	vst v0;
	v31 =	vunpack.i.l.bf16.f32 v31;
	v30 =	vld [tilespmem:s25+$0x72E0];
	v2 =	vmul.f32 v7, v2;
	v1 =	vmul.f32 v9, v14  }
0x2f4: {  	[tilespmem:s25+$0xF250] =	vst v5;
	v7 =	vld [tilespmem:s25+$0x7460];
	v9 =	vunpack.i.u.bf16.f32 v29;
	v0 =	vmul.f32 v28, v31;
	v28 =	vunpack.i.u.bf16.f32 v35  }
0x2f5: {  	[tilespmem:s25+$0xF570] =	vst v4;
	v8 =	vld.idx.msk [tilespmem:v8+s11+$0x0], $0xffff;
	v14 =	vunpack.i.l.bf16.f32 v29;
	v6 =	vadd.f32 v6, v9;
	v5 =	vadd.f32 v13, v28  }
0x2f6: {  	v31 =	vld [tilespmem:s25+$0x74E0];
	v13 =	vunpack.i.u.bf16.f32 v38;
	v28 =	vor.u32 v54, v20;
	v20 =	vor.u32 v54, v21;
	[tilespmem:s25+$0xF3D0] =	vst v2  }
0x2f7: {  	v9 =	vld [tilespmem:s25+$0x73E0];
	v4 =	vunpack.i.u.bf16.f32 v51;
	[tilespmem:s25+$0xF2D0] =	vst v1;
	v1 =	vadd.f32 v25, v13;
	v25 =	vor.u32 v54, v22  }
0x2f8: {  	v22 =	vor.u32 v54, v26;
	[tilespmem:s25+$0xF350] =	vst v0;
	v0 =	vunpack.i.l.bf16.f32 v35;
	v26 =	vld.idx.msk [tilespmem:v15+s11+$0x0], $0xffff;
	v6 =	vmul.f32 v6, v14  }
0x2f9: {  	[tilespmem:s24+$0xF370] =	vst v3;
	v3 =	vunpack.i.l.bf16.f32 v51;
	v13 =	vunpack.i.l.bf16.f32 v38;
	v54 =	vld.idx.msk [tilespmem:v11+s11+$0x0], $0xffff;
	v0 =	vmul.f32 v5, v0  }
0x2fa: {  	v27 =	vunpack.i.u.bf16.f32 v12;
	v58 =	vunpack.i.u.bf16.f32 v10;
	v10 =	vunpack.i.l.bf16.f32 v10;
	v29 =	vld.idx.msk [tilespmem:v37+s11+$0x0], $0xffff;
	[tilespmem:s25+$0xF450] =	vst v6  }
0x2fb: {  	v60 =	vunpack.i.u.bf16.f32 v30;
	v11 =	vunpack.i.l.bf16.f32 v30;
	v2 =	vmul.f32 v1, v13;
	[tilespmem:s25+$0xF4D0] =	vst v0;
	v0 =	vld [tilespmem:s25+$0x7270]  }
0x2fc: {  	[tilespmem:s24+$0xF460] =	vst v34;
	v5 =	vunpack.i.l.bf16.f32 v12;
	v12 =	vunpack.i.u.bf16.f32 v7;
	v30 =	vadd.f32 v8, v58;
	v14 =	vld.idx.msk [tilespmem:v16+s11+$0x0], $0xffff  }
0x2fd: {  	v6 =	vunpack.i.l.bf16.f32 v31;
	v13 =	vunpack.i.u.bf16.f32 v9;
	v1 =	vunpack.i.l.bf16.f32 v9;
	[tilespmem:s25+$0xF5D0] =	vst v2;
	v9 =	vld.idx.msk [tilespmem:v17+s11+$0x0], $0xffff  }
0x2fe: {  	s28 =	simm.s32 $0x1000;
	s26 =	simm.s32 $0x8;
	[tilespmem:s24+$0xF4E0] =	vst v32;
	v2 =	vunpack.i.l.bf16.f32 v7;
	v7 =	vunpack.i.u.bf16.f32 v31;
	v8 =	vld.idx.msk [tilespmem:v39+s11+$0x0], $0xffff;
	v31 =	vadd.f32 v54, v60  }
.LBB2_5:
0x2ff: {  	v35 =	vld [tilespmem:s25+$0x74F0]  }
0x300: {  	v37 =	vld [tilespmem:s25+$0x75F0];
	v10 =	vmul.f32 v30, v10  }
0x301: {  	v30 =	vld [tilespmem:s25+$0x72F0];
	v11 =	vmul.f32 v31, v11  }
0x302: {  	[tilespmem:s25+$0xF260] =	vst v10;
	v10 =	vld [tilespmem:s25+$0x73F0]  }
0x303: {  	s0 =	sadd.s32 s26, s21;
	[tilespmem:s25+$0xF2E0] =	vst v11;
	v11 =	vld [tilespmem:s25+$0x7470]  }
0x304: {  	s6 =	sadd.s32 $0x8E, s0;
	v27 =	vadd.f32 v29, v27;
	v29 =	vld [tilespmem:s25+$0x7370]  }
0x305: {  	v31 =	vmov s6;
	v23 =	vld.idx.msk [tilespmem:v46+s11+$0x0], $0xffff  }
0x306: {  	s29 =	sadd.s32 $0x89, s0;
	v31 =	vand.u32 $0xFFFFFFFE, v31;
	v28 =	vld.idx.msk [tilespmem:v28+s11+$0x0], $0xffff  }
0x307: {  	v16 =	vmovc v25;
	s28 =	sadd.s32 $0x1000, s28;
	v13 =	vadd.f32 v26, v13;
	v12 =	vadd.f32 v14, v12;
	v14 =	vmov s29;
	v38 =	vld.idx.msk [tilespmem:v61+s11+$0x0], $0xffff  }
0x308: {  	v15 =	vmovc v24;
	[tilespmem:$0x1FCE0] =	vst v16;
	v31 =	vbroadcast v31, $0x0;
	v7 =	vadd.f32 v9, v7;
	v9 =	vld.idx.msk [tilespmem:v63+s11+$0x0], $0xffff;
	s29 =	sshra.s32 s28, $0x2;
	v14 =	vand.u32 $0xFFFFFFF9, v14  }
0x309: {  	s7 =	sadd.s32 $0x8A, s0;
	[tilespmem:$0x1FCD0] =	vst v15;
	v4 =	vadd.f32 v8, v4;
	v16 =	vld [tilespmem:s29+$0x7510];
	v14 =	vbroadcast v14, $0x0;
	v15 =	vmul.f32 v27, v5  }
0x30a: {  	v32 =	vmov s7;
	v1 =	vmul.f32 v13, v1;
	v6 =	vmul.f32 v7, v6;
	v7 =	vld [tilespmem:$0x1FD80]  }
0x30b: {  	v32 =	vand.u32 $0xFFFFFFFA, v32;
	v2 =	vmul.f32 v12, v2;
	v3 =	vmul.f32 v4, v3;
	v4 =	vld.idx.msk [tilespmem:v62+s11+$0x0], $0xffff;
	[tilespmem:s25+$0xF360] =	vst v15  }
0x30c: {  	s30 =	sadd.s32 $0x8C, s0;
	v32 =	vbroadcast v32, $0x0;
	[tilespmem:s25+$0xF3E0] =	vst v1;
	v62 =	vld.idx.msk [tilespmem:v20+s11+$0x0], $0xffff  }
0x30d: {  	v34 =	vmov s30;
	[tilespmem:s25+$0xF460] =	vst v2;
	v17 =	vld [tilespmem:s29+$0x7380]  }
0x30e: {  	v34 =	vand.u32 $0xFFFFFFFC, v34;
	v12 =	vmov v22;
	[tilespmem:s25+$0xF5E0] =	vst v3;
	v41 =	vld [tilespmem:s29+$0x7400]  }
0x30f: {  	s1 =	sadd.s32 $0x88, s0;
	v25 =	vbroadcast v34, $0x0;
	v5 =	vmov v45;
	[tilespmem:$0x1FD80] =	vst v12;
	v12 =	vunpack.i.u.bf16.f32 v30;
	v51 =	vld [tilespmem:s29+$0x7580]  }
0x310: {  	s16 =	sadd.s32 $0x8B, s0;
	s31 =	sadd.s32 $0x8D, s0;
	s0 =	sadd.s32 $0x8F, s0;
	v26 =	vmov s1;
	[tilespmem:$0x1FC00] =	vst v5;
	v13 =	vunpack.i.u.bf16.f32 v29;
	v24 =	vld.idx.msk [tilespmem:v31+s10+$0x0], $0xffff;
	v12 =	vadd.f32 v28, v12  }
0x311: {  	v39 =	vmov s0;
	v26 =	vand.u32 $0xFFFFFFF8, v26;
	[tilespmem:$0x1FBF0] =	vst v13;
	v14 =	vld.idx.msk [tilespmem:v14+s10+$0x0], $0xffff  }
0x312: {  	v26 =	vbroadcast v26, $0x0;
	v13 =	vunpack.i.u.bf16.f32 v11;
	v11 =	vunpack.i.l.bf16.f32 v11;
	[tilespmem:$0x1FC10] =	vst v12;
	v12 =	vld.idx.msk [tilespmem:v32+s10+$0x0], $0xffff  }
0x313: {  	v1 =	vunpack.i.u.bf16.f32 v10;
	[tilespmem:$0x1FC60] =	vst v11;
	v7 =	vld.idx.msk [tilespmem:v7+s11+$0x0], $0xffff  }
0x314: {  	v33 =	vmov s16;
	v8 =	vunpack.i.u.bf16.f32 v0;
	v3 =	vmovc v1;
	v4 =	vadd.f32 v4, v48;
	[tilespmem:s25+$0xF4E0] =	vst v6;
	v6 =	vld [tilespmem:$0x1FD90]  }
0x315: {  	v36 =	vmov s31;
	v2 =	vunpack.i.u.bf16.f32 v37;
	v8 =	vadd.f32 v23, v8;
	[tilespmem:$0x1FD90] =	vst v3;
	v3 =	vld.idx.msk [tilespmem:v25+s10+$0x0], $0xffff  }
0x316: {  	v33 =	vand.u32 $0xFFFFFFFB, v33;
	v36 =	vand.u32 $0xFFFFFFFD, v36;
	v0 =	vunpack.i.l.bf16.f32 v0;
	v1 =	vmovc v2;
	[tilespmem:$0x1FCA0] =	vst v4;
	v4 =	vld.idx.msk [tilespmem:v39+s10+$0x0], $0xffff  }
0x317: {  	v61 =	vbroadcast v36, $0x0;
	v10 =	vunpack.i.l.bf16.f32 v10;
	v11 =	vld [tilespmem:s29+$0x7500];
	[tilespmem:$0x1FD00] =	vst v1;
	v1 =	vmul.f32 v8, v0  }
0x318: {  	v33 =	vbroadcast v33, $0x0;
	[tilespmem:$0x1FC50] =	vst v10;
	v10 =	vunpack.i.l.bf16.f32 v35;
	v5 =	vld.idx.msk [tilespmem:v26+s10+$0x0], $0xffff  }
0x319: {  	[tilespmem:s25+$0xF270] =	vst v1;
	v26 =	vshll.u32 v24, $0x7;
	v60 =	vld [tilespmem:s29+$0x7480];
	v22 =	vshll.u32 v14, $0x7;
	v20 =	vshll.u32 v12, $0x7  }
0x31a: {  	[tilespmem:$0x1FCB0] =	vst v10;
	v12 =	vld [tilespmem:s29+$0x7200];
	v10 =	vor.u32 v53, v22;
	v6 =	vadd.f32 v38, v6;
	v24 =	vshll.u32 v3, $0x7  }
0x31b: {  	v14 =	vld [tilespmem:s29+$0x7280];
	v7 =	vadd.f32 v7, v52;
	v3 =	vshll.u32 v4, $0x7;
	v32 =	vor.u32 v53, v24  }
0x31c: {  	v4 =	vld [tilespmem:$0x1FFE0];
	v40 =	vor.u32 v53, v3;
	[tilespmem:$0x1FC20] =	vst v6;
	v6 =	vadd.f32 v9, v47  }
0x31d: {  	v21 =	vunpack.i.u.bf16.f32 v35;
	v9 =	vor.u32 v53, v26;
	[tilespmem:$0x1FC80] =	vst v7;
	v7 =	vld.idx.msk [tilespmem:v61+s10+$0x0], $0xffff  }
0x31e: {  	v47 =	vmov v13;
	v13 =	vmov v21;
	[tilespmem:$0x1FC30] =	vst v6;
	v6 =	vld.idx.msk [tilespmem:v33+s10+$0x0], $0xffff  }
0x31f: {  	v21 =	vshll.u32 v5, $0x7;
	[tilespmem:$0x1FC70] =	vst v13;
	v13 =	vor.u32 v53, v20;
	v54 =	vld.idx.msk [tilespmem:v10+s11+$0x0], $0xffff  }
0x320: {  	v8 =	vor.u32 v53, v21;
	v32 =	vld.idx.msk [tilespmem:v32+s11+$0x0], $0xffff  }
0x321: {  	v40 =	vld.idx.msk [tilespmem:v40+s11+$0x0], $0xffff  }
0x322: {  	v9 =	vld.idx.msk [tilespmem:v9+s11+$0x0], $0xffff;
	v2 =	vshll.u32 v7, $0x7  }
0x323: {  	v0 =	vunpack.i.l.bf16.f32 v37;
	v7 =	vld [tilespmem:s29+$0x7300];
	v37 =	vor.u32 v53, v2  }
0x324: {  	[tilespmem:$0x1FC90] =	vst v55;
	v55 =	vmovc v49;
	v49 =	vunpack.i.l.bf16.f32 v30;
	v19 =	vunpack.i.u.bf16.f32 v51;
	v63 =	vunpack.i.u.bf16.f32 v14;
	v18 =	vld.idx.msk [tilespmem:v13+s11+$0x0], $0xffff  }
0x325: {  	v25 =	vor.u32 v59, v22;
	v8 =	vld.idx.msk [tilespmem:v8+s11+$0x0], $0xffff;
	v1 =	vshll.u32 v6, $0x7;
	v48 =	vadd.f32 v54, v63  }
0x326: {  	v51 =	vunpack.i.l.bf16.f32 v51;
	v52 =	vunpack.i.l.bf16.f32 v14;
	v54 =	vld [tilespmem:s29+$0x7210];
	v31 =	vor.u32 v53, v1  }
0x327: {  	v42 =	vunpack.i.u.bf16.f32 v11;
	v11 =	vunpack.i.l.bf16.f32 v11;
	v48 =	vmul.f32 v48, v52;
	v52 =	vld [tilespmem:s29+$0x7290]  }
0x328: {  	v23 =	vor.u32 v59, v3;
	v19 =	vadd.f32 v40, v19;
	v53 =	vunpack.i.u.bf16.f32 v7;
	v37 =	vld.idx.msk [tilespmem:v37+s11+$0x0], $0xffff  }
0x329: {  	v61 =	vor.u32 v59, v26;
	v9 =	vadd.f32 v9, v42;
	v18 =	vadd.f32 v18, v53;
	[tilespmem:s29+$0xF280] =	vst v48;
	v53 =	vld [tilespmem:s29+$0x7310]  }
0x32a: {  	[tilespmem:$0x1FCC0] =	vst v0;
	v0 =	vor.u32 v59, v21;
	v44 =	vunpack.i.u.bf16.f32 v12;
	v19 =	vmul.f32 v19, v51;
	v25 =	vld.idx.msk [tilespmem:v25+s11+$0x0], $0xffff  }
0x32b: {  	[tilespmem:$0x1FC40] =	vst v50;
	v58 =	vunpack.i.l.bf16.f32 v7;
	v44 =	vadd.f32 v8, v44;
	v9 =	vmul.f32 v9, v11;
	v31 =	vld.idx.msk [tilespmem:v31+s11+$0x0], $0xffff  }
0x32c: {  	v28 =	vor.u32 v59, v20;
	v46 =	vunpack.i.l.bf16.f32 v12;
	v18 =	vmul.f32 v18, v58;
	v58 =	vld [tilespmem:s29+$0x7390];
	[tilespmem:s29+$0xF580] =	vst v19  }
0x32d: {  	v50 =	vunpack.i.l.bf16.f32 v29;
	v15 =	vunpack.i.u.bf16.f32 v41;
	v44 =	vmul.f32 v44, v46;
	[tilespmem:s29+$0xF500] =	vst v9;
	v9 =	vld [tilespmem:$0x1FFB0]  }
0x32e: {  	v39 =	vunpack.i.l.bf16.f32 v17;
	v30 =	vor.u32 v59, v24;
	v32 =	vadd.f32 v32, v15;
	v23 =	vld.idx.msk [tilespmem:v23+s11+$0x0], $0xffff  }
0x32f: {  	v41 =	vunpack.i.l.bf16.f32 v41;
	v27 =	vor.u32 v59, v2;
	v29 =	vor.u32 v59, v1;
	v42 =	vld.idx.msk [tilespmem:v61+s11+$0x0], $0xffff;
	[tilespmem:s29+$0xF200] =	vst v44  }
0x330: {  	v59 =	vunpack.i.u.bf16.f32 v17;
	v17 =	vunpack.i.u.bf16.f32 v60;
	[tilespmem:s29+$0xF300] =	vst v18;
	v18 =	vmul.f32 v32, v41;
	v0 =	vld.idx.msk [tilespmem:v0+s11+$0x0], $0xffff  }
0x331: {  	v36 =	vor.u32 v57, v22;
	v45 =	vunpack.i.l.bf16.f32 v60;
	v17 =	vadd.f32 v37, v17;
	v28 =	vld.idx.msk [tilespmem:v28+s11+$0x0], $0xffff  }
0x332: {  	v33 =	vor.u32 v4, v21;
	v34 =	vor.u32 v4, v22;
	[tilespmem:s29+$0xF400] =	vst v18;
	v18 =	vld [tilespmem:s29+$0x7490];
	v31 =	vadd.f32 v31, v59  }
0x333: {  	v35 =	vor.u32 v4, v20;
	v40 =	vunpack.i.u.bf16.f32 v52;
	v17 =	vmul.f32 v17, v45;
	v30 =	vld.idx.msk [tilespmem:v30+s11+$0x0], $0xffff  }
0x334: {  	v12 =	vor.u32 v4, v24;
	v25 =	vadd.f32 v25, v40;
	v31 =	vmul.f32 v31, v39;
	v39 =	vld [tilespmem:s29+$0x7520]  }
0x335: {  	v46 =	vunpack.i.u.bf16.f32 v16;
	v52 =	vunpack.i.l.bf16.f32 v52;
	v41 =	vunpack.i.u.bf16.f32 v53;
	[tilespmem:s29+$0xF480] =	vst v17;
	v17 =	vld [tilespmem:$0x1FFC0]  }
0x336: {  	v25 =	vmul.f32 v25, v52;
	v42 =	vadd.f32 v42, v46;
	v46 =	vor.u32 v4, v26;
	v27 =	vld.idx.msk [tilespmem:v27+s11+$0x0], $0xffff  }
0x337: {  	v14 =	vor.u32 v4, v2;
	v16 =	vunpack.i.l.bf16.f32 v16;
	v28 =	vadd.f32 v28, v41;
	v41 =	vld [tilespmem:s29+$0x7220]  }
0x338: {  	v13 =	vor.u32 v4, v3;
	v10 =	vor.u32 v4, v1;
	[tilespmem:s29+$0xF290] =	vst v25;
	v25 =	vld [tilespmem:s29+$0x7320];
	v42 =	vmul.f32 v42, v16  }
0x339: {  	v43 =	vor.u32 v57, v1;
	v60 =	vor.u32 v57, v2;
	v61 =	vor.u32 v57, v3;
	[tilespmem:s29+$0xF380] =	vst v31;
	v31 =	vld [tilespmem:s29+$0x7410]  }
0x33a: {  	v37 =	vunpack.i.l.bf16.f32 v54;
	v51 =	vunpack.i.l.bf16.f32 v53;
	v53 =	vunpack.i.u.bf16.f32 v58;
	v29 =	vld.idx.msk [tilespmem:v29+s11+$0x0], $0xffff;
	[tilespmem:s29+$0xF510] =	vst v42  }
0x33b: {  	v45 =	vunpack.i.l.bf16.f32 v58;
	v48 =	vor.u32 v9, v22;
	v42 =	vunpack.i.u.bf16.f32 v54;
	v32 =	vld.idx.msk [tilespmem:v46+s11+$0x0], $0xffff  }
0x33c: {  	v28 =	vmul.f32 v28, v51;
	v46 =	vld [tilespmem:s29+$0x7590];
	v0 =	vadd.f32 v0, v42;
	v42 =	vor.u32 v17, v24  }
0x33d: {  	v44 =	vor.u32 v9, v20;
	v15 =	vor.u32 v9, v24;
	v5 =	vunpack.i.u.bf16.f32 v18;
	[tilespmem:$0x1FD30] =	vst v42;
	v42 =	vld [tilespmem:s29+$0x7530]  }
0x33e: {  	v4 =	vor.u32 v9, v21;
	[tilespmem:s29+$0xF310] =	vst v28;
	v5 =	vadd.f32 v27, v5;
	v27 =	vld [tilespmem:s29+$0x73A0];
	v0 =	vmul.f32 v0, v37  }
0x33f: {  	[tilespmem:$0x1FCF0] =	vst v4;
	v6 =	vunpack.i.l.bf16.f32 v18;
	v19 =	vunpack.i.u.bf16.f32 v39;
	v35 =	vld.idx.msk [tilespmem:v35+s11+$0x0], $0xffff;
	v53 =	vadd.f32 v29, v53  }
0x340: {  	v4 =	vor.u32 v17, v21;
	[tilespmem:s29+$0xF210] =	vst v0;
	v0 =	vld [tilespmem:s29+$0x72A0];
	v19 =	vadd.f32 v32, v19;
	v32 =	vor.u32 v57, v26  }
0x341: {  	v39 =	vunpack.i.l.bf16.f32 v39;
	v7 =	vunpack.i.u.bf16.f32 v46;
	v45 =	vmul.f32 v53, v45;
	v33 =	vld.idx.msk [tilespmem:v33+s11+$0x0], $0xffff  }
0x342: {  	[tilespmem:$0x1FD10] =	vst v4;
	v4 =	vunpack.i.u.bf16.f32 v31;
	v7 =	vadd.f32 v23, v7;
	v18 =	vmul.f32 v19, v39;
	v39 =	vld [tilespmem:$0x1FFD0]  }
0x343: {  	v58 =	vor.u32 v9, v2;
	v30 =	vadd.f32 v30, v4;
	v8 =	vunpack.i.l.bf16.f32 v46;
	[tilespmem:s29+$0xF390] =	vst v45;
	v45 =	vld [tilespmem:s29+$0x7420]  }
0x344: {  	v31 =	vunpack.i.l.bf16.f32 v31;
	v46 =	vor.u32 v17, v1;
	v7 =	vmul.f32 v7, v8;
	v10 =	vld.idx.msk [tilespmem:v10+s11+$0x0], $0xffff;
	[tilespmem:s29+$0xF520] =	vst v18  }
0x345: {  	v59 =	vor.u32 v9, v3;
	v28 =	vmul.f32 v30, v31;
	[tilespmem:$0x1FD20] =	vst v46;
	v32 =	vld.idx.msk [tilespmem:v32+s11+$0x0], $0xffff  }
0x346: {  	v16 =	vor.u32 v9, v1;
	v54 =	vor.u32 v17, v22;
	[tilespmem:s29+$0xF590] =	vst v7;
	v7 =	vld.idx.msk [tilespmem:v34+s11+$0x0], $0xffff  }
0x347: {  	v5 =	vmul.f32 v5, v6;
	v46 =	vor.u32 v17, v3;
	v31 =	vunpack.i.u.bf16.f32 v42;
	[tilespmem:s29+$0xF410] =	vst v28;
	v28 =	vld [tilespmem:s29+$0x74A0]  }
0x348: {  	v42 =	vunpack.i.l.bf16.f32 v42;
	v8 =	vunpack.i.u.bf16.f32 v27;
	v12 =	vld.idx.msk [tilespmem:v12+s11+$0x0], $0xffff;
	v40 =	vor.u32 v39, v22  }
0x349: {  	v18 =	vor.u32 v17, v2;
	v53 =	vunpack.i.u.bf16.f32 v0;
	v0 =	vunpack.i.l.bf16.f32 v0;
	[tilespmem:$0x1FD60] =	vst v40;
	v40 =	vld [tilespmem:$0x1FFA0]  }
0x34a: {  	v13 =	vld.idx.msk [tilespmem:v13+s11+$0x0], $0xffff;
	v4 =	vor.u32 v39, v1;
	v51 =	vunpack.i.u.bf16.f32 v45;
	v6 =	vadd.f32 v32, v31  }
0x34b: {  	v30 =	vor.u32 v39, v2;
	v8 =	vadd.f32 v10, v8;
	v10 =	vld [tilespmem:$0x1FC20];
	v7 =	vadd.f32 v7, v53  }
0x34c: {  	[tilespmem:s29+$0xF490] =	vst v5;
	v23 =	vunpack.i.u.bf16.f32 v28;
	v31 =	vor.u32 v9, v26;
	v5 =	vmul.f32 v6, v42;
	v6 =	vld [tilespmem:s29+$0x75A0]  }
0x34d: {  	v52 =	vunpack.i.l.bf16.f32 v28;
	v34 =	vor.u32 v39, v3;
	v0 =	vmul.f32 v7, v0;
	v7 =	vld [tilespmem:s29+$0x7330]  }
0x34e: {  	[tilespmem:$0x1FD70] =	vst v4;
	v4 =	vunpack.i.l.bf16.f32 v25;
	v28 =	vor.u32 v40, v22;
	v22 =	vor.u32 v40, v2;
	v2 =	vld.idx.msk [tilespmem:v14+s11+$0x0], $0xffff  }
0x34f: {  	v32 =	vunpack.i.u.bf16.f32 v41;
	v9 =	vunpack.i.l.bf16.f32 v45;
	v45 =	vor.u32 v40, v3;
	v3 =	vld [tilespmem:$0x1FBF0]  }
0x350: {  	v42 =	vunpack.i.u.bf16.f32 v25;
	v25 =	vor.u32 v40, v1;
	v1 =	vadd.f32 v33, v32;
	[tilespmem:s29+$0xF530] =	vst v5;
	v5 =	vld [tilespmem:s29+$0x7540]  }
0x351: {  	v12 =	vadd.f32 v12, v51;
	v41 =	vunpack.i.l.bf16.f32 v41;
	v31 =	vld.idx.msk [tilespmem:v31+s11+$0x0], $0xffff  }
0x352: {  	v1 =	vmul.f32 v1, v41;
	v41 =	vld [tilespmem:$0x1FC10]  }
0x353: {  	[tilespmem:$0x1FD40] =	vst v46;
	v46 =	vor.u32 v39, v21;
	v9 =	vmul.f32 v12, v9;
	v32 =	vld [tilespmem:s29+$0x7230]  }
0x354: {  	v11 =	vor.u32 v57, v21;
	v19 =	vor.u32 v17, v20;
	[tilespmem:$0x1FD50] =	vst v46;
	v33 =	vld [tilespmem:$0x1FC40]  }
0x355: {  	v46 =	vor.u32 v40, v21;
	v35 =	vadd.f32 v35, v42;
	[tilespmem:s29+$0xF420] =	vst v9;
	v9 =	vld [tilespmem:s29+$0x74B0];
	v21 =	vunpack.i.u.bf16.f32 v6  }
0x356: {  	v42 =	vld [tilespmem:$0x1FCB0];
	v6 =	vunpack.i.l.bf16.f32 v6;
	v12 =	vadd.f32 v13, v21;
	v14 =	vunpack.i.u.bf16.f32 v5  }
0x357: {  	[tilespmem:s29+$0xF220] =	vst v1;
	v1 =	vld [tilespmem:s29+$0x72B0];
	v14 =	vadd.f32 v31, v14;
	v31 =	vor.u32 v17, v26;
	v17 =	vmul.f32 v41, v49  }
0x358: {  	v5 =	vunpack.i.l.bf16.f32 v5;
	v6 =	vmul.f32 v12, v6;
	v12 =	vld [tilespmem:$0x1FC80]  }
0x359: {  	v5 =	vmul.f32 v14, v5;
	[tilespmem:s25+$0xF2F0] =	vst v17;
	v14 =	vld [tilespmem:$0x1FC30]  }
0x35a: {  	v38 =	vor.u32 v57, v20;
	[tilespmem:s29+$0xF5A0] =	vst v6;
	v6 =	vld [tilespmem:$0x1FCC0]  }
0x35b: {  	v27 =	vunpack.i.l.bf16.f32 v27;
	v4 =	vmul.f32 v35, v4;
	v2 =	vadd.f32 v2, v23;
	[tilespmem:s29+$0xF540] =	vst v5;
	v5 =	vld [tilespmem:s29+$0x7550]  }
0x35c: {  	v3 =	vadd.f32 v62, v3;
	[tilespmem:s29+$0xF2A0] =	vst v0;
	v0 =	vmul.f32 v8, v27;
	v8 =	vld.idx.msk [tilespmem:v31+s11+$0x0], $0xffff  }
0x35d: {  	v11 =	vld.idx.msk [tilespmem:v11+s11+$0x0], $0xffff;
	v2 =	vmul.f32 v2, v52  }
0x35e: {  	v63 =	vor.u32 v57, v24;
	[tilespmem:s29+$0xF320] =	vst v4;
	v3 =	vmul.f32 v3, v50;
	v41 =	vld [tilespmem:$0x1FC90]  }
0x35f: {  	v10 =	vmul.f32 v10, v55;
	[tilespmem:s29+$0xF4A0] =	vst v2;
	v55 =	vmov v6;
	v6 =	vld.idx.msk [tilespmem:v36+s11+$0x0], $0xffff  }
0x360: {  	[tilespmem:s25+$0xF370] =	vst v3;
	v31 =	vld [tilespmem:$0x1FCA0];
	v14 =	vmul.f32 v14, v33;
	v51 =	vunpack.i.u.bf16.f32 v5  }
0x361: {  	v3 =	vld.idx.msk [tilespmem:v38+s11+$0x0], $0xffff;
	[tilespmem:s29+$0xF3A0] =	vst v0;
	v12 =	vmul.f32 v12, v56;
	v8 =	vadd.f32 v8, v51  }
0x362: {  	v0 =	vld [tilespmem:s29+$0x7430];
	v5 =	vunpack.i.l.bf16.f32 v5;
	[tilespmem:s24+$0xF470] =	vst v14  }
0x363: {  	v21 =	vunpack.i.u.bf16.f32 v1;
	[tilespmem:s24+$0xF4F0] =	vst v12;
	v5 =	vmul.f32 v8, v5;
	v8 =	vld.idx.msk [tilespmem:v63+s11+$0x0], $0xffff  }
0x364: {  	v6 =	vadd.f32 v6, v21;
	v21 =	vld.idx.msk [tilespmem:v60+s11+$0x0], $0xffff  }
0x365: {  	v13 =	vld [tilespmem:$0x1FC60];
	v31 =	vmul.f32 v31, v41;
	v41 =	vor.u32 v39, v26  }
0x366: {  	v4 =	vld [tilespmem:s29+$0x73B0];
	v27 =	vunpack.i.u.bf16.f32 v7;
	[tilespmem:s24+$0xF3F0] =	vst v10  }
0x367: {  	v23 =	vunpack.i.u.bf16.f32 v32;
	v7 =	vunpack.i.l.bf16.f32 v7;
	v10 =	vld.idx.msk [tilespmem:v43+s11+$0x0], $0xffff;
	v3 =	vadd.f32 v3, v27  }
0x368: {  	v2 =	vld [tilespmem:s29+$0x75B0];
	v11 =	vadd.f32 v11, v23;
	v56 =	vmovc v42;
	v43 =	vunpack.i.u.bf16.f32 v9;
	v42 =	vunpack.i.u.bf16.f32 v0  }
0x369: {  	v3 =	vmul.f32 v3, v7;
	[tilespmem:s29+$0xF550] =	vst v5;
	v5 =	vld [tilespmem:s29+$0x7560];
	v7 =	vadd.f32 v8, v42;
	v8 =	vadd.f32 v21, v43  }
0x36a: {  	v1 =	vunpack.i.l.bf16.f32 v1;
	v50 =	vmovc v13;
	v13 =	vunpack.i.l.bf16.f32 v32;
	v9 =	vunpack.i.l.bf16.f32 v9;
	[tilespmem:s24+$0xF5F0] =	vst v31;
	v12 =	vld.idx.msk [tilespmem:v41+s11+$0x0], $0xffff  }
0x36b: {  	v17 =	vunpack.i.u.bf16.f32 v4;
	v11 =	vmul.f32 v11, v13;
	s24 =	smov.u32 s25;
	s25 =	smov.u32 s29;
	v13 =	vld.idx.msk [tilespmem:v61+s11+$0x0], $0xffff;
	v8 =	vmul.f32 v8, v9  }
0x36c: {  	v23 =	vld [tilespmem:s25+$0x7240];
	v1 =	vmul.f32 v6, v1;
	v6 =	vadd.f32 v10, v17  }
0x36d: {  	v4 =	vunpack.i.l.bf16.f32 v4;
	[tilespmem:s25+$0xF4B0] =	vst v8;
	v8 =	vld [tilespmem:$0x1FCF0]  }
0x36e: {  	v0 =	vunpack.i.l.bf16.f32 v0;
	[tilespmem:s25+$0xF330] =	vst v3;
	v3 =	vld [tilespmem:s25+$0x73C0];
	v4 =	vmul.f32 v6, v4;
	v6 =	vunpack.i.u.bf16.f32 v5  }
0x36f: {  	v10 =	vld [tilespmem:s25+$0x72C0];
	v0 =	vmul.f32 v7, v0;
	v7 =	vor.u32 v40, v26;
	v6 =	vadd.f32 v12, v6  }
0x370: {  	[tilespmem:s25+$0xF2B0] =	vst v1;
	v1 =	vld [tilespmem:s25+$0x7340];
	v5 =	vunpack.i.l.bf16.f32 v5  }
0x371: {  	[tilespmem:s25+$0xF3B0] =	vst v4;
	v4 =	vld [tilespmem:s25+$0x7440];
	v5 =	vmul.f32 v6, v5  }
0x372: {  	v9 =	vld [tilespmem:s25+$0x75C0]  }
0x373: {  	v14 =	vunpack.i.u.bf16.f32 v2;
	[tilespmem:s25+$0xF560] =	vst v5;
	v5 =	vld [tilespmem:s25+$0x7570]  }
0x374: {  	[tilespmem:s25+$0xF230] =	vst v11;
	v6 =	vadd.f32 v13, v14;
	v7 =	vld.idx.msk [tilespmem:v7+s11+$0x0], $0xffff  }
0x375: {  	v2 =	vunpack.i.l.bf16.f32 v2;
	v8 =	vld.idx.msk [tilespmem:v8+s11+$0x0], $0xffff  }
0x376: {  	v26 =	vld.idx.msk [tilespmem:v44+s11+$0x0], $0xffff;
	v2 =	vmul.f32 v6, v2  }
0x377: {  	v16 =	vld.idx.msk [tilespmem:v16+s11+$0x0], $0xffff;
	[tilespmem:s25+$0xF430] =	vst v0  }
0x378: {  	v11 =	vunpack.i.u.bf16.f32 v23;
	v12 =	vunpack.i.l.bf16.f32 v23;
	[tilespmem:s25+$0xF5B0] =	vst v2;
	v2 =	vld.idx.msk [tilespmem:v48+s11+$0x0], $0xffff  }
0x379: {  	v13 =	vunpack.i.u.bf16.f32 v10;
	v10 =	vunpack.i.l.bf16.f32 v10;
	v15 =	vld.idx.msk [tilespmem:v15+s11+$0x0], $0xffff;
	v31 =	vunpack.i.u.bf16.f32 v5  }
0x37a: {  	v0 =	vld [tilespmem:s25+$0x74C0];
	v14 =	vunpack.i.u.bf16.f32 v1;
	v7 =	vadd.f32 v7, v31;
	v8 =	vadd.f32 v8, v11  }
0x37b: {  	v1 =	vunpack.i.l.bf16.f32 v1;
	v21 =	vunpack.i.u.bf16.f32 v4;
	v5 =	vunpack.i.l.bf16.f32 v5;
	v11 =	vld.idx.msk [tilespmem:v59+s11+$0x0], $0xffff  }
0x37c: {  	v51 =	vld.idx.msk [tilespmem:v58+s11+$0x0], $0xffff;
	v5 =	vmul.f32 v7, v5;
	v7 =	vmul.f32 v8, v12;
	v12 =	vadd.f32 v26, v14  }
0x37d: {  	v4 =	vunpack.i.l.bf16.f32 v4;
	v6 =	vunpack.i.u.bf16.f32 v3;
	v2 =	vadd.f32 v2, v13  }
0x37e: {  	v3 =	vunpack.i.l.bf16.f32 v3;
	[tilespmem:s25+$0xF240] =	vst v7;
	v1 =	vmul.f32 v12, v1;
	v7 =	vadd.f32 v15, v21  }
0x37f: {  	v27 =	vunpack.i.u.bf16.f32 v9;
	v6 =	vadd.f32 v16, v6;
	v2 =	vmul.f32 v2, v10  }
0x380: {  	v23 =	vunpack.i.u.bf16.f32 v0;
	[tilespmem:s25+$0xF340] =	vst v1;
	v1 =	vmul.f32 v7, v4;
	v7 =	vadd.f32 v11, v27  }
0x381: {  	v35 =	vld [tilespmem:$0x1FC50];
	v9 =	vunpack.i.l.bf16.f32 v9;
	[tilespmem:s25+$0xF2C0] =	vst v2;
	v2 =	vmul.f32 v6, v3;
	v6 =	vadd.f32 v51, v23  }
0x382: {  	v62 =	vld [tilespmem:$0x1FC00];
	v0 =	vunpack.i.l.bf16.f32 v0;
	[tilespmem:s25+$0xF440] =	vst v1;
	v1 =	vmul.f32 v7, v9  }
0x383: {  	v0 =	vmul.f32 v6, v0;
	v6 =	vld [tilespmem:$0x1FD10]  }
0x384: {  	[tilespmem:s25+$0xF5C0] =	vst v1;
	v1 =	vld [tilespmem:$0x1FD20]  }
0x385: {  	v52 =	vld [tilespmem:$0x1FC70]  }
0x386: {  	v63 =	vld [tilespmem:$0x1FCD0]  }
0x387: {  	v61 =	vld [tilespmem:$0x1FCE0]  }
0x388: {  	v31 =	vld [tilespmem:s25+$0x7250]  }
0x389: {  	v10 =	vld [tilespmem:s25+$0x7350]  }
0x38a: {  	[tilespmem:s25+$0xF570] =	vst v5;
	v5 =	vld [tilespmem:s25+$0x73D0]  }
0x38b: {  	[tilespmem:s25+$0xF3C0] =	vst v2;
	v6 =	vld.idx.msk [tilespmem:v6+s11+$0x0], $0xffff  }
0x38c: {  	v1 =	vld.idx.msk [tilespmem:v1+s11+$0x0], $0xffff  }
0x38d: {  	v58 =	vld [tilespmem:$0x1FD30]  }
0x38e: {  	v48 =	vld [tilespmem:$0x1FD00]  }
0x38f: {  	v59 =	vld [tilespmem:$0x1FF90];
	v12 =	vunpack.i.u.bf16.f32 v31  }
0x390: {  	v3 =	vld [tilespmem:s25+$0x7450];
	v14 =	vunpack.i.u.bf16.f32 v10;
	v9 =	vunpack.i.l.bf16.f32 v10;
	v10 =	vunpack.i.u.bf16.f32 v5  }
0x391: {  	v6 =	vadd.f32 v6, v12;
	v12 =	vld [tilespmem:$0x1FD40];
	v1 =	vadd.f32 v1, v10  }
0x392: {  	v8 =	vld [tilespmem:s25+$0x72D0];
	v5 =	vunpack.i.l.bf16.f32 v5  }
0x393: {  	[tilespmem:s25+$0xF4C0] =	vst v0;
	v0 =	vld.idx.msk [tilespmem:v19+s11+$0x0], $0xffff;
	v1 =	vmul.f32 v1, v5  }
0x394: {  	v7 =	vld.idx.msk [tilespmem:v54+s11+$0x0], $0xffff  }
0x395: {  	[tilespmem:s25+$0xF3D0] =	vst v1;
	v1 =	vld [tilespmem:$0x1FD50]  }
0x396: {  	v23 =	vld [tilespmem:s25+$0x7260]  }
0x397: {  	v19 =	vld.idx.msk [tilespmem:v58+s11+$0x0], $0xffff  }
0x398: {  	v2 =	vld [tilespmem:s25+$0x75D0]  }
0x399: {  	v11 =	vunpack.i.l.bf16.f32 v31;
	v13 =	vunpack.i.u.bf16.f32 v8;
	v12 =	vld.idx.msk [tilespmem:v12+s11+$0x0], $0xffff  }
0x39a: {  	v4 =	vld [tilespmem:s25+$0x74D0];
	v0 =	vadd.f32 v0, v14;
	v7 =	vadd.f32 v7, v13;
	v6 =	vmul.f32 v6, v11  }
0x39b: {  	v15 =	vunpack.i.u.bf16.f32 v3;
	v18 =	vld.idx.msk [tilespmem:v18+s11+$0x0], $0xffff;
	v8 =	vunpack.i.l.bf16.f32 v8  }
0x39c: {  	v0 =	vmul.f32 v0, v9;
	v9 =	vadd.f32 v19, v15;
	v7 =	vmul.f32 v7, v8;
	v8 =	vld [tilespmem:s25+$0x7360];
	[tilespmem:s25+$0xF250] =	vst v6  }
0x39d: {  	v3 =	vunpack.i.l.bf16.f32 v3;
	v21 =	vunpack.i.u.bf16.f32 v2;
	v19 =	vld.idx.msk [tilespmem:v1+s11+$0x0], $0xffff  }
0x39e: {  	[tilespmem:s25+$0xF350] =	vst v0;
	v0 =	vmul.f32 v9, v3;
	v9 =	vadd.f32 v12, v21;
	v1 =	vld [tilespmem:$0x1FD60]  }
0x39f: {  	v2 =	vunpack.i.l.bf16.f32 v2;
	v3 =	vld [tilespmem:s25+$0x74E0];
	[tilespmem:s25+$0xF2D0] =	vst v7  }
0x3a0: {  	v29 =	vor.u32 v39, v20;
	v7 =	vld [tilespmem:s25+$0x7460];
	[tilespmem:s25+$0xF450] =	vst v0;
	v0 =	vmul.f32 v9, v2  }
0x3a1: {  	v11 =	vld [tilespmem:s25+$0x72E0]  }
0x3a2: {  	v37 =	vor.u32 v39, v24;
	v54 =	vunpack.i.u.bf16.f32 v4;
	[tilespmem:s25+$0xF5D0] =	vst v0;
	v0 =	vld [tilespmem:$0x1FD70]  }
0x3a3: {  	v6 =	vld [tilespmem:s25+$0x73E0];
	v5 =	vadd.f32 v18, v54  }
0x3a4: {  	v4 =	vunpack.i.l.bf16.f32 v4;
	v18 =	vld [tilespmem:s25+$0x75E0]  }
0x3a5: {  	s26 =	sadd.s32 $0x8, s26;
	v53 =	vlaneseq.u32;
	v29 =	vld.idx.msk [tilespmem:v29+s11+$0x0], $0xffff;
	v4 =	vmul.f32 v5, v4  }
0x3a6: {  	p0 =	slt.u32 s26, $0x78;
	v20 =	vor.u32 v40, v20;
	v24 =	vor.u32 v40, v24;
	v15 =	vunpack.i.u.bf16.f32 v23;
	v21 =	vld.idx.msk [tilespmem:v1+s11+$0x0], $0xffff  }
.Ltmp1:
0x3a7: {  	v14 =	vld.idx.msk [tilespmem:v37+s11+$0x0], $0xffff;
	v27 =	vunpack.i.u.bf16.f32 v8;
	v10 =	vunpack.i.l.bf16.f32 v23;
	v60 =	vunpack.i.u.bf16.f32 v11;
	[tilespmem:s25+$0xF4D0] =	vst v4;
	(pc) =	sbr.rel @p0 .LBB2_5-.Ltmp1, $4  }
0x3a8: {  	v11 =	vunpack.i.l.bf16.f32 v11;
	v13 =	vunpack.i.u.bf16.f32 v6;
	v5 =	vunpack.i.l.bf16.f32 v8;
	v9 =	vld.idx.msk [tilespmem:v30+s11+$0x0], $0xffff  }
0x3a9: {  	v12 =	vunpack.i.u.bf16.f32 v7;
	v4 =	vunpack.i.u.bf16.f32 v18;
	v2 =	vunpack.i.l.bf16.f32 v7;
	v8 =	vld.idx.msk [tilespmem:v34+s11+$0x0], $0xffff  }
0x3aa: {  	v7 =	vunpack.i.u.bf16.f32 v3;
	v30 =	vadd.f32 v19, v15;
	v26 =	vld.idx.msk [tilespmem:v0+s11+$0x0], $0xffff;
	v1 =	vunpack.i.l.bf16.f32 v6  }
0x3ab: {  	v49 =	vmovc v35;
	v0 =	vld [tilespmem:s25+$0x7270];
	v6 =	vunpack.i.l.bf16.f32 v3;
	v3 =	vunpack.i.l.bf16.f32 v18;
	v31 =	vadd.f32 v21, v60  }
0x3ac: {  	v15 =	vld [tilespmem:s25+$0x72F0]  }
0x3ad: {  	v16 =	vld [tilespmem:s25+$0x7370]  }
0x3ae: {  	v18 =	vld [tilespmem:s25+$0x73F0]  }
0x3af: {  	v21 =	vld [tilespmem:s25+$0x7470]  }
0x3b0: {  	v10 =	vmul.f32 v30, v10;
	v19 =	vadd.f32 v29, v27;
	v23 =	vld [tilespmem:s25+$0x74F0]  }
0x3b1: {  	v61 =	vld.idx.msk [tilespmem:v61+s11+$0x0], $0xffff;
	v11 =	vmul.f32 v31, v11  }
0x3b2: {  	v63 =	vld.idx.msk [tilespmem:v63+s11+$0x0], $0xffff;
	[tilespmem:s25+$0xF260] =	vst v10;
	v5 =	vmul.f32 v19, v5  }
0x3b3: {  	v58 =	vadd.f32 v14, v12;
	v35 =	vld.idx.msk [tilespmem:v62+s11+$0x0], $0xffff;
	[tilespmem:s25+$0xF2E0] =	vst v11  }
0x3b4: {  	v54 =	vld.idx.msk [tilespmem:v46+s11+$0x0], $0xffff;
	v13 =	vadd.f32 v26, v13;
	[tilespmem:s25+$0xF360] =	vst v5  }
0x3b5: {  	v7 =	vadd.f32 v9, v7;
	v2 =	vmul.f32 v58, v2;
	v26 =	vld [tilespmem:$0x1FD80]  }
0x3b6: {  	v4 =	vadd.f32 v8, v4;
	v17 =	vld.idx.msk [tilespmem:v28+s11+$0x0], $0xffff;
	v1 =	vmul.f32 v13, v1  }
0x3b7: {  	v60 =	vld.idx.msk [tilespmem:v20+s11+$0x0], $0xffff;
	v20 =	vmul.f32 v7, v6;
	[tilespmem:s25+$0xF460] =	vst v2  }
0x3b8: {  	v10 =	vld [tilespmem:s25+$0x75F0];
	v19 =	vunpack.i.u.bf16.f32 v0;
	v3 =	vmul.f32 v4, v3;
	[tilespmem:s25+$0xF3E0] =	vst v1  }
0x3b9: {  	v36 =	vunpack.i.l.bf16.f32 v0;
	v32 =	vunpack.i.u.bf16.f32 v15;
	v8 =	vadd.f32 v63, v47;
	v42 =	vld.idx.msk [tilespmem:v24+s11+$0x0], $0xffff;
	[tilespmem:s25+$0xF4E0] =	vst v20  }
0x3ba: {  	v33 =	vunpack.i.u.bf16.f32 v16;
	v37 =	vunpack.i.l.bf16.f32 v15;
	v4 =	vadd.f32 v35, v48;
	v40 =	vld [tilespmem:$0x1FD90]  }
0x3bb: {  	v41 =	vunpack.i.l.bf16.f32 v16;
	v8 =	vmul.f32 v8, v50;
	v34 =	vadd.f32 v54, v19;
	v39 =	vld.idx.msk [tilespmem:v25+s11+$0x0], $0xffff;
	[tilespmem:s25+$0xF5E0] =	vst v3  }
0x3bc: {  	v43 =	vunpack.i.u.bf16.f32 v18;
	v4 =	vmul.f32 v4, v55;
	v7 =	vadd.f32 v17, v32;
	v51 =	vld.idx.msk [tilespmem:v45+s11+$0x0], $0xffff  }
0x3bd: {  	v47 =	vunpack.i.u.bf16.f32 v21;
	[tilespmem:s24+$0xF470] =	vst v8;
	v0 =	vmul.f32 v34, v36;
	v38 =	vadd.f32 v60, v33;
	v6 =	vld.idx.msk [tilespmem:v26+s11+$0x0], $0xffff  }
0x3be: {  	v63 =	vunpack.i.l.bf16.f32 v10;
	v46 =	vld.idx.msk [tilespmem:v22+s11+$0x0], $0xffff;
	[tilespmem:s24+$0xF5F0] =	vst v4;
	v2 =	vmul.f32 v7, v37;
	v3 =	vadd.f32 v42, v47  }
0x3bf: {  	[tilespmem:s25+$0xF270] =	vst v0;
	v44 =	vmul.f32 v38, v41;
	v9 =	vadd.f32 v61, v40;
	v61 =	vunpack.i.l.bf16.f32 v21  }
0x3c0: {  	v54 =	vunpack.i.u.bf16.f32 v10;
	[tilespmem:s25+$0xF2F0] =	vst v2;
	v58 =	vadd.f32 v39, v43;
	v3 =	vmul.f32 v3, v61  }
0x3c1: {  	v60 =	vunpack.i.l.bf16.f32 v18;
	[tilespmem:s25+$0xF370] =	vst v44;
	v0 =	vadd.f32 v51, v54;
	v49 =	vmul.f32 v9, v49  }
0x3c2: {  	v2 =	vmul.f32 v58, v60;
	[tilespmem:s25+$0xF470] =	vst v3;
	v6 =	vadd.f32 v6, v52;
	v52 =	vunpack.i.u.bf16.f32 v23  }
0x3c3: {  	v0 =	vmul.f32 v0, v63;
	[tilespmem:s24+$0xF3F0] =	vst v49;
	v1 =	vadd.f32 v46, v52  }
0x3c4: {  	v62 =	vunpack.i.l.bf16.f32 v23;
	[tilespmem:s25+$0xF3F0] =	vst v2;
	v6 =	vmul.f32 v6, v56  }
0x3c5: {  	[tilespmem:s25+$0xF5F0] =	vst v0;
	v1 =	vmul.f32 v1, v62  }
0x3c6: {  	s22 =	sadd.s32 $0x1, s22;
	[tilespmem:s24+$0xF4F0] =	vst v6  }
0x3c7: {  	p0 =	sne.s32 s22, $0x19;
	[tilespmem:s25+$0xF4F0] =	vst v1  }
.Ltmp2:
0x3c8: {  	v49 =	vld [tilespmem:$0x1FFE0];
	(pc) =	sbr.rel @p0 .LBB2_2-.Ltmp2, $4  }
0x3c9: {  	s0 =	sadd.s32 s3, s23;
	v47 =	vld [tilespmem:$0x1FFB0]  }
0x3ca: {  	s0 =	sshll.u32 s0, $0x4;
	v48 =	vld [tilespmem:$0x1FFC0]  }
0x3cb: {  	s21 =	sadd.s32 $0x100, s21;
	s0 =	sadd.s32 s2, s0;
	v51 =	vld [tilespmem:$0x1FFD0]  }
0x3cc: {  	v56 =	vmov v57;
	[hbm4b:s0+s4] =	stream.linear.scatter [tilespmem:s19], [sflag:$0x3], $0x4000, $0x38;
	v29 =	vld [tilespmem:$0x1FFA0]  }
0x3cd: {  	s20 =	sadd.s32 $0x1, s20  }
0x3ce: {  	_ =	swait.ge [sflag:s12], $0x4000;
	p0 =	sne.s32 s20, s9  }
.Ltmp3:
0x3cf: {  	[sflag:s12] =	ssyncset.done $0x0;
	(pc) =	sbr.rel @p0 .LBB2_1-.Ltmp3, $4  }
0x3d0: {  	[sflag:s12] =	ssyncadd.s32 $0xFFFFC000  }
0x3d1: {  	_ =	swait.ge [sflag:s13], $0x4000  }
0x3d2: {  	[sflag:s13] =	ssyncset.done $0x0  }
0x3d3: {  	[sflag:s13] =	ssyncadd.s32 $0xFFFFC000  }
0x3d4: {  	_ =	sfence.sel $0x180000  }
0x3d5: {  	[bflag:$0x0] =	sbarrier.arrive $0xFFFF  }
0x3d6: {  	_ =	strace $0x90000047  }
0x3d7: {  	s0 =	stileid.u32;
	[bflag:$0x2] =	sbarrier.arrive $0xFFFF  }
0x3d8: {  	p0 =	sne.s32 s0, $0x0;
	s0 =	rddreg [dreg:$0x2]  }
0x3d9: {  	s0 =	sadd.s32 @!p0 $0x100000, s0  }
0x3da: {  	[sflag:s0] =	ssyncadd.tile.s32 @!p0 $0x1;
	_ =	shalt  }
.Lfunc_end2:
_tile_overlayer_lowered:
.L_overlay_start_2:
0x3db: {  	(tag) =	ssettag $0x2  }
0x3dc: {  	s0 =	rddreg [dreg:$0x0];
	s2 =	stileid.u32  }
0x3dd: {  	s1 =	rddreg [dreg:$0x1];
	p0 =	sne.s32 s2, $0x0  }
0x3de: {  	s3 =	rddreg [dreg:$0x2];
	[bflag:$0x3] =	sbarrier.arrive $0xFFFF;
	s2 =	simm.s32 @!p0 $0x1C04  }
0x3df: {  	[timem:s3], [sflag:s2] =	dma.local @!p0 [hbm:s0], s1  }
0x3e0: {  	s0 =	simm.s32 @!p0 $0x4  }
0x3e1: {  	_ =	swait.ge @!p0 [sflag:s0], s1  }
0x3e2: {  	s1 =	ssub.s32 @!p0 $0x0, s1;
	[sflag:s0] =	ssyncset.done @!p0 $0x0  }
0x3e3: {  	[sflag:s0] =	ssyncadd.s32 @!p0 s1  }
0x3e4: {  	[bflag:$0x3] =	sbarrier.arrive $0xFFFF  }
0x3e5: {  	_ =	shalt  }

</sc_bundles>
